<compile_context>
chip_gen: v7x
topology: tpu7x:2x2x1
jax: 0.10.2.dev20260603
libtpu: 0.0.44.dev20260713+nightly
codegen_flags: <defaults>
</compile_context>

<pallas_src>
import functools

import jax
import jax.numpy as jnp
import numpy as np
from jax import lax
from jax.experimental import pallas as pl
from jax.experimental.pallas import tpu as pltpu
from jax.experimental.pallas import tpu_sc as plsc

N = 10000
E = 160000
D = 256
H = 8
DH = 32
L = 6
G = 64
AIN = 92
FC = 512
BINS = 256

_F32 = jnp.float32


def _ln_in(x, g, b):
    m = jnp.mean(x, axis=-1, keepdims=True)
    v = jnp.mean((x - m) ** 2, axis=-1, keepdims=True)
    return (x - m) * jax.lax.rsqrt(v + 1e-5) * g + b


def _silu(x):
    return x * jax.nn.sigmoid(x)


def _node_enc_body(x_ref, w1_ref, b1_ref, g1_ref, be1_ref, w2_ref, b2_ref, o_ref):
    h = jnp.dot(x_ref[...], w1_ref[...], preferred_element_type=_F32, precision=jax.lax.Precision.HIGHEST) + b1_ref[...]
    h = _silu(_ln_in(h, g1_ref[...], be1_ref[...]))
    o_ref[...] = jnp.dot(h, w2_ref[...], preferred_element_type=_F32, precision=jax.lax.Precision.HIGHEST) + b2_ref[...]


def _node_encoder(xp, w1p, b1, g1, be1, w2, b2):
    NB = 1000
    return pl.pallas_call(
        _node_enc_body,
        grid=(N // NB,),
        in_specs=[
            pl.BlockSpec((NB, 128), lambda i: (i, 0)),
            pl.BlockSpec((128, D), lambda i: (0, 0)),
            pl.BlockSpec((1, D), lambda i: (0, 0)),
            pl.BlockSpec((1, D), lambda i: (0, 0)),
            pl.BlockSpec((1, D), lambda i: (0, 0)),
            pl.BlockSpec((D, D), lambda i: (0, 0)),
            pl.BlockSpec((1, D), lambda i: (0, 0)),
        ],
        out_specs=pl.BlockSpec((NB, D), lambda i: (i, 0)),
        out_shape=jax.ShapeDtypeStruct((N, D), _F32),
    )(xp, w1p, b1, g1, be1, w2, b2)


def _edge_enc_body(ea_ref, cen_ref, gam_ref, rw1, rb1, rg1, rbe1, rw2, rb2, rg2, rbe2,
                   rw3, rb3, We_ref, bE_ref, o_ref):
    ea = ea_ref[...]
    d = jnp.sqrt(jnp.sum(ea * ea, axis=1, keepdims=True))
    centers = cen_ref[...]
    gamma = gam_ref[0, 0]
    r = jnp.exp(-gamma * (d - centers) ** 2)
    ef = jnp.dot(r, rw1[...], preferred_element_type=_F32, precision=jax.lax.Precision.HIGHEST) + rb1[...]
    ef = _silu(_ln_in(ef, rg1[...], rbe1[...]))
    ef = jnp.dot(ef, rw2[...], preferred_element_type=_F32, precision=jax.lax.Precision.HIGHEST) + rb2[...]
    ef = _silu(_ln_in(ef, rg2[...], rbe2[...]))
    ef = jnp.dot(ef, rw3[...], preferred_element_type=_F32, precision=jax.lax.Precision.HIGHEST) + rb3[...]
    for i in range(L):
        e = jnp.dot(ef, We_ref[i], preferred_element_type=_F32, precision=jax.lax.Precision.HIGHEST) + bE_ref[i].reshape(1, D)
        o_ref[i, 0] = e[:, :128]
        o_ref[i, 1] = e[:, 128:]


def _edge_encoder(eap, cen, gam, rw1, rb1, rg1, rbe1, rw2, rb2, rg2, rbe2, rw3, rb3, We, bE):
    EB = 1000
    vec = lambda: pl.BlockSpec((1, D), lambda i: (0, 0))
    mat = lambda: pl.BlockSpec((D, D), lambda i: (0, 0))
    return pl.pallas_call(
        _edge_enc_body,
        grid=(E // EB,),
        in_specs=[
            pl.BlockSpec((EB, 4), lambda i: (i, 0)),
            vec(),
            pl.BlockSpec((1, 1), lambda i: (0, 0)),
            mat(), vec(), vec(), vec(),
            mat(), vec(), vec(), vec(),
            mat(), vec(),
            pl.BlockSpec((L, D, D), lambda i: (0, 0, 0)),
            pl.BlockSpec((L, D), lambda i: (0, 0)),
        ],
        out_specs=pl.BlockSpec((L, 2, EB, 128), lambda i: (0, 0, i, 0)),
        out_shape=jax.ShapeDtypeStruct((L, 2, E, 128), _F32),
    )(eap, cen, gam, rw1, rb1, rg1, rbe1, rw2, rb2, rg2, rbe2, rw3, rb3, We, bE)


def _qkv_body(h_ref, wq, bq_, wk, bk_, wv, bv_, q_ref, k_ref, v_ref):
    hb = h_ref[...]
    for (w, b, o) in ((wq, bq_, q_ref), (wk, bk_, k_ref), (wv, bv_, v_ref)):
        t = jnp.dot(hb, w[...], preferred_element_type=_F32, precision=jax.lax.Precision.HIGHEST) + b[...]
        o[0] = t[:, :128]
        o[1] = t[:, 128:]


def _qkv(h, wq, bq_, wk, bk_, wv, bv_):
    NB = 1000
    vec = lambda: pl.BlockSpec((1, D), lambda i: (0, 0))
    mat = lambda: pl.BlockSpec((D, D), lambda i: (0, 0))
    outs = pl.BlockSpec((2, NB, 128), lambda i: (0, i, 0))
    return pl.pallas_call(
        _qkv_body,
        grid=(N // NB,),
        in_specs=[pl.BlockSpec((NB, D), lambda i: (i, 0)),
                  mat(), vec(), mat(), vec(), mat(), vec()],
        out_specs=[outs, outs, outs],
        out_shape=[jax.ShapeDtypeStruct((2, N, 128), _F32)] * 3,
    )(h, wq, bq_, wk, bk_, wv, bv_)


def _post_body(h_ref, numA_ref, numB_ref, denA_ref, denB_ref, g_ref, b_ref, o_ref):
    num = jnp.concatenate([numA_ref[...], numB_ref[...]], axis=-1)
    den8 = jnp.concatenate([denA_ref[...][:, :4], denB_ref[...][:, :4]], axis=-1)
    row = jax.lax.broadcasted_iota(jnp.int32, (H, D), 0)
    col = jax.lax.broadcasted_iota(jnp.int32, (H, D), 1)
    M = (col // DH == row).astype(_F32)
    den_exp = jnp.dot(den8, M, precision=jax.lax.Precision.HIGHEST,
                      preferred_element_type=_F32)
    agg = num / (den_exp + 1e-16)
    o_ref[...] = _ln_in(h_ref[...] + agg, g_ref[...], b_ref[...])


def _post(h, num2, den2, g, b):
    NB = 1000
    NBLK = N // NB
    return pl.pallas_call(
        _post_body,
        grid=(NBLK,),
        in_specs=[
            pl.BlockSpec((NB, D), lambda i: (i, 0)),
            pl.BlockSpec((NB, 128), lambda i: (i, 0)),
            pl.BlockSpec((NB, 128), lambda i: (i + NBLK, 0)),
            pl.BlockSpec((NB, 128), lambda i: (i, 0)),
            pl.BlockSpec((NB, 128), lambda i: (i + NBLK, 0)),
            pl.BlockSpec((1, D), lambda i: (0, 0)),
            pl.BlockSpec((1, D), lambda i: (0, 0)),
        ],
        out_specs=pl.BlockSpec((NB, D), lambda i: (i, 0)),
        out_shape=jax.ShapeDtypeStruct((N, D), _F32),
    )(h, num2, num2, den2, den2, g, b)


def _pool_body(h_ref, b_ref, hg_ref, cnt_ref):
    i = pl.program_id(0)
    bt = b_ref[...]
    oh = (bt == jax.lax.broadcasted_iota(jnp.int32, (1, G), 1)).astype(_F32)
    part = jax.lax.dot_general(oh, h_ref[...], (((0,), (0,)), ((), ())),
                               precision=jax.lax.Precision.HIGHEST,
                               preferred_element_type=_F32)
    ones = jnp.ones((oh.shape[0], 1), _F32)
    pc = jax.lax.dot_general(oh, ones, (((0,), (0,)), ((), ())),
                             precision=jax.lax.Precision.HIGHEST,
                             preferred_element_type=_F32)

    @pl.when(i == 0)
    def _():
        hg_ref[...] = jnp.zeros_like(hg_ref)
        cnt_ref[...] = jnp.zeros_like(cnt_ref)

    hg_ref[...] += part
    cnt_ref[...] += pc


def _pool(h, batch2d):
    NB = 1000
    return pl.pallas_call(
        _pool_body,
        grid=(N // NB,),
        in_specs=[
            pl.BlockSpec((NB, D), lambda i: (i, 0)),
            pl.BlockSpec((NB, 1), lambda i: (i, 0)),
        ],
        out_specs=[pl.BlockSpec((G, D), lambda i: (0, 0)),
                   pl.BlockSpec((G, 1), lambda i: (0, 0))],
        out_shape=[jax.ShapeDtypeStruct((G, D), _F32),
                   jax.ShapeDtypeStruct((G, 1), _F32)],
    )(h, batch2d)


def _head_body(hg_ref, cnt_ref, fw1, fb1, fg1, fbe1, fwo, fbo, o_ref):
    cnt = jnp.maximum(cnt_ref[...], 1.0)
    hg = hg_ref[...] / cnt
    t = jnp.dot(hg, fw1[...], precision=jax.lax.Precision.HIGHEST,
                preferred_element_type=_F32) + fb1[...]
    t = _silu(_ln_in(t, fg1[...], fbe1[...]))
    o_ref[...] = jnp.dot(t, fwo[...], precision=jax.lax.Precision.HIGHEST,
                         preferred_element_type=_F32) + fbo[...]


def _head(hg, cnt, fw1, fb1, fg1, fbe1, fwo, fbo):
    return pl.pallas_call(
        _head_body,
        out_shape=jax.ShapeDtypeStruct((G, 1), _F32),
    )(hg, cnt, fw1, fb1, fg1, fbe1, fwo, fbo)


def _shuffle(x, perm):
    return lax.gather(
        x, perm[:, None],
        lax.GatherDimensionNumbers(offset_dims=(), collapsed_slice_dims=(0,),
                                   start_index_map=(0,)),
        slice_sizes=(1,), mode=lax.GatherScatterMode.PROMISE_IN_BOUNDS)


_C = 80
_EPS = E // 16
_RPS = 624


def _mp_body(qtab, ktab, vtab, etab2, pk,
             num_out, w_out,
             qd, ks, ee, den_b, ix, num_sh, sem):
    c = lax.axis_index("c")
    s = lax.axis_index("s")

    z16 = jnp.zeros((16,), _F32)

    def zrow(i, carry):
        for g in range(8):
            qd[i, pl.ds(g * 16, 16)] = z16
        return carry

    lax.fori_loop(0, _C, zrow, 0)

    def zcopy(t, carry):
        pltpu.sync_copy(qd, num_sh.at[pl.ds(s * _RPS + t * _C, _C)])
        return carry

    lax.fori_loop(0, 8, zcopy, 0)
    plsc.subcore_barrier()

    iota16 = lax.iota(jnp.int32, 16)
    inv = np.float32(1.0 / np.sqrt(DH))

    cN = c * N

    def chunk(t, carry):
        base = s * _EPS + t * _C
        gbase = c * E + base
        pltpu.sync_copy(pk.at[pl.ds(base, _C)], ix.at[3])
        for g in range(_C // 16):
            p = ix[3, pl.ds(g * 16, 16)]
            d = jnp.right_shift(p, 16)
            ix[0, pl.ds(g * 16, 16)] = jnp.bitwise_and(p, 65535) + cN
            ix[1, pl.ds(g * 16, 16)] = d + cN
            ix[2, pl.ds(g * 16, 16)] = d

        pltpu.sync_copy(etab2.at[pl.ds(gbase, _C)], ee)
        d1 = pltpu.async_copy(ktab.at[ix.at[0]], ks, sem)
        d3 = pltpu.async_copy(qtab.at[ix.at[1]], qd, sem)
        d1.wait()
        d3.wait()

        def pass1(i, ecarry):
            wvs = []
            for h in range(4):
                acc = jnp.zeros((16,), _F32)
                for gsub in range(2):
                    off = h * 32 + gsub * 16
                    acc = acc + qd[i, pl.ds(off, 16)] * (
                        ks[i, pl.ds(off, 16)] + ee[i, pl.ds(off, 16)])
                for sh in (8, 4, 2, 1):
                    acc = acc + _shuffle(acc, jnp.bitwise_xor(iota16, sh))
                wvs.append(jnp.exp(acc * inv))
            den_row = jnp.zeros((16,), _F32)
            for h in range(4):
                den_row = jnp.where(iota16 == h, wvs[h], den_row)
            den_b[i] = den_row
            return ecarry

        lax.fori_loop(0, _C, pass1, 0)
        d4 = pltpu.async_copy(vtab.at[ix.at[0]], ks, sem)
        d4.wait()

        def pass2(i, ecarry):
            den_row = den_b[i]
            for h in range(4):
                wv = _shuffle(den_row, jnp.full((16,), h, jnp.int32))
                for gsub in range(2):
                    off = h * 32 + gsub * 16
                    qd[i, pl.ds(off, 16)] = wv * (
                        ks[i, pl.ds(off, 16)] + ee[i, pl.ds(off, 16)])
            return ecarry

        lax.fori_loop(0, _C, pass2, 0)
        pltpu.sync_copy(qd, num_sh.at[ix.at[2]], add=True)
        pltpu.sync_copy(den_b, w_out.at[pl.ds(gbase, _C)])
        return carry

    lax.fori_loop(0, _EPS // _C, chunk, 0)
    plsc.subcore_barrier()

    @pl.when(s < 15)
    def _():
        pltpu.sync_copy(num_sh.at[pl.ds(s * _RPS, _RPS)],
                        num_out.at[pl.ds(c * N + s * _RPS, _RPS)])

    @pl.when(s == 15)
    def _():
        pltpu.sync_copy(num_sh.at[pl.ds(15 * _RPS, 640)],
                        num_out.at[pl.ds(c * N + 15 * _RPS, 640)])


_mp_sc = pl.kernel(
    _mp_body,
    out_type=(jax.ShapeDtypeStruct((2 * N, 128), _F32),
              jax.ShapeDtypeStruct((2 * E, 16), _F32)),
    mesh=plsc.VectorSubcoreMesh(core_axis_name="c", subcore_axis_name="s"),
    scratch_types=[
        pltpu.VMEM((_C, 128), _F32),
        pltpu.VMEM((_C, 128), _F32),
        pltpu.VMEM((_C, 128), _F32),
        pltpu.VMEM((_C, 16), _F32),
        pltpu.VMEM((4, _C), jnp.int32),
        pltpu.VMEM_SHARED((N, 128), _F32),
        pltpu.SemaphoreType.DMA,
    ],
    name="mp_sc",
)


def _den_body(w2, pk, den_out, wbuf, wide, ix, den_sh, sem):
    c = lax.axis_index("c")
    s = lax.axis_index("s")

    z16 = jnp.zeros((16,), _F32)

    def zrow(i, carry):
        for g in range(8):
            wide[i, pl.ds(g * 16, 16)] = z16
        return carry

    lax.fori_loop(0, _C, zrow, 0)

    def zcopy(t, carry):
        pltpu.sync_copy(wide, den_sh.at[pl.ds(s * _RPS + t * _C, _C)])
        return carry

    lax.fori_loop(0, 8, zcopy, 0)
    plsc.subcore_barrier()

    def chunk(t, carry):
        base = s * _EPS + t * _C
        pltpu.sync_copy(pk.at[pl.ds(base, _C)], ix.at[1])
        for g in range(_C // 16):
            ix[0, pl.ds(g * 16, 16)] = jnp.right_shift(ix[1, pl.ds(g * 16, 16)], 16)
        pltpu.sync_copy(w2.at[pl.ds(c * E + base, _C)], wbuf)

        def cprow(i, carry2):
            wide[i, pl.ds(0, 16)] = wbuf[i]
            return carry2

        lax.fori_loop(0, _C, cprow, 0)
        pltpu.sync_copy(wide, den_sh.at[ix.at[0]], add=True)
        return carry

    lax.fori_loop(0, _EPS // _C, chunk, 0)
    plsc.subcore_barrier()

    @pl.when(s < 15)
    def _():
        pltpu.sync_copy(den_sh.at[pl.ds(s * _RPS, _RPS)],
                        den_out.at[pl.ds(c * N + s * _RPS, _RPS)])

    @pl.when(s == 15)
    def _():
        pltpu.sync_copy(den_sh.at[pl.ds(15 * _RPS, 640)],
                        den_out.at[pl.ds(c * N + 15 * _RPS, 640)])


_den_sc = pl.kernel(
    _den_body,
    out_type=jax.ShapeDtypeStruct((2 * N, 128), _F32),
    mesh=plsc.VectorSubcoreMesh(core_axis_name="c", subcore_axis_name="s"),
    scratch_types=[
        pltpu.VMEM((_C, 16), _F32),
        pltpu.VMEM((_C, 128), _F32),
        pltpu.VMEM((2, _C), jnp.int32),
        pltpu.VMEM_SHARED((N, 128), _F32),
        pltpu.SemaphoreType.DMA,
    ],
    name="den_sc",
)


def kernel(x, edge_attr, edge_index, batch, ae_w1, ae_b1, ae_g1, ae_be1, ae_w2, ae_b2, rbf_w1, rbf_b1, rbf_g1, rbf_be1, rbf_w2, rbf_b2, rbf_g2, rbf_be2, rbf_w3, rbf_b3, Wq, bq, Wk, bk, Wv, bv, We, bE, ln_g, ln_b, fc_w1, fc_b1, fc_g1, fc_be1, fco_w, fco_b):
    src = edge_index[0]
    dst = edge_index[1]
    r2 = lambda a: a.reshape(1, -1)

    xp = jnp.pad(x, ((0, 0), (0, 128 - AIN)))
    w1p = jnp.pad(ae_w1, ((0, 128 - AIN), (0, 0)))
    h = _node_encoder(xp, w1p, r2(ae_b1), r2(ae_g1), r2(ae_be1), ae_w2, r2(ae_b2))

    eap = jnp.pad(edge_attr, ((0, 0), (0, 1)))
    cen = jnp.linspace(0.0, 8.0, BINS).astype(_F32).reshape(1, BINS)
    gam = (1.0 / (cen[0, 1] - cen[0, 0]) ** 2).astype(_F32).reshape(1, 1)
    etab = _edge_encoder(eap, cen, gam, rbf_w1, r2(rbf_b1), r2(rbf_g1), r2(rbf_be1),
                         rbf_w2, r2(rbf_b2), r2(rbf_g2), r2(rbf_be2),
                         rbf_w3, r2(rbf_b3), We, bE)

    pk = (src + dst * 65536).astype(jnp.int32)

    def layer_step(hc, xs):
        wq, bq_, wk, bk_, wv, bv_, et, lg, lb = xs
        qtab, ktab, vtab = _qkv(hc, wq, r2(bq_), wk, r2(bk_), wv, r2(bv_))
        num2, w2 = _mp_sc(qtab.reshape(2 * N, 128), ktab.reshape(2 * N, 128),
                          vtab.reshape(2 * N, 128), et.reshape(2 * E, 128), pk)
        den2 = _den_sc(w2, pk)
        return _post(hc, num2, den2, r2(lg), r2(lb)), None

    h, _ = lax.scan(layer_step, h,
                    (Wq, bq, Wk, bk, Wv, bv, etab, ln_g, ln_b))

    hg, cnt = _pool(h, batch.reshape(N, 1).astype(jnp.int32))
    return _head(hg, cnt, fc_w1, r2(fc_b1), r2(fc_g1), r2(fc_be1), fco_w, r2(fco_b))

# --- scband reference (transcript-rebuilt; emitter-appended) ---
"""Pipeline reference for scband-prdnet-3324304687823 (READ-ONLY COPY).

The authoritative reference and input builder live on the scoring server;
editing this copy changes nothing except your own understanding.
"""

import jax, jax.numpy as jnp
import numpy as np

N = 10000
E = 160000
D = 256
H = 8
DH = 32
L = 6
G = 64
AIN = 92
FC = 512
BINS = 256

def _ln(x, g, b):
    m = jnp.mean(x, axis=-1, keepdims=True)
    v = jnp.mean((x - m) ** 2, axis=-1, keepdims=True)
    return (x - m) / jnp.sqrt(v + 1e-5) * g + b

def _silu(x):
    return x * jax.nn.sigmoid(x)

def _rbf(d):
    centers = jnp.linspace(0.0, 8.0, BINS)
    gamma = 1.0 / (centers[1] - centers[0]) ** 2
    return jnp.exp(-gamma * (d[:, None] - centers[None, :]) ** 2)

def setup_inputs(seed: int = 0):
    key = jax.random.key(seed)
    ks = jax.random.split(key, 32)
    def w(k, shape):
        fan = shape[-2]
        return (jax.random.normal(k, shape, dtype=jnp.float32) / np.sqrt(fan)).astype(jnp.float32)
    z = lambda *s: jnp.zeros(s, jnp.float32)
    o = lambda *s: jnp.ones(s, jnp.float32)
    inp = {}
    inp['x'] = jax.random.normal(ks[0], (N, AIN), dtype=jnp.float32)
    inp['edge_attr'] = jax.random.normal(ks[1], (E, 3), dtype=jnp.float32)
    inp['edge_index'] = jax.random.randint(ks[2], (2, E), 0, N)
    inp['batch'] = jnp.sort(jax.random.randint(ks[3], (N,), 0, G))
    inp['ae_w1'] = w(ks[4], (AIN, D)); inp['ae_b1'] = z(D)
    inp['ae_g1'] = o(D); inp['ae_be1'] = z(D)
    inp['ae_w2'] = w(ks[5], (D, D)); inp['ae_b2'] = z(D)
    inp['rbf_w1'] = w(ks[6], (BINS, D)); inp['rbf_b1'] = z(D)
    inp['rbf_g1'] = o(D); inp['rbf_be1'] = z(D)
    inp['rbf_w2'] = w(ks[7], (D, D)); inp['rbf_b2'] = z(D)
    inp['rbf_g2'] = o(D); inp['rbf_be2'] = z(D)
    inp['rbf_w3'] = w(ks[8], (D, D)); inp['rbf_b3'] = z(D)
    inp['Wq'] = w(ks[9], (L, D, D)); inp['bq'] = z(L, D)
    inp['Wk'] = w(ks[10], (L, D, D)); inp['bk'] = z(L, D)
    inp['Wv'] = w(ks[11], (L, D, D)); inp['bv'] = z(L, D)
    inp['We'] = w(ks[12], (L, D, D)); inp['bE'] = z(L, D)
    inp['ln_g'] = o(L, D); inp['ln_b'] = z(L, D)
    inp['fc_w1'] = w(ks[13], (D, FC)); inp['fc_b1'] = z(FC)
    inp['fc_g1'] = o(FC); inp['fc_be1'] = z(FC)
    inp['fco_w'] = w(ks[14], (FC, 1)); inp['fco_b'] = z(1)
    return inp

def _forward(x, edge_attr, ae_w1, ae_b1, ae_g1, ae_be1, ae_w2, ae_b2, rbf_w1, rbf_b1, rbf_g1, rbf_be1, rbf_w2, rbf_b2, rbf_g2, rbf_be2, rbf_w3, rbf_b3, Wq, bq, Wk, bk, Wv, bv, We, bE, ln_g, ln_b, fc_w1, fc_b1, fc_g1, fc_be1, fco_w, fco_b, edge_index, batch):
    src = edge_index[0]
    dst = edge_index[1]
    h = x @ ae_w1 + ae_b1
    h = _silu(_ln(h, ae_g1, ae_be1))
    h = h @ ae_w2 + ae_b2
    d = jnp.linalg.norm(edge_attr, axis=1)
    ef = _rbf(d) @ rbf_w1 + rbf_b1
    ef = _silu(_ln(ef, rbf_g1, rbf_be1))
    ef = ef @ rbf_w2 + rbf_b2
    ef = _silu(_ln(ef, rbf_g2, rbf_be2))
    ef = ef @ rbf_w3 + rbf_b3
    for i in range(L):
        q = (h @ Wq[i] + bq[i]).reshape(N, H, DH)
        k = (h @ Wk[i] + bk[i]).reshape(N, H, DH)
        v = (h @ Wv[i] + bv[i]).reshape(N, H, DH)
        e = (ef @ We[i] + bE[i]).reshape(E, H, DH)
        k_e = k[src] + e
        v_e = v[src] + e
        logits = jnp.sum(q[dst] * k_e, axis=-1) / np.sqrt(DH)
        mx = jax.ops.segment_max(logits, dst, num_segments=N)
        mx = jnp.where(jnp.isfinite(mx), mx, 0.0)
        ex = jnp.exp(logits - mx[dst])
        den = jax.ops.segment_sum(ex, dst, num_segments=N)
        alpha = ex / (den[dst] + 1e-16)
        agg = jax.ops.segment_sum(alpha[:, :, None] * v_e, dst, num_segments=N)
        h = _ln(h + agg.reshape(N, D), ln_g[i], ln_b[i])
    cnt = jax.ops.segment_sum(jnp.ones((N,), jnp.float32), batch, num_segments=G)
    hg = jax.ops.segment_sum(h, batch, num_segments=G) / jnp.maximum(cnt, 1.0)[:, None]
    hg = hg @ fc_w1 + fc_b1
    hg = _silu(_ln(hg, fc_g1, fc_be1))
    out = hg @ fco_w + fco_b
    return out

FLOAT_KEYS = ['x', 'edge_attr', 'ae_w1', 'ae_b1', 'ae_g1', 'ae_be1', 'ae_w2', 'ae_b2', 'rbf_w1', 'rbf_b1', 'rbf_g1', 'rbf_be1', 'rbf_w2', 'rbf_b2', 'rbf_g2', 'rbf_be2', 'rbf_w3', 'rbf_b3', 'Wq', 'bq', 'Wk', 'bk', 'Wv', 'bv', 'We', 'bE', 'ln_g', 'ln_b', 'fc_w1', 'fc_b1', 'fc_g1', 'fc_be1', 'fco_w', 'fco_b']

def reference(x, edge_attr, edge_index, batch, ae_w1, ae_b1, ae_g1, ae_be1, ae_w2, ae_b2, rbf_w1, rbf_b1, rbf_g1, rbf_be1, rbf_w2, rbf_b2, rbf_g2, rbf_be2, rbf_w3, rbf_b3, Wq, bq, Wk, bk, Wv, bv, We, bE, ln_g, ln_b, fc_w1, fc_b1, fc_g1, fc_be1, fco_w, fco_b):
    inp = {'x': x, 'edge_attr': edge_attr, 'edge_index': edge_index, 'batch': batch, 'ae_w1': ae_w1, 'ae_b1': ae_b1, 'ae_g1': ae_g1, 'ae_be1': ae_be1, 'ae_w2': ae_w2, 'ae_b2': ae_b2, 'rbf_w1': rbf_w1, 'rbf_b1': rbf_b1, 'rbf_g1': rbf_g1, 'rbf_be1': rbf_be1, 'rbf_w2': rbf_w2, 'rbf_b2': rbf_b2, 'rbf_g2': rbf_g2, 'rbf_be2': rbf_be2, 'rbf_w3': rbf_w3, 'rbf_b3': rbf_b3, 'Wq': Wq, 'bq': bq, 'Wk': Wk, 'bk': bk, 'Wv': Wv, 'bv': bv, 'We': We, 'bE': bE, 'ln_g': ln_g, 'ln_b': ln_b, 'fc_w1': fc_w1, 'fc_b1': fc_b1, 'fc_g1': fc_g1, 'fc_be1': fc_be1, 'fco_w': fco_w, 'fco_b': fco_b}
    floats = tuple(inp[k] for k in FLOAT_KEYS)
    return _forward(*floats, inp['edge_index'], inp['batch'])

if __name__ == "__main__":
    import jax
    _d = setup_inputs()
    print(jax.jit(kernel)(*tuple(_d.values())))

</pallas_src>

<mosaic_0001>
#map = affine_map<(d0, d1) -> (0, 0)>
#map1 = affine_map<(d0, d1) -> (0)>
module attributes {stable_mosaic.version = 14 : i64} {
  func.func @mp_sc(%arg0: i32, %arg1: i32, %arg2: memref<20000x128xf32, #tpu.memory_space<hbm>>, %arg3: memref<20000x128xf32, #tpu.memory_space<hbm>>, %arg4: memref<20000x128xf32, #tpu.memory_space<hbm>>, %arg5: memref<320000x128xf32, #tpu.memory_space<hbm>>, %arg6: memref<160000xi32, #tpu.memory_space<hbm>>, %arg7: memref<20000x128xf32, #tpu.memory_space<hbm>>, %arg8: memref<320000x16xf32, #tpu.memory_space<hbm>>, %arg9: memref<80x128xf32, #tpu.memory_space<vmem>>, %arg10: memref<80x128xf32, #tpu.memory_space<vmem>>, %arg11: memref<80x128xf32, #tpu.memory_space<vmem>>, %arg12: memref<80x16xf32, #tpu.memory_space<vmem>>, %arg13: memref<4x80xi32, #tpu.memory_space<vmem>>, %arg14: memref<10000x128xf32, #tpu.memory_space<vmem_shared>>, %arg15: memref<!tpu.dma_semaphore, #tpu.memory_space<semaphore_mem>>) attributes {dimension_semantics = [#tpu.dimension_semantics<core_parallel>, #tpu.dimension_semantics<subcore_parallel>], iteration_bounds = array<i64: 2, 16>, scalar_prefetch = 0 : i64, scratch_operands = 7 : i64, tpu.core_type = #tpu.core_type<sc_vector_subcore>, window_params = [{transform_indices = #map}, {transform_indices = #map}, {transform_indices = #map}, {transform_indices = #map}, {transform_indices = #map1}, {transform_indices = #map}, {transform_indices = #map}]} {
    %broadcast_in_dim3A = arith.constant 0.000000e+00 : f32
    %broadcast_in_dim3A_0 = vector.broadcast %broadcast_in_dim3A : f32 to vector<16xf32>
    %scan3A = arith.constant 0 : i32
    %scan3A_1 = arith.constant 0 : i32
    %scan3A_2 = arith.constant 80 : i32
    %scan3A_3 = arith.addi %scan3A_1, %scan3A_2 : i32
    %scan3A_4 = arith.constant 1 : i32
    scf.for %scan3A_26 = %scan3A_1 to %scan3A_3 step %scan3A_4  : i32 {
      %swap3A = arith.index_cast %scan3A_26 : i32 to index
      %swap3A_27 = arith.constant 0 : index
      %swap3A_28 = tpu.vector_load %arg9[%swap3A, %swap3A_27] {strides = array<i32>} : memref<80x128xf32, #tpu.memory_space<vmem>>, vector<1x16xf32>,
      %swap3A_29 = vector.shape_cast %swap3A_28 : vector<1x16xf32> to vector<16xf32>
      %swap3A_30 = vector.shape_cast %broadcast_in_dim3A_0 : vector<16xf32> to vector<1x16xf32>
      tpu.vector_store %arg9[%swap3A, %swap3A_27], %swap3A_30 {strides = array<i32>} : memref<80x128xf32, #tpu.memory_space<vmem>>, vector<1x16xf32>,
      %swap3A_31 = arith.index_cast %scan3A_26 : i32 to index
      %swap3A_32 = arith.constant 16 : index
      %swap3A_33 = tpu.vector_load %arg9[%swap3A_31, %swap3A_32] {strides = array<i32>} : memref<80x128xf32, #tpu.memory_space<vmem>>, vector<1x16xf32>,
      %swap3A_34 = vector.shape_cast %swap3A_33 : vector<1x16xf32> to vector<16xf32>
      %swap3A_35 = vector.shape_cast %broadcast_in_dim3A_0 : vector<16xf32> to vector<1x16xf32>
      tpu.vector_store %arg9[%swap3A_31, %swap3A_32], %swap3A_35 {strides = array<i32>} : memref<80x128xf32, #tpu.memory_space<vmem>>, vector<1x16xf32>,
      %swap3A_36 = arith.index_cast %scan3A_26 : i32 to index
      %swap3A_37 = arith.constant 32 : index
      %swap3A_38 = tpu.vector_load %arg9[%swap3A_36, %swap3A_37] {strides = array<i32>} : memref<80x128xf32, #tpu.memory_space<vmem>>, vector<1x16xf32>,
      %swap3A_39 = vector.shape_cast %swap3A_38 : vector<1x16xf32> to vector<16xf32>
      %swap3A_40 = vector.shape_cast %broadcast_in_dim3A_0 : vector<16xf32> to vector<1x16xf32>
      tpu.vector_store %arg9[%swap3A_36, %swap3A_37], %swap3A_40 {strides = array<i32>} : memref<80x128xf32, #tpu.memory_space<vmem>>, vector<1x16xf32>,
      %swap3A_41 = arith.index_cast %scan3A_26 : i32 to index
      %swap3A_42 = arith.constant 48 : index
      %swap3A_43 = tpu.vector_load %arg9[%swap3A_41, %swap3A_42] {strides = array<i32>} : memref<80x128xf32, #tpu.memory_space<vmem>>, vector<1x16xf32>,
      %swap3A_44 = vector.shape_cast %swap3A_43 : vector<1x16xf32> to vector<16xf32>
      %swap3A_45 = vector.shape_cast %broadcast_in_dim3A_0 : vector<16xf32> to vector<1x16xf32>
      tpu.vector_store %arg9[%swap3A_41, %swap3A_42], %swap3A_45 {strides = array<i32>} : memref<80x128xf32, #tpu.memory_space<vmem>>, vector<1x16xf32>,
      %swap3A_46 = arith.index_cast %scan3A_26 : i32 to index
      %swap3A_47 = arith.constant 64 : index
      %swap3A_48 = tpu.vector_load %arg9[%swap3A_46, %swap3A_47] {strides = array<i32>} : memref<80x128xf32, #tpu.memory_space<vmem>>, vector<1x16xf32>,
      %swap3A_49 = vector.shape_cast %swap3A_48 : vector<1x16xf32> to vector<16xf32>
      %swap3A_50 = vector.shape_cast %broadcast_in_dim3A_0 : vector<16xf32> to vector<1x16xf32>
      tpu.vector_store %arg9[%swap3A_46, %swap3A_47], %swap3A_50 {strides = array<i32>} : memref<80x128xf32, #tpu.memory_space<vmem>>, vector<1x16xf32>,
      %swap3A_51 = arith.index_cast %scan3A_26 : i32 to index
      %swap3A_52 = arith.constant 80 : index
      %swap3A_53 = tpu.vector_load %arg9[%swap3A_51, %swap3A_52] {strides = array<i32>} : memref<80x128xf32, #tpu.memory_space<vmem>>, vector<1x16xf32>,
      %swap3A_54 = vector.shape_cast %swap3A_53 : vector<1x16xf32> to vector<16xf32>
      %swap3A_55 = vector.shape_cast %broadcast_in_dim3A_0 : vector<16xf32> to vector<1x16xf32>
      tpu.vector_store %arg9[%swap3A_51, %swap3A_52], %swap3A_55 {strides = array<i32>} : memref<80x128xf32, #tpu.memory_space<vmem>>, vector<1x16xf32>,
      %swap3A_56 = arith.index_cast %scan3A_26 : i32 to index
      %swap3A_57 = arith.constant 96 : index
      %swap3A_58 = tpu.vector_load %arg9[%swap3A_56, %swap3A_57] {strides = array<i32>} : memref<80x128xf32, #tpu.memory_space<vmem>>, vector<1x16xf32>,
      %swap3A_59 = vector.shape_cast %swap3A_58 : vector<1x16xf32> to vector<16xf32>
      %swap3A_60 = vector.shape_cast %broadcast_in_dim3A_0 : vector<16xf32> to vector<1x16xf32>
      tpu.vector_store %arg9[%swap3A_56, %swap3A_57], %swap3A_60 {strides = array<i32>} : memref<80x128xf32, #tpu.memory_space<vmem>>, vector<1x16xf32>,
      %swap3A_61 = arith.index_cast %scan3A_26 : i32 to index
      %swap3A_62 = arith.constant 112 : index
      %swap3A_63 = tpu.vector_load %arg9[%swap3A_61, %swap3A_62] {strides = array<i32>} : memref<80x128xf32, #tpu.memory_space<vmem>>, vector<1x16xf32>,
      %swap3A_64 = vector.shape_cast %swap3A_63 : vector<1x16xf32> to vector<16xf32>
      %swap3A_65 = vector.shape_cast %broadcast_in_dim3A_0 : vector<16xf32> to vector<1x16xf32>
      tpu.vector_store %arg9[%swap3A_61, %swap3A_62], %swap3A_65 {strides = array<i32>} : memref<80x128xf32, #tpu.memory_space<vmem>>, vector<1x16xf32>,
    }
    %scan3A_5 = arith.constant 80 : i32
    %scan3A_6 = arith.constant 0 : i32
    %scan3A_7 = arith.constant 0 : i32
    %scan3A_8 = arith.constant 8 : i32
    %scan3A_9 = arith.addi %scan3A_7, %scan3A_8 : i32
    %scan3A_10 = arith.constant 1 : i32
    scf.for %scan3A_26 = %scan3A_7 to %scan3A_9 step %scan3A_10  : i32 {
      %mul3A_27 = arith.constant 624 : i32
      %mul3A_28 = arith.muli %arg1, %mul3A_27 : i32
      %mul3A_29 = arith.constant 80 : i32
      %mul3A_30 = arith.muli %scan3A_26, %mul3A_29 : i32
      %add3A = arith.addi %mul3A_28, %mul3A_30 : i32
      "tpu.region"() ({
        %run_scoped3A = tpu.sem_alloc : memref<!tpu.dma_semaphore, #tpu.memory_space<semaphore_mem>>
        %dma_start3A = arith.constant 0 : i32
        %dma_start3A_31 = tpu.memref_slice %arg14[%add3A, %dma_start3A] : memref<10000x128xf32, #tpu.memory_space<vmem_shared>> -> memref<80x128xf32, #tpu.memory_space<vmem_shared>>
        %dma_start3A_32 = arith.constant 0 : i32
        %dma_start3A_33 = tpu.memref_slice %arg14[%add3A, %dma_start3A_32] : memref<10000x128xf32, #tpu.memory_space<vmem_shared>> -> memref<80x128xf32, #tpu.memory_space<vmem_shared>>
        tpu.enqueue_dma source(%arg9 : memref<80x128xf32, #tpu.memory_space<vmem>>) target(%dma_start3A_33 : memref<80x128xf32, #tpu.memory_space<vmem_shared>>) target_semaphore(%run_scoped3A : memref<!tpu.dma_semaphore, #tpu.memory_space<semaphore_mem>>)
        %dma_wait3A = arith.constant 0 : i32
        %dma_wait3A_34 = tpu.memref_slice %arg14[%add3A, %dma_wait3A] : memref<10000x128xf32, #tpu.memory_space<vmem_shared>> -> memref<80x128xf32, #tpu.memory_space<vmem_shared>>
        %dma_wait3A_35 = arith.constant 0 : i32
        %dma_wait3A_36 = tpu.memref_slice %arg14[%add3A, %dma_wait3A_35] : memref<10000x128xf32, #tpu.memory_space<vmem_shared>> -> memref<80x128xf32, #tpu.memory_space<vmem_shared>>
        tpu.wait_dma2 semaphore(%run_scoped3A : memref<!tpu.dma_semaphore, #tpu.memory_space<semaphore_mem>>) src(%arg9 : memref<80x128xf32, #tpu.memory_space<vmem>>) dst(%dma_wait3A_36 : memref<80x128xf32, #tpu.memory_space<vmem_shared>>)
        tpu.yield
      }) : () -> ()
    }
    %scan3A_11 = arith.constant 8 : i32
    %barrier3A = arith.constant 0 : index
    tpu.barrier barrier_id(%barrier3A)
    %iota3A = tpu.iota {dimensions = array<i32: 0>} : vector<16xi32>
    %mul3A = arith.constant 10000 : i32
    %mul3A_12 = arith.muli %arg0, %mul3A : i32
    %scan3A_13 = arith.constant 0 : i32
    %scan3A_14 = arith.constant 0 : i32
    %scan3A_15 = arith.constant 125 : i32
    %scan3A_16 = arith.addi %scan3A_14, %scan3A_15 : i32
    %scan3A_17 = arith.constant 1 : i32
    scf.for %scan3A_26 = %scan3A_14 to %scan3A_16 step %scan3A_17  : i32 {
      %mul3A_27 = arith.constant 10000 : i32
      %mul3A_28 = arith.muli %arg1, %mul3A_27 : i32
      %mul3A_29 = arith.constant 80 : i32
      %mul3A_30 = arith.muli %scan3A_26, %mul3A_29 : i32
      %add3A = arith.addi %mul3A_28, %mul3A_30 : i32
      %mul3A_31 = arith.constant 160000 : i32
      %mul3A_32 = arith.muli %arg0, %mul3A_31 : i32
      %add3A_33 = arith.addi %mul3A_32, %add3A : i32
      %run_scoped3A = arith.constant 3 : i32
      "tpu.region"() ({
        %run_scoped3A_248 = tpu.sem_alloc : memref<!tpu.dma_semaphore, #tpu.memory_space<semaphore_mem>>
        %dma_start3A_249 = arith.constant 0 : i32
        %dma_start3A_250 = tpu.memref_slice %arg13[%run_scoped3A, %dma_start3A_249] : memref<4x80xi32, #tpu.memory_space<vmem>> -> memref<1x80xi32, #tpu.memory_space<vmem>>
        %dma_start3A_251 = tpu.memref_squeeze %dma_start3A_250 : memref<1x80xi32, #tpu.memory_space<vmem>> -> memref<80xi32, #tpu.memory_space<vmem>>
        %dma_start3A_252 = tpu.memref_slice %arg6[%add3A] : memref<160000xi32, #tpu.memory_space<hbm>> -> memref<80xi32, #tpu.memory_space<hbm>>
        %dma_start3A_253 = arith.constant 0 : i32
        %dma_start3A_254 = tpu.memref_slice %arg13[%run_scoped3A, %dma_start3A_253] : memref<4x80xi32, #tpu.memory_space<vmem>> -> memref<1x80xi32, #tpu.memory_space<vmem>>
        %dma_start3A_255 = tpu.memref_squeeze %dma_start3A_254 : memref<1x80xi32, #tpu.memory_space<vmem>> -> memref<80xi32, #tpu.memory_space<vmem>>
        %dma_start3A_256 = tpu.memref_slice %arg6[%add3A] : memref<160000xi32, #tpu.memory_space<hbm>> -> memref<80xi32, #tpu.memory_space<hbm>>
        tpu.enqueue_dma source(%dma_start3A_256 : memref<80xi32, #tpu.memory_space<hbm>>) target(%dma_start3A_255 : memref<80xi32, #tpu.memory_space<vmem>>) target_semaphore(%run_scoped3A_248 : memref<!tpu.dma_semaphore, #tpu.memory_space<semaphore_mem>>)
        %dma_wait3A_257 = arith.constant 0 : i32
        %dma_wait3A_258 = tpu.memref_slice %arg13[%run_scoped3A, %dma_wait3A_257] : memref<4x80xi32, #tpu.memory_space<vmem>> -> memref<1x80xi32, #tpu.memory_space<vmem>>
        %dma_wait3A_259 = tpu.memref_squeeze %dma_wait3A_258 : memref<1x80xi32, #tpu.memory_space<vmem>> -> memref<80xi32, #tpu.memory_space<vmem>>
        %dma_wait3A_260 = tpu.memref_slice %arg6[%add3A] : memref<160000xi32, #tpu.memory_space<hbm>> -> memref<80xi32, #tpu.memory_space<hbm>>
        %dma_wait3A_261 = arith.constant 0 : i32
        %dma_wait3A_262 = tpu.memref_slice %arg13[%run_scoped3A, %dma_wait3A_261] : memref<4x80xi32, #tpu.memory_space<vmem>> -> memref<1x80xi32, #tpu.memory_space<vmem>>
        %dma_wait3A_263 = tpu.memref_squeeze %dma_wait3A_262 : memref<1x80xi32, #tpu.memory_space<vmem>> -> memref<80xi32, #tpu.memory_space<vmem>>
        %dma_wait3A_264 = tpu.memref_slice %arg6[%add3A] : memref<160000xi32, #tpu.memory_space<hbm>> -> memref<80xi32, #tpu.memory_space<hbm>>
        tpu.wait_dma2 semaphore(%run_scoped3A_248 : memref<!tpu.dma_semaphore, #tpu.memory_space<semaphore_mem>>) src(%dma_wait3A_264 : memref<80xi32, #tpu.memory_space<hbm>>) dst(%dma_wait3A_263 : memref<80xi32, #tpu.memory_space<vmem>>)
        tpu.yield
      }) : () -> ()
      %get3A = arith.constant 3 : i32
      %get3A_34 = arith.index_cast %get3A : i32 to index
      %get3A_35 = arith.constant 0 : index
      %get3A_36 = tpu.vector_load %arg13[%get3A_34, %get3A_35] {strides = array<i32>} : memref<4x80xi32, #tpu.memory_space<vmem>>, vector<1x16xi32>,
      %get3A_37 = vector.shape_cast %get3A_36 : vector<1x16xi32> to vector<16xi32>
      %shift_right_arithmetic3A = arith.constant 16 : i32
      %shift_right_arithmetic3A_38 = vector.broadcast %shift_right_arithmetic3A : i32 to vector<16xi32>
      %shift_right_arithmetic3A_39 = arith.shrsi %get3A_37, %shift_right_arithmetic3A_38 : vector<16xi32>
      %and3A = arith.constant 65535 : i32
      %and3A_40 = vector.broadcast %and3A : i32 to vector<16xi32>
      %and3A_41 = arith.andi %get3A_37, %and3A_40 : vector<16xi32>
      %add3A_42 = vector.broadcast %mul3A_12 : i32 to vector<16xi32>
      %add3A_43 = arith.addi %and3A_41, %add3A_42 : vector<16xi32>
      %swap3A = arith.constant 0 : i32
      %swap3A_44 = arith.index_cast %swap3A : i32 to index
      %swap3A_45 = arith.constant 0 : index
      %swap3A_46 = tpu.vector_load %arg13[%swap3A_44, %swap3A_45] {strides = array<i32>} : memref<4x80xi32, #tpu.memory_space<vmem>>, vector<1x16xi32>,
      %swap3A_47 = vector.shape_cast %swap3A_46 : vector<1x16xi32> to vector<16xi32>
      %swap3A_48 = vector.shape_cast %add3A_43 : vector<16xi32> to vector<1x16xi32>
      tpu.vector_store %arg13[%swap3A_44, %swap3A_45], %swap3A_48 {strides = array<i32>} : memref<4x80xi32, #tpu.memory_space<vmem>>, vector<1x16xi32>,
      %add3A_49 = vector.broadcast %mul3A_12 : i32 to vector<16xi32>
      %add3A_50 = arith.addi %shift_right_arithmetic3A_39, %add3A_49 : vector<16xi32>
      %swap3A_51 = arith.constant 1 : i32
      %swap3A_52 = arith.index_cast %swap3A_51 : i32 to index
      %swap3A_53 = arith.constant 0 : index
      %swap3A_54 = tpu.vector_load %arg13[%swap3A_52, %swap3A_53] {strides = array<i32>} : memref<4x80xi32, #tpu.memory_space<vmem>>, vector<1x16xi32>,
      %swap3A_55 = vector.shape_cast %swap3A_54 : vector<1x16xi32> to vector<16xi32>
      %swap3A_56 = vector.shape_cast %add3A_50 : vector<16xi32> to vector<1x16xi32>
      tpu.vector_store %arg13[%swap3A_52, %swap3A_53], %swap3A_56 {strides = array<i32>} : memref<4x80xi32, #tpu.memory_space<vmem>>, vector<1x16xi32>,
      %swap3A_57 = arith.constant 2 : i32
      %swap3A_58 = arith.index_cast %swap3A_57 : i32 to index
      %swap3A_59 = arith.constant 0 : index
      %swap3A_60 = tpu.vector_load %arg13[%swap3A_58, %swap3A_59] {strides = array<i32>} : memref<4x80xi32, #tpu.memory_space<vmem>>, vector<1x16xi32>,
      %swap3A_61 = vector.shape_cast %swap3A_60 : vector<1x16xi32> to vector<16xi32>
      %swap3A_62 = vector.shape_cast %shift_right_arithmetic3A_39 : vector<16xi32> to vector<1x16xi32>
      tpu.vector_store %arg13[%swap3A_58, %swap3A_59], %swap3A_62 {strides = array<i32>} : memref<4x80xi32, #tpu.memory_space<vmem>>, vector<1x16xi32>,
      %get3A_63 = arith.constant 3 : i32
      %get3A_64 = arith.index_cast %get3A_63 : i32 to index
      %get3A_65 = arith.constant 16 : index
      %get3A_66 = tpu.vector_load %arg13[%get3A_64, %get3A_65] {strides = array<i32>} : memref<4x80xi32, #tpu.memory_space<vmem>>, vector<1x16xi32>,
      %get3A_67 = vector.shape_cast %get3A_66 : vector<1x16xi32> to vector<16xi32>
      %shift_right_arithmetic3A_68 = arith.constant 16 : i32
      %shift_right_arithmetic3A_69 = vector.broadcast %shift_right_arithmetic3A_68 : i32 to vector<16xi32>
      %shift_right_arithmetic3A_70 = arith.shrsi %get3A_67, %shift_right_arithmetic3A_69 : vector<16xi32>
      %and3A_71 = arith.constant 65535 : i32
      %and3A_72 = vector.broadcast %and3A_71 : i32 to vector<16xi32>
      %and3A_73 = arith.andi %get3A_67, %and3A_72 : vector<16xi32>
      %add3A_74 = vector.broadcast %mul3A_12 : i32 to vector<16xi32>
      %add3A_75 = arith.addi %and3A_73, %add3A_74 : vector<16xi32>
      %swap3A_76 = arith.constant 0 : i32
      %swap3A_77 = arith.index_cast %swap3A_76 : i32 to index
      %swap3A_78 = arith.constant 16 : index
      %swap3A_79 = tpu.vector_load %arg13[%swap3A_77, %swap3A_78] {strides = array<i32>} : memref<4x80xi32, #tpu.memory_space<vmem>>, vector<1x16xi32>,
      %swap3A_80 = vector.shape_cast %swap3A_79 : vector<1x16xi32> to vector<16xi32>
      %swap3A_81 = vector.shape_cast %add3A_75 : vector<16xi32> to vector<1x16xi32>
      tpu.vector_store %arg13[%swap3A_77, %swap3A_78], %swap3A_81 {strides = array<i32>} : memref<4x80xi32, #tpu.memory_space<vmem>>, vector<1x16xi32>,
      %add3A_82 = vector.broadcast %mul3A_12 : i32 to vector<16xi32>
      %add3A_83 = arith.addi %shift_right_arithmetic3A_70, %add3A_82 : vector<16xi32>
      %swap3A_84 = arith.constant 1 : i32
      %swap3A_85 = arith.index_cast %swap3A_84 : i32 to index
      %swap3A_86 = arith.constant 16 : index
      %swap3A_87 = tpu.vector_load %arg13[%swap3A_85, %swap3A_86] {strides = array<i32>} : memref<4x80xi32, #tpu.memory_space<vmem>>, vector<1x16xi32>,
      %swap3A_88 = vector.shape_cast %swap3A_87 : vector<1x16xi32> to vector<16xi32>
      %swap3A_89 = vector.shape_cast %add3A_83 : vector<16xi32> to vector<1x16xi32>
      tpu.vector_store %arg13[%swap3A_85, %swap3A_86], %swap3A_89 {strides = array<i32>} : memref<4x80xi32, #tpu.memory_space<vmem>>, vector<1x16xi32>,
      %swap3A_90 = arith.constant 2 : i32
      %swap3A_91 = arith.index_cast %swap3A_90 : i32 to index
      %swap3A_92 = arith.constant 16 : index
      %swap3A_93 = tpu.vector_load %arg13[%swap3A_91, %swap3A_92] {strides = array<i32>} : memref<4x80xi32, #tpu.memory_space<vmem>>, vector<1x16xi32>,
      %swap3A_94 = vector.shape_cast %swap3A_93 : vector<1x16xi32> to vector<16xi32>
      %swap3A_95 = vector.shape_cast %shift_right_arithmetic3A_70 : vector<16xi32> to vector<1x16xi32>
      tpu.vector_store %arg13[%swap3A_91, %swap3A_92], %swap3A_95 {strides = array<i32>} : memref<4x80xi32, #tpu.memory_space<vmem>>, vector<1x16xi32>,
      %get3A_96 = arith.constant 3 : i32
      %get3A_97 = arith.index_cast %get3A_96 : i32 to index
      %get3A_98 = arith.constant 32 : index
      %get3A_99 = tpu.vector_load %arg13[%get3A_97, %get3A_98] {strides = array<i32>} : memref<4x80xi32, #tpu.memory_space<vmem>>, vector<1x16xi32>,
      %get3A_100 = vector.shape_cast %get3A_99 : vector<1x16xi32> to vector<16xi32>
      %shift_right_arithmetic3A_101 = arith.constant 16 : i32
      %shift_right_arithmetic3A_102 = vector.broadcast %shift_right_arithmetic3A_101 : i32 to vector<16xi32>
      %shift_right_arithmetic3A_103 = arith.shrsi %get3A_100, %shift_right_arithmetic3A_102 : vector<16xi32>
      %and3A_104 = arith.constant 65535 : i32
      %and3A_105 = vector.broadcast %and3A_104 : i32 to vector<16xi32>
      %and3A_106 = arith.andi %get3A_100, %and3A_105 : vector<16xi32>
      %add3A_107 = vector.broadcast %mul3A_12 : i32 to vector<16xi32>
      %add3A_108 = arith.addi %and3A_106, %add3A_107 : vector<16xi32>
      %swap3A_109 = arith.constant 0 : i32
      %swap3A_110 = arith.index_cast %swap3A_109 : i32 to index
      %swap3A_111 = arith.constant 32 : index
      %swap3A_112 = tpu.vector_load %arg13[%swap3A_110, %swap3A_111] {strides = array<i32>} : memref<4x80xi32, #tpu.memory_space<vmem>>, vector<1x16xi32>,
      %swap3A_113 = vector.shape_cast %swap3A_112 : vector<1x16xi32> to vector<16xi32>
      %swap3A_114 = vector.shape_cast %add3A_108 : vector<16xi32> to vector<1x16xi32>
      tpu.vector_store %arg13[%swap3A_110, %swap3A_111], %swap3A_114 {strides = array<i32>} : memref<4x80xi32, #tpu.memory_space<vmem>>, vector<1x16xi32>,
      %add3A_115 = vector.broadcast %mul3A_12 : i32 to vector<16xi32>
      %add3A_116 = arith.addi %shift_right_arithmetic3A_103, %add3A_115 : vector<16xi32>
      %swap3A_117 = arith.constant 1 : i32
      %swap3A_118 = arith.index_cast %swap3A_117 : i32 to index
      %swap3A_119 = arith.constant 32 : index
      %swap3A_120 = tpu.vector_load %arg13[%swap3A_118, %swap3A_119] {strides = array<i32>} : memref<4x80xi32, #tpu.memory_space<vmem>>, vector<1x16xi32>,
      %swap3A_121 = vector.shape_cast %swap3A_120 : vector<1x16xi32> to vector<16xi32>
      %swap3A_122 = vector.shape_cast %add3A_116 : vector<16xi32> to vector<1x16xi32>
      tpu.vector_store %arg13[%swap3A_118, %swap3A_119], %swap3A_122 {strides = array<i32>} : memref<4x80xi32, #tpu.memory_space<vmem>>, vector<1x16xi32>,
      %swap3A_123 = arith.constant 2 : i32
      %swap3A_124 = arith.index_cast %swap3A_123 : i32 to index
      %swap3A_125 = arith.constant 32 : index
      %swap3A_126 = tpu.vector_load %arg13[%swap3A_124, %swap3A_125] {strides = array<i32>} : memref<4x80xi32, #tpu.memory_space<vmem>>, vector<1x16xi32>,
      %swap3A_127 = vector.shape_cast %swap3A_126 : vector<1x16xi32> to vector<16xi32>
      %swap3A_128 = vector.shape_cast %shift_right_arithmetic3A_103 : vector<16xi32> to vector<1x16xi32>
      tpu.vector_store %arg13[%swap3A_124, %swap3A_125], %swap3A_128 {strides = array<i32>} : memref<4x80xi32, #tpu.memory_space<vmem>>, vector<1x16xi32>,
      %get3A_129 = arith.constant 3 : i32
      %get3A_130 = arith.index_cast %get3A_129 : i32 to index
      %get3A_131 = arith.constant 48 : index
      %get3A_132 = tpu.vector_load %arg13[%get3A_130, %get3A_131] {strides = array<i32>} : memref<4x80xi32, #tpu.memory_space<vmem>>, vector<1x16xi32>,
      %get3A_133 = vector.shape_cast %get3A_132 : vector<1x16xi32> to vector<16xi32>
      %shift_right_arithmetic3A_134 = arith.constant 16 : i32
      %shift_right_arithmetic3A_135 = vector.broadcast %shift_right_arithmetic3A_134 : i32 to vector<16xi32>
      %shift_right_arithmetic3A_136 = arith.shrsi %get3A_133, %shift_right_arithmetic3A_135 : vector<16xi32>
      %and3A_137 = arith.constant 65535 : i32
      %and3A_138 = vector.broadcast %and3A_137 : i32 to vector<16xi32>
      %and3A_139 = arith.andi %get3A_133, %and3A_138 : vector<16xi32>
      %add3A_140 = vector.broadcast %mul3A_12 : i32 to vector<16xi32>
      %add3A_141 = arith.addi %and3A_139, %add3A_140 : vector<16xi32>
      %swap3A_142 = arith.constant 0 : i32
      %swap3A_143 = arith.index_cast %swap3A_142 : i32 to index
      %swap3A_144 = arith.constant 48 : index
      %swap3A_145 = tpu.vector_load %arg13[%swap3A_143, %swap3A_144] {strides = array<i32>} : memref<4x80xi32, #tpu.memory_space<vmem>>, vector<1x16xi32>,
      %swap3A_146 = vector.shape_cast %swap3A_145 : vector<1x16xi32> to vector<16xi32>
      %swap3A_147 = vector.shape_cast %add3A_141 : vector<16xi32> to vector<1x16xi32>
      tpu.vector_store %arg13[%swap3A_143, %swap3A_144], %swap3A_147 {strides = array<i32>} : memref<4x80xi32, #tpu.memory_space<vmem>>, vector<1x16xi32>,
      %add3A_148 = vector.broadcast %mul3A_12 : i32 to vector<16xi32>
      %add3A_149 = arith.addi %shift_right_arithmetic3A_136, %add3A_148 : vector<16xi32>
      %swap3A_150 = arith.constant 1 : i32
      %swap3A_151 = arith.index_cast %swap3A_150 : i32 to index
      %swap3A_152 = arith.constant 48 : index
      %swap3A_153 = tpu.vector_load %arg13[%swap3A_151, %swap3A_152] {strides = array<i32>} : memref<4x80xi32, #tpu.memory_space<vmem>>, vector<1x16xi32>,
      %swap3A_154 = vector.shape_cast %swap3A_153 : vector<1x16xi32> to vector<16xi32>
      %swap3A_155 = vector.shape_cast %add3A_149 : vector<16xi32> to vector<1x16xi32>
      tpu.vector_store %arg13[%swap3A_151, %swap3A_152], %swap3A_155 {strides = array<i32>} : memref<4x80xi32, #tpu.memory_space<vmem>>, vector<1x16xi32>,
      %swap3A_156 = arith.constant 2 : i32
      %swap3A_157 = arith.index_cast %swap3A_156 : i32 to index
      %swap3A_158 = arith.constant 48 : index
      %swap3A_159 = tpu.vector_load %arg13[%swap3A_157, %swap3A_158] {strides = array<i32>} : memref<4x80xi32, #tpu.memory_space<vmem>>, vector<1x16xi32>,
      %swap3A_160 = vector.shape_cast %swap3A_159 : vector<1x16xi32> to vector<16xi32>
      %swap3A_161 = vector.shape_cast %shift_right_arithmetic3A_136 : vector<16xi32> to vector<1x16xi32>
      tpu.vector_store %arg13[%swap3A_157, %swap3A_158], %swap3A_161 {strides = array<i32>} : memref<4x80xi32, #tpu.memory_space<vmem>>, vector<1x16xi32>,
      %get3A_162 = arith.constant 3 : i32
      %get3A_163 = arith.index_cast %get3A_162 : i32 to index
      %get3A_164 = arith.constant 64 : index
      %get3A_165 = tpu.vector_load %arg13[%get3A_163, %get3A_164] {strides = array<i32>} : memref<4x80xi32, #tpu.memory_space<vmem>>, vector<1x16xi32>,
      %get3A_166 = vector.shape_cast %get3A_165 : vector<1x16xi32> to vector<16xi32>
      %shift_right_arithmetic3A_167 = arith.constant 16 : i32
      %shift_right_arithmetic3A_168 = vector.broadcast %shift_right_arithmetic3A_167 : i32 to vector<16xi32>
      %shift_right_arithmetic3A_169 = arith.shrsi %get3A_166, %shift_right_arithmetic3A_168 : vector<16xi32>
      %and3A_170 = arith.constant 65535 : i32
      %and3A_171 = vector.broadcast %and3A_170 : i32 to vector<16xi32>
      %and3A_172 = arith.andi %get3A_166, %and3A_171 : vector<16xi32>
      %add3A_173 = vector.broadcast %mul3A_12 : i32 to vector<16xi32>
      %add3A_174 = arith.addi %and3A_172, %add3A_173 : vector<16xi32>
      %swap3A_175 = arith.constant 0 : i32
      %swap3A_176 = arith.index_cast %swap3A_175 : i32 to index
      %swap3A_177 = arith.constant 64 : index
      %swap3A_178 = tpu.vector_load %arg13[%swap3A_176, %swap3A_177] {strides = array<i32>} : memref<4x80xi32, #tpu.memory_space<vmem>>, vector<1x16xi32>,
      %swap3A_179 = vector.shape_cast %swap3A_178 : vector<1x16xi32> to vector<16xi32>
      %swap3A_180 = vector.shape_cast %add3A_174 : vector<16xi32> to vector<1x16xi32>
      tpu.vector_store %arg13[%swap3A_176, %swap3A_177], %swap3A_180 {strides = array<i32>} : memref<4x80xi32, #tpu.memory_space<vmem>>, vector<1x16xi32>,
      %add3A_181 = vector.broadcast %mul3A_12 : i32 to vector<16xi32>
      %add3A_182 = arith.addi %shift_right_arithmetic3A_169, %add3A_181 : vector<16xi32>
      %swap3A_183 = arith.constant 1 : i32
      %swap3A_184 = arith.index_cast %swap3A_183 : i32 to index
      %swap3A_185 = arith.constant 64 : index
      %swap3A_186 = tpu.vector_load %arg13[%swap3A_184, %swap3A_185] {strides = array<i32>} : memref<4x80xi32, #tpu.memory_space<vmem>>, vector<1x16xi32>,
      %swap3A_187 = vector.shape_cast %swap3A_186 : vector<1x16xi32> to vector<16xi32>
      %swap3A_188 = vector.shape_cast %add3A_182 : vector<16xi32> to vector<1x16xi32>
      tpu.vector_store %arg13[%swap3A_184, %swap3A_185], %swap3A_188 {strides = array<i32>} : memref<4x80xi32, #tpu.memory_space<vmem>>, vector<1x16xi32>,
      %swap3A_189 = arith.constant 2 : i32
      %swap3A_190 = arith.index_cast %swap3A_189 : i32 to index
      %swap3A_191 = arith.constant 64 : index
      %swap3A_192 = tpu.vector_load %arg13[%swap3A_190, %swap3A_191] {strides = array<i32>} : memref<4x80xi32, #tpu.memory_space<vmem>>, vector<1x16xi32>,
      %swap3A_193 = vector.shape_cast %swap3A_192 : vector<1x16xi32> to vector<16xi32>
      %swap3A_194 = vector.shape_cast %shift_right_arithmetic3A_169 : vector<16xi32> to vector<1x16xi32>
      tpu.vector_store %arg13[%swap3A_190, %swap3A_191], %swap3A_194 {strides = array<i32>} : memref<4x80xi32, #tpu.memory_space<vmem>>, vector<1x16xi32>,
      "tpu.region"() ({
        %run_scoped3A_248 = tpu.sem_alloc : memref<!tpu.dma_semaphore, #tpu.memory_space<semaphore_mem>>
        %dma_start3A_249 = arith.constant 0 : i32
        %dma_start3A_250 = tpu.memref_slice %arg5[%add3A_33, %dma_start3A_249] : memref<320000x128xf32, #tpu.memory_space<hbm>> -> memref<80x128xf32, #tpu.memory_space<hbm>>
        %dma_start3A_251 = arith.constant 0 : i32
        %dma_start3A_252 = tpu.memref_slice %arg5[%add3A_33, %dma_start3A_251] : memref<320000x128xf32, #tpu.memory_space<hbm>> -> memref<80x128xf32, #tpu.memory_space<hbm>>
        tpu.enqueue_dma source(%dma_start3A_252 : memref<80x128xf32, #tpu.memory_space<hbm>>) target(%arg11 : memref<80x128xf32, #tpu.memory_space<vmem>>) target_semaphore(%run_scoped3A_248 : memref<!tpu.dma_semaphore, #tpu.memory_space<semaphore_mem>>)
        %dma_wait3A_253 = arith.constant 0 : i32
        %dma_wait3A_254 = tpu.memref_slice %arg5[%add3A_33, %dma_wait3A_253] : memref<320000x128xf32, #tpu.memory_space<hbm>> -> memref<80x128xf32, #tpu.memory_space<hbm>>
        %dma_wait3A_255 = arith.constant 0 : i32
        %dma_wait3A_256 = tpu.memref_slice %arg5[%add3A_33, %dma_wait3A_255] : memref<320000x128xf32, #tpu.memory_space<hbm>> -> memref<80x128xf32, #tpu.memory_space<hbm>>
        tpu.wait_dma2 semaphore(%run_scoped3A_248 : memref<!tpu.dma_semaphore, #tpu.memory_space<semaphore_mem>>) src(%dma_wait3A_256 : memref<80x128xf32, #tpu.memory_space<hbm>>) dst(%arg11 : memref<80x128xf32, #tpu.memory_space<vmem>>)
        tpu.yield
      }) : () -> ()
      %dma_start3A = arith.constant 0 : i32
      %dma_start3A_195 = arith.constant 0 : i32
      %dma_start3A_196 = tpu.memref_slice %arg13[%dma_start3A, %dma_start3A_195] : memref<4x80xi32, #tpu.memory_space<vmem>> -> memref<1x80xi32, #tpu.memory_space<vmem>>
      %dma_start3A_197 = tpu.memref_squeeze %dma_start3A_196 : memref<1x80xi32, #tpu.memory_space<vmem>> -> memref<80xi32, #tpu.memory_space<vmem>>
      %dma_start3A_198 = arith.constant 0 : i32
      %dma_start3A_199 = arith.constant 0 : i32
      %dma_start3A_200 = tpu.memref_slice %arg3[%dma_start3A_198, %dma_start3A_199] : memref<20000x128xf32, #tpu.memory_space<hbm>> -> memref<20000x128xf32, #tpu.memory_space<hbm>>
      tpu.enqueue_indirect_dma source(%dma_start3A_200 : memref<20000x128xf32, #tpu.memory_space<hbm>>) target(%arg10 : memref<80x128xf32, #tpu.memory_space<vmem>>) offsets(%dma_start3A_197 : memref<80xi32, #tpu.memory_space<vmem>>) semaphore(%arg15 : memref<!tpu.dma_semaphore, #tpu.memory_space<semaphore_mem>>)
      %dma_start3A_201 = arith.constant 1 : i32
      %dma_start3A_202 = arith.constant 0 : i32
      %dma_start3A_203 = tpu.memref_slice %arg13[%dma_start3A_201, %dma_start3A_202] : memref<4x80xi32, #tpu.memory_space<vmem>> -> memref<1x80xi32, #tpu.memory_space<vmem>>
      %dma_start3A_204 = tpu.memref_squeeze %dma_start3A_203 : memref<1x80xi32, #tpu.memory_space<vmem>> -> memref<80xi32, #tpu.memory_space<vmem>>
      %dma_start3A_205 = arith.constant 0 : i32
      %dma_start3A_206 = arith.constant 0 : i32
      %dma_start3A_207 = tpu.memref_slice %arg2[%dma_start3A_205, %dma_start3A_206] : memref<20000x128xf32, #tpu.memory_space<hbm>> -> memref<20000x128xf32, #tpu.memory_space<hbm>>
      tpu.enqueue_indirect_dma source(%dma_start3A_207 : memref<20000x128xf32, #tpu.memory_space<hbm>>) target(%arg9 : memref<80x128xf32, #tpu.memory_space<vmem>>) offsets(%dma_start3A_204 : memref<80xi32, #tpu.memory_space<vmem>>) semaphore(%arg15 : memref<!tpu.dma_semaphore, #tpu.memory_space<semaphore_mem>>)
      %dma_wait3A = arith.constant 0 : i32
      %dma_wait3A_208 = arith.constant 0 : i32
      %dma_wait3A_209 = tpu.memref_slice %arg13[%dma_wait3A, %dma_wait3A_208] : memref<4x80xi32, #tpu.memory_space<vmem>> -> memref<1x80xi32, #tpu.memory_space<vmem>>
      %dma_wait3A_210 = tpu.memref_squeeze %dma_wait3A_209 : memref<1x80xi32, #tpu.memory_space<vmem>> -> memref<80xi32, #tpu.memory_space<vmem>>
      %dma_wait3A_211 = arith.constant 0 : i32
      %dma_wait3A_212 = arith.constant 0 : i32
      %dma_wait3A_213 = tpu.memref_slice %arg3[%dma_wait3A_211, %dma_wait3A_212] : memref<20000x128xf32, #tpu.memory_space<hbm>> -> memref<20000x128xf32, #tpu.memory_space<hbm>>
      tpu.wait_indirect_dma semaphore(%arg15 : memref<!tpu.dma_semaphore, #tpu.memory_space<semaphore_mem>>) src(%dma_wait3A_213 : memref<20000x128xf32, #tpu.memory_space<hbm>>) dst(%arg10 : memref<80x128xf32, #tpu.memory_space<vmem>>)
      %dma_wait3A_214 = arith.constant 1 : i32
      %dma_wait3A_215 = arith.constant 0 : i32
      %dma_wait3A_216 = tpu.memref_slice %arg13[%dma_wait3A_214, %dma_wait3A_215] : memref<4x80xi32, #tpu.memory_space<vmem>> -> memref<1x80xi32, #tpu.memory_space<vmem>>
      %dma_wait3A_217 = tpu.memref_squeeze %dma_wait3A_216 : memref<1x80xi32, #tpu.memory_space<vmem>> -> memref<80xi32, #tpu.memory_space<vmem>>
      %dma_wait3A_218 = arith.constant 0 : i32
      %dma_wait3A_219 = arith.constant 0 : i32
      %dma_wait3A_220 = tpu.memref_slice %arg2[%dma_wait3A_218, %dma_wait3A_219] : memref<20000x128xf32, #tpu.memory_space<hbm>> -> memref<20000x128xf32, #tpu.memory_space<hbm>>
      tpu.wait_indirect_dma semaphore(%arg15 : memref<!tpu.dma_semaphore, #tpu.memory_space<semaphore_mem>>) src(%dma_wait3A_220 : memref<20000x128xf32, #tpu.memory_space<hbm>>) dst(%arg9 : memref<80x128xf32, #tpu.memory_space<vmem>>)
      %scan3A_221 = arith.constant 0 : i32
      %scan3A_222 = arith.constant 0 : i32
      %scan3A_223 = arith.constant 80 : i32
      %scan3A_224 = arith.addi %scan3A_222, %scan3A_223 : i32
      %scan3A_225 = arith.constant 1 : i32
      scf.for %scan3A_248 = %scan3A_222 to %scan3A_224 step %scan3A_225  : i32 {
        %broadcast_in_dim3A_249 = arith.constant 0.000000e+00 : f32
        %broadcast_in_dim3A_250 = vector.broadcast %broadcast_in_dim3A_249 : f32 to vector<16xf32>
        %get3A_251 = arith.index_cast %scan3A_248 : i32 to index
        %get3A_252 = arith.constant 0 : index
        %get3A_253 = tpu.vector_load %arg9[%get3A_251, %get3A_252] {strides = array<i32>} : memref<80x128xf32, #tpu.memory_space<vmem>>, vector<1x16xf32>,
        %get3A_254 = vector.shape_cast %get3A_253 : vector<1x16xf32> to vector<16xf32>
        %get3A_255 = arith.index_cast %scan3A_248 : i32 to index
        %get3A_256 = arith.constant 0 : index
        %get3A_257 = tpu.vector_load %arg10[%get3A_255, %get3A_256] {strides = array<i32>} : memref<80x128xf32, #tpu.memory_space<vmem>>, vector<1x16xf32>,
        %get3A_258 = vector.shape_cast %get3A_257 : vector<1x16xf32> to vector<16xf32>
        %get3A_259 = arith.index_cast %scan3A_248 : i32 to index
        %get3A_260 = arith.constant 0 : index
        %get3A_261 = tpu.vector_load %arg11[%get3A_259, %get3A_260] {strides = array<i32>} : memref<80x128xf32, #tpu.memory_space<vmem>>, vector<1x16xf32>,
        %get3A_262 = vector.shape_cast %get3A_261 : vector<1x16xf32> to vector<16xf32>
        %add3A_263 = arith.addf %get3A_258, %get3A_262 : vector<16xf32>
        %mul3A_264 = arith.mulf %get3A_254, %add3A_263 : vector<16xf32>
        %add3A_265 = arith.addf %broadcast_in_dim3A_250, %mul3A_264 : vector<16xf32>
        %get3A_266 = arith.index_cast %scan3A_248 : i32 to index
        %get3A_267 = arith.constant 16 : index
        %get3A_268 = tpu.vector_load %arg9[%get3A_266, %get3A_267] {strides = array<i32>} : memref<80x128xf32, #tpu.memory_space<vmem>>, vector<1x16xf32>,
        %get3A_269 = vector.shape_cast %get3A_268 : vector<1x16xf32> to vector<16xf32>
        %get3A_270 = arith.index_cast %scan3A_248 : i32 to index
        %get3A_271 = arith.constant 16 : index
        %get3A_272 = tpu.vector_load %arg10[%get3A_270, %get3A_271] {strides = array<i32>} : memref<80x128xf32, #tpu.memory_space<vmem>>, vector<1x16xf32>,
        %get3A_273 = vector.shape_cast %get3A_272 : vector<1x16xf32> to vector<16xf32>
        %get3A_274 = arith.index_cast %scan3A_248 : i32 to index
        %get3A_275 = arith.constant 16 : index
        %get3A_276 = tpu.vector_load %arg11[%get3A_274, %get3A_275] {strides = array<i32>} : memref<80x128xf32, #tpu.memory_space<vmem>>, vector<1x16xf32>,
        %get3A_277 = vector.shape_cast %get3A_276 : vector<1x16xf32> to vector<16xf32>
        %add3A_278 = arith.addf %get3A_273, %get3A_277 : vector<16xf32>
        %mul3A_279 = arith.mulf %get3A_269, %add3A_278 : vector<16xf32>
        %add3A_280 = arith.addf %add3A_265, %mul3A_279 : vector<16xf32>
        %xor3A = arith.constant 8 : i32
        %xor3A_281 = vector.broadcast %xor3A : i32 to vector<16xi32>
        %xor3A_282 = arith.xori %iota3A, %xor3A_281 : vector<16xi32>
        %broadcast_in_dim3A_283 = vector.shape_cast %xor3A_282 : vector<16xi32> to vector<16x1xi32>
        %gather3A = vector.shape_cast %broadcast_in_dim3A_283 : vector<16x1xi32> to vector<16xi32>
        %gather3A_284 = tpu.dynamic_gather %add3A_280[%gather3A] in [0] : vector<16xf32>, vector<16xi32> -> vector<16xf32>
        %add3A_285 = arith.addf %add3A_280, %gather3A_284 : vector<16xf32>
        %xor3A_286 = arith.constant 4 : i32
        %xor3A_287 = vector.broadcast %xor3A_286 : i32 to vector<16xi32>
        %xor3A_288 = arith.xori %iota3A, %xor3A_287 : vector<16xi32>
        %broadcast_in_dim3A_289 = vector.shape_cast %xor3A_288 : vector<16xi32> to vector<16x1xi32>
        %gather3A_290 = vector.shape_cast %broadcast_in_dim3A_289 : vector<16x1xi32> to vector<16xi32>
        %gather3A_291 = tpu.dynamic_gather %add3A_285[%gather3A_290] in [0] : vector<16xf32>, vector<16xi32> -> vector<16xf32>
        %add3A_292 = arith.addf %add3A_285, %gather3A_291 : vector<16xf32>
        %xor3A_293 = arith.constant 2 : i32
        %xor3A_294 = vector.broadcast %xor3A_293 : i32 to vector<16xi32>
        %xor3A_295 = arith.xori %iota3A, %xor3A_294 : vector<16xi32>
        %broadcast_in_dim3A_296 = vector.shape_cast %xor3A_295 : vector<16xi32> to vector<16x1xi32>
        %gather3A_297 = vector.shape_cast %broadcast_in_dim3A_296 : vector<16x1xi32> to vector<16xi32>
        %gather3A_298 = tpu.dynamic_gather %add3A_292[%gather3A_297] in [0] : vector<16xf32>, vector<16xi32> -> vector<16xf32>
        %add3A_299 = arith.addf %add3A_292, %gather3A_298 : vector<16xf32>
        %xor3A_300 = arith.constant 1 : i32
        %xor3A_301 = vector.broadcast %xor3A_300 : i32 to vector<16xi32>
        %xor3A_302 = arith.xori %iota3A, %xor3A_301 : vector<16xi32>
        %broadcast_in_dim3A_303 = vector.shape_cast %xor3A_302 : vector<16xi32> to vector<16x1xi32>
        %gather3A_304 = vector.shape_cast %broadcast_in_dim3A_303 : vector<16x1xi32> to vector<16xi32>
        %gather3A_305 = tpu.dynamic_gather %add3A_299[%gather3A_304] in [0] : vector<16xf32>, vector<16xi32> -> vector<16xf32>
        %add3A_306 = arith.addf %add3A_299, %gather3A_305 : vector<16xf32>
        %mul3A_307 = arith.constant 0.176776692 : f32
        %mul3A_308 = vector.broadcast %mul3A_307 : f32 to vector<16xf32>
        %mul3A_309 = arith.mulf %add3A_306, %mul3A_308 : vector<16xf32>
        %exp3A = math.exp %mul3A_309 : vector<16xf32>
        %broadcast_in_dim3A_310 = arith.constant 0.000000e+00 : f32
        %broadcast_in_dim3A_311 = vector.broadcast %broadcast_in_dim3A_310 : f32 to vector<16xf32>
        %get3A_312 = arith.index_cast %scan3A_248 : i32 to index
        %get3A_313 = arith.constant 32 : index
        %get3A_314 = tpu.vector_load %arg9[%get3A_312, %get3A_313] {strides = array<i32>} : memref<80x128xf32, #tpu.memory_space<vmem>>, vector<1x16xf32>,
        %get3A_315 = vector.shape_cast %get3A_314 : vector<1x16xf32> to vector<16xf32>
        %get3A_316 = arith.index_cast %scan3A_248 : i32 to index
        %get3A_317 = arith.constant 32 : index
        %get3A_318 = tpu.vector_load %arg10[%get3A_316, %get3A_317] {strides = array<i32>} : memref<80x128xf32, #tpu.memory_space<vmem>>, vector<1x16xf32>,
        %get3A_319 = vector.shape_cast %get3A_318 : vector<1x16xf32> to vector<16xf32>
        %get3A_320 = arith.index_cast %scan3A_248 : i32 to index
        %get3A_321 = arith.constant 32 : index
        %get3A_322 = tpu.vector_load %arg11[%get3A_320, %get3A_321] {strides = array<i32>} : memref<80x128xf32, #tpu.memory_space<vmem>>, vector<1x16xf32>,
        %get3A_323 = vector.shape_cast %get3A_322 : vector<1x16xf32> to vector<16xf32>
        %add3A_324 = arith.addf %get3A_319, %get3A_323 : vector<16xf32>
        %mul3A_325 = arith.mulf %get3A_315, %add3A_324 : vector<16xf32>
        %add3A_326 = arith.addf %broadcast_in_dim3A_311, %mul3A_325 : vector<16xf32>
        %get3A_327 = arith.index_cast %scan3A_248 : i32 to index
        %get3A_328 = arith.constant 48 : index
        %get3A_329 = tpu.vector_load %arg9[%get3A_327, %get3A_328] {strides = array<i32>} : memref<80x128xf32, #tpu.memory_space<vmem>>, vector<1x16xf32>,
        %get3A_330 = vector.shape_cast %get3A_329 : vector<1x16xf32> to vector<16xf32>
        %get3A_331 = arith.index_cast %scan3A_248 : i32 to index
        %get3A_332 = arith.constant 48 : index
        %get3A_333 = tpu.vector_load %arg10[%get3A_331, %get3A_332] {strides = array<i32>} : memref<80x128xf32, #tpu.memory_space<vmem>>, vector<1x16xf32>,
        %get3A_334 = vector.shape_cast %get3A_333 : vector<1x16xf32> to vector<16xf32>
        %get3A_335 = arith.index_cast %scan3A_248 : i32 to index
        %get3A_336 = arith.constant 48 : index
        %get3A_337 = tpu.vector_load %arg11[%get3A_335, %get3A_336] {strides = array<i32>} : memref<80x128xf32, #tpu.memory_space<vmem>>, vector<1x16xf32>,
        %get3A_338 = vector.shape_cast %get3A_337 : vector<1x16xf32> to vector<16xf32>
        %add3A_339 = arith.addf %get3A_334, %get3A_338 : vector<16xf32>
        %mul3A_340 = arith.mulf %get3A_330, %add3A_339 : vector<16xf32>
        %add3A_341 = arith.addf %add3A_326, %mul3A_340 : vector<16xf32>
        %xor3A_342 = arith.constant 8 : i32
        %xor3A_343 = vector.broadcast %xor3A_342 : i32 to vector<16xi32>
        %xor3A_344 = arith.xori %iota3A, %xor3A_343 : vector<16xi32>
        %broadcast_in_dim3A_345 = vector.shape_cast %xor3A_344 : vector<16xi32> to vector<16x1xi32>
        %gather3A_346 = vector.shape_cast %broadcast_in_dim3A_345 : vector<16x1xi32> to vector<16xi32>
        %gather3A_347 = tpu.dynamic_gather %add3A_341[%gather3A_346] in [0] : vector<16xf32>, vector<16xi32> -> vector<16xf32>
        %add3A_348 = arith.addf %add3A_341, %gather3A_347 : vector<16xf32>
        %xor3A_349 = arith.constant 4 : i32
        %xor3A_350 = vector.broadcast %xor3A_349 : i32 to vector<16xi32>
        %xor3A_351 = arith.xori %iota3A, %xor3A_350 : vector<16xi32>
        %broadcast_in_dim3A_352 = vector.shape_cast %xor3A_351 : vector<16xi32> to vector<16x1xi32>
        %gather3A_353 = vector.shape_cast %broadcast_in_dim3A_352 : vector<16x1xi32> to vector<16xi32>
        %gather3A_354 = tpu.dynamic_gather %add3A_348[%gather3A_353] in [0] : vector<16xf32>, vector<16xi32> -> vector<16xf32>
        %add3A_355 = arith.addf %add3A_348, %gather3A_354 : vector<16xf32>
        %xor3A_356 = arith.constant 2 : i32
        %xor3A_357 = vector.broadcast %xor3A_356 : i32 to vector<16xi32>
        %xor3A_358 = arith.xori %iota3A, %xor3A_357 : vector<16xi32>
        %broadcast_in_dim3A_359 = vector.shape_cast %xor3A_358 : vector<16xi32> to vector<16x1xi32>
        %gather3A_360 = vector.shape_cast %broadcast_in_dim3A_359 : vector<16x1xi32> to vector<16xi32>
        %gather3A_361 = tpu.dynamic_gather %add3A_355[%gather3A_360] in [0] : vector<16xf32>, vector<16xi32> -> vector<16xf32>
        %add3A_362 = arith.addf %add3A_355, %gather3A_361 : vector<16xf32>
        %xor3A_363 = arith.constant 1 : i32
        %xor3A_364 = vector.broadcast %xor3A_363 : i32 to vector<16xi32>
        %xor3A_365 = arith.xori %iota3A, %xor3A_364 : vector<16xi32>
        %broadcast_in_dim3A_366 = vector.shape_cast %xor3A_365 : vector<16xi32> to vector<16x1xi32>
        %gather3A_367 = vector.shape_cast %broadcast_in_dim3A_366 : vector<16x1xi32> to vector<16xi32>
        %gather3A_368 = tpu.dynamic_gather %add3A_362[%gather3A_367] in [0] : vector<16xf32>, vector<16xi32> -> vector<16xf32>
        %add3A_369 = arith.addf %add3A_362, %gather3A_368 : vector<16xf32>
        %mul3A_370 = arith.constant 0.176776692 : f32
        %mul3A_371 = vector.broadcast %mul3A_370 : f32 to vector<16xf32>
        %mul3A_372 = arith.mulf %add3A_369, %mul3A_371 : vector<16xf32>
        %exp3A_373 = math.exp %mul3A_372 : vector<16xf32>
        %broadcast_in_dim3A_374 = arith.constant 0.000000e+00 : f32
        %broadcast_in_dim3A_375 = vector.broadcast %broadcast_in_dim3A_374 : f32 to vector<16xf32>
        %get3A_376 = arith.index_cast %scan3A_248 : i32 to index
        %get3A_377 = arith.constant 64 : index
        %get3A_378 = tpu.vector_load %arg9[%get3A_376, %get3A_377] {strides = array<i32>} : memref<80x128xf32, #tpu.memory_space<vmem>>, vector<1x16xf32>,
        %get3A_379 = vector.shape_cast %get3A_378 : vector<1x16xf32> to vector<16xf32>
        %get3A_380 = arith.index_cast %scan3A_248 : i32 to index
        %get3A_381 = arith.constant 64 : index
        %get3A_382 = tpu.vector_load %arg10[%get3A_380, %get3A_381] {strides = array<i32>} : memref<80x128xf32, #tpu.memory_space<vmem>>, vector<1x16xf32>,
        %get3A_383 = vector.shape_cast %get3A_382 : vector<1x16xf32> to vector<16xf32>
        %get3A_384 = arith.index_cast %scan3A_248 : i32 to index
        %get3A_385 = arith.constant 64 : index
        %get3A_386 = tpu.vector_load %arg11[%get3A_384, %get3A_385] {strides = array<i32>} : memref<80x128xf32, #tpu.memory_space<vmem>>, vector<1x16xf32>,
        %get3A_387 = vector.shape_cast %get3A_386 : vector<1x16xf32> to vector<16xf32>
        %add3A_388 = arith.addf %get3A_383, %get3A_387 : vector<16xf32>
        %mul3A_389 = arith.mulf %get3A_379, %add3A_388 : vector<16xf32>
        %add3A_390 = arith.addf %broadcast_in_dim3A_375, %mul3A_389 : vector<16xf32>
        %get3A_391 = arith.index_cast %scan3A_248 : i32 to index
        %get3A_392 = arith.constant 80 : index
        %get3A_393 = tpu.vector_load %arg9[%get3A_391, %get3A_392] {strides = array<i32>} : memref<80x128xf32, #tpu.memory_space<vmem>>, vector<1x16xf32>,
        %get3A_394 = vector.shape_cast %get3A_393 : vector<1x16xf32> to vector<16xf32>
        %get3A_395 = arith.index_cast %scan3A_248 : i32 to index
        %get3A_396 = arith.constant 80 : index
        %get3A_397 = tpu.vector_load %arg10[%get3A_395, %get3A_396] {strides = array<i32>} : memref<80x128xf32, #tpu.memory_space<vmem>>, vector<1x16xf32>,
        %get3A_398 = vector.shape_cast %get3A_397 : vector<1x16xf32> to vector<16xf32>
        %get3A_399 = arith.index_cast %scan3A_248 : i32 to index
        %get3A_400 = arith.constant 80 : index
        %get3A_401 = tpu.vector_load %arg11[%get3A_399, %get3A_400] {strides = array<i32>} : memref<80x128xf32, #tpu.memory_space<vmem>>, vector<1x16xf32>,
        %get3A_402 = vector.shape_cast %get3A_401 : vector<1x16xf32> to vector<16xf32>
        %add3A_403 = arith.addf %get3A_398, %get3A_402 : vector<16xf32>
        %mul3A_404 = arith.mulf %get3A_394, %add3A_403 : vector<16xf32>
        %add3A_405 = arith.addf %add3A_390, %mul3A_404 : vector<16xf32>
        %xor3A_406 = arith.constant 8 : i32
        %xor3A_407 = vector.broadcast %xor3A_406 : i32 to vector<16xi32>
        %xor3A_408 = arith.xori %iota3A, %xor3A_407 : vector<16xi32>
        %broadcast_in_dim3A_409 = vector.shape_cast %xor3A_408 : vector<16xi32> to vector<16x1xi32>
        %gather3A_410 = vector.shape_cast %broadcast_in_dim3A_409 : vector<16x1xi32> to vector<16xi32>
        %gather3A_411 = tpu.dynamic_gather %add3A_405[%gather3A_410] in [0] : vector<16xf32>, vector<16xi32> -> vector<16xf32>
        %add3A_412 = arith.addf %add3A_405, %gather3A_411 : vector<16xf32>
        %xor3A_413 = arith.constant 4 : i32
        %xor3A_414 = vector.broadcast %xor3A_413 : i32 to vector<16xi32>
        %xor3A_415 = arith.xori %iota3A, %xor3A_414 : vector<16xi32>
        %broadcast_in_dim3A_416 = vector.shape_cast %xor3A_415 : vector<16xi32> to vector<16x1xi32>
        %gather3A_417 = vector.shape_cast %broadcast_in_dim3A_416 : vector<16x1xi32> to vector<16xi32>
        %gather3A_418 = tpu.dynamic_gather %add3A_412[%gather3A_417] in [0] : vector<16xf32>, vector<16xi32> -> vector<16xf32>
        %add3A_419 = arith.addf %add3A_412, %gather3A_418 : vector<16xf32>
        %xor3A_420 = arith.constant 2 : i32
        %xor3A_421 = vector.broadcast %xor3A_420 : i32 to vector<16xi32>
        %xor3A_422 = arith.xori %iota3A, %xor3A_421 : vector<16xi32>
        %broadcast_in_dim3A_423 = vector.shape_cast %xor3A_422 : vector<16xi32> to vector<16x1xi32>
        %gather3A_424 = vector.shape_cast %broadcast_in_dim3A_423 : vector<16x1xi32> to vector<16xi32>
        %gather3A_425 = tpu.dynamic_gather %add3A_419[%gather3A_424] in [0] : vector<16xf32>, vector<16xi32> -> vector<16xf32>
        %add3A_426 = arith.addf %add3A_419, %gather3A_425 : vector<16xf32>
        %xor3A_427 = arith.constant 1 : i32
        %xor3A_428 = vector.broadcast %xor3A_427 : i32 to vector<16xi32>
        %xor3A_429 = arith.xori %iota3A, %xor3A_428 : vector<16xi32>
        %broadcast_in_dim3A_430 = vector.shape_cast %xor3A_429 : vector<16xi32> to vector<16x1xi32>
        %gather3A_431 = vector.shape_cast %broadcast_in_dim3A_430 : vector<16x1xi32> to vector<16xi32>
        %gather3A_432 = tpu.dynamic_gather %add3A_426[%gather3A_431] in [0] : vector<16xf32>, vector<16xi32> -> vector<16xf32>
        %add3A_433 = arith.addf %add3A_426, %gather3A_432 : vector<16xf32>
        %mul3A_434 = arith.constant 0.176776692 : f32
        %mul3A_435 = vector.broadcast %mul3A_434 : f32 to vector<16xf32>
        %mul3A_436 = arith.mulf %add3A_433, %mul3A_435 : vector<16xf32>
        %exp3A_437 = math.exp %mul3A_436 : vector<16xf32>
        %broadcast_in_dim3A_438 = arith.constant 0.000000e+00 : f32
        %broadcast_in_dim3A_439 = vector.broadcast %broadcast_in_dim3A_438 : f32 to vector<16xf32>
        %get3A_440 = arith.index_cast %scan3A_248 : i32 to index
        %get3A_441 = arith.constant 96 : index
        %get3A_442 = tpu.vector_load %arg9[%get3A_440, %get3A_441] {strides = array<i32>} : memref<80x128xf32, #tpu.memory_space<vmem>>, vector<1x16xf32>,
        %get3A_443 = vector.shape_cast %get3A_442 : vector<1x16xf32> to vector<16xf32>
        %get3A_444 = arith.index_cast %scan3A_248 : i32 to index
        %get3A_445 = arith.constant 96 : index
        %get3A_446 = tpu.vector_load %arg10[%get3A_444, %get3A_445] {strides = array<i32>} : memref<80x128xf32, #tpu.memory_space<vmem>>, vector<1x16xf32>,
        %get3A_447 = vector.shape_cast %get3A_446 : vector<1x16xf32> to vector<16xf32>
        %get3A_448 = arith.index_cast %scan3A_248 : i32 to index
        %get3A_449 = arith.constant 96 : index
        %get3A_450 = tpu.vector_load %arg11[%get3A_448, %get3A_449] {strides = array<i32>} : memref<80x128xf32, #tpu.memory_space<vmem>>, vector<1x16xf32>,
        %get3A_451 = vector.shape_cast %get3A_450 : vector<1x16xf32> to vector<16xf32>
        %add3A_452 = arith.addf %get3A_447, %get3A_451 : vector<16xf32>
        %mul3A_453 = arith.mulf %get3A_443, %add3A_452 : vector<16xf32>
        %add3A_454 = arith.addf %broadcast_in_dim3A_439, %mul3A_453 : vector<16xf32>
        %get3A_455 = arith.index_cast %scan3A_248 : i32 to index
        %get3A_456 = arith.constant 112 : index
        %get3A_457 = tpu.vector_load %arg9[%get3A_455, %get3A_456] {strides = array<i32>} : memref<80x128xf32, #tpu.memory_space<vmem>>, vector<1x16xf32>,
        %get3A_458 = vector.shape_cast %get3A_457 : vector<1x16xf32> to vector<16xf32>
        %get3A_459 = arith.index_cast %scan3A_248 : i32 to index
        %get3A_460 = arith.constant 112 : index
        %get3A_461 = tpu.vector_load %arg10[%get3A_459, %get3A_460] {strides = array<i32>} : memref<80x128xf32, #tpu.memory_space<vmem>>, vector<1x16xf32>,
        %get3A_462 = vector.shape_cast %get3A_461 : vector<1x16xf32> to vector<16xf32>
        %get3A_463 = arith.index_cast %scan3A_248 : i32 to index
        %get3A_464 = arith.constant 112 : index
        %get3A_465 = tpu.vector_load %arg11[%get3A_463, %get3A_464] {strides = array<i32>} : memref<80x128xf32, #tpu.memory_space<vmem>>, vector<1x16xf32>,
        %get3A_466 = vector.shape_cast %get3A_465 : vector<1x16xf32> to vector<16xf32>
        %add3A_467 = arith.addf %get3A_462, %get3A_466 : vector<16xf32>
        %mul3A_468 = arith.mulf %get3A_458, %add3A_467 : vector<16xf32>
        %add3A_469 = arith.addf %add3A_454, %mul3A_468 : vector<16xf32>
        %xor3A_470 = arith.constant 8 : i32
        %xor3A_471 = vector.broadcast %xor3A_470 : i32 to vector<16xi32>
        %xor3A_472 = arith.xori %iota3A, %xor3A_471 : vector<16xi32>
        %broadcast_in_dim3A_473 = vector.shape_cast %xor3A_472 : vector<16xi32> to vector<16x1xi32>
        %gather3A_474 = vector.shape_cast %broadcast_in_dim3A_473 : vector<16x1xi32> to vector<16xi32>
        %gather3A_475 = tpu.dynamic_gather %add3A_469[%gather3A_474] in [0] : vector<16xf32>, vector<16xi32> -> vector<16xf32>
        %add3A_476 = arith.addf %add3A_469, %gather3A_475 : vector<16xf32>
        %xor3A_477 = arith.constant 4 : i32
        %xor3A_478 = vector.broadcast %xor3A_477 : i32 to vector<16xi32>
        %xor3A_479 = arith.xori %iota3A, %xor3A_478 : vector<16xi32>
        %broadcast_in_dim3A_480 = vector.shape_cast %xor3A_479 : vector<16xi32> to vector<16x1xi32>
        %gather3A_481 = vector.shape_cast %broadcast_in_dim3A_480 : vector<16x1xi32> to vector<16xi32>
        %gather3A_482 = tpu.dynamic_gather %add3A_476[%gather3A_481] in [0] : vector<16xf32>, vector<16xi32> -> vector<16xf32>
        %add3A_483 = arith.addf %add3A_476, %gather3A_482 : vector<16xf32>
        %xor3A_484 = arith.constant 2 : i32
        %xor3A_485 = vector.broadcast %xor3A_484 : i32 to vector<16xi32>
        %xor3A_486 = arith.xori %iota3A, %xor3A_485 : vector<16xi32>
        %broadcast_in_dim3A_487 = vector.shape_cast %xor3A_486 : vector<16xi32> to vector<16x1xi32>
        %gather3A_488 = vector.shape_cast %broadcast_in_dim3A_487 : vector<16x1xi32> to vector<16xi32>
        %gather3A_489 = tpu.dynamic_gather %add3A_483[%gather3A_488] in [0] : vector<16xf32>, vector<16xi32> -> vector<16xf32>
        %add3A_490 = arith.addf %add3A_483, %gather3A_489 : vector<16xf32>
        %xor3A_491 = arith.constant 1 : i32
        %xor3A_492 = vector.broadcast %xor3A_491 : i32 to vector<16xi32>
        %xor3A_493 = arith.xori %iota3A, %xor3A_492 : vector<16xi32>
        %broadcast_in_dim3A_494 = vector.shape_cast %xor3A_493 : vector<16xi32> to vector<16x1xi32>
        %gather3A_495 = vector.shape_cast %broadcast_in_dim3A_494 : vector<16x1xi32> to vector<16xi32>
        %gather3A_496 = tpu.dynamic_gather %add3A_490[%gather3A_495] in [0] : vector<16xf32>, vector<16xi32> -> vector<16xf32>
        %add3A_497 = arith.addf %add3A_490, %gather3A_496 : vector<16xf32>
        %mul3A_498 = arith.constant 0.176776692 : f32
        %mul3A_499 = vector.broadcast %mul3A_498 : f32 to vector<16xf32>
        %mul3A_500 = arith.mulf %add3A_497, %mul3A_499 : vector<16xf32>
        %exp3A_501 = math.exp %mul3A_500 : vector<16xf32>
        %broadcast_in_dim3A_502 = arith.constant 0.000000e+00 : f32
        %broadcast_in_dim3A_503 = vector.broadcast %broadcast_in_dim3A_502 : f32 to vector<16xf32>
        %eq3A_504 = arith.constant 0 : i32
        %eq3A_505 = vector.broadcast %eq3A_504 : i32 to vector<16xi32>
        %eq3A_506 = arith.cmpi eq, %iota3A, %eq3A_505 : vector<16xi32>
        %select_n3A = arith.select %eq3A_506, %exp3A, %broadcast_in_dim3A_503 : vector<16xi1>, vector<16xf32>
        %eq3A_507 = arith.constant 1 : i32
        %eq3A_508 = vector.broadcast %eq3A_507 : i32 to vector<16xi32>
        %eq3A_509 = arith.cmpi eq, %iota3A, %eq3A_508 : vector<16xi32>
        %select_n3A_510 = arith.select %eq3A_509, %exp3A_373, %select_n3A : vector<16xi1>, vector<16xf32>
        %eq3A_511 = arith.constant 2 : i32
        %eq3A_512 = vector.broadcast %eq3A_511 : i32 to vector<16xi32>
        %eq3A_513 = arith.cmpi eq, %iota3A, %eq3A_512 : vector<16xi32>
        %select_n3A_514 = arith.select %eq3A_513, %exp3A_437, %select_n3A_510 : vector<16xi1>, vector<16xf32>
        %eq3A_515 = arith.constant 3 : i32
        %eq3A_516 = vector.broadcast %eq3A_515 : i32 to vector<16xi32>
        %eq3A_517 = arith.cmpi eq, %iota3A, %eq3A_516 : vector<16xi32>
        %select_n3A_518 = arith.select %eq3A_517, %exp3A_501, %select_n3A_514 : vector<16xi1>, vector<16xf32>
        %swap3A_519 = arith.index_cast %scan3A_248 : i32 to index
        %swap3A_520 = arith.constant 0 : index
        %swap3A_521 = tpu.vector_load %arg12[%swap3A_519, %swap3A_520] {strides = array<i32>} : memref<80x16xf32, #tpu.memory_space<vmem>>, vector<1x16xf32>,
        %swap3A_522 = vector.shape_cast %swap3A_521 : vector<1x16xf32> to vector<16xf32>
        %swap3A_523 = vector.shape_cast %select_n3A_518 : vector<16xf32> to vector<1x16xf32>
        tpu.vector_store %arg12[%swap3A_519, %swap3A_520], %swap3A_523 {strides = array<i32>} : memref<80x16xf32, #tpu.memory_space<vmem>>, vector<1x16xf32>,
      }
      %scan3A_226 = arith.constant 80 : i32
      %dma_start3A_227 = arith.constant 0 : i32
      %dma_start3A_228 = arith.constant 0 : i32
      %dma_start3A_229 = tpu.memref_slice %arg13[%dma_start3A_227, %dma_start3A_228] : memref<4x80xi32, #tpu.memory_space<vmem>> -> memref<1x80xi32, #tpu.memory_space<vmem>>
      %dma_start3A_230 = tpu.memref_squeeze %dma_start3A_229 : memref<1x80xi32, #tpu.memory_space<vmem>> -> memref<80xi32, #tpu.memory_space<vmem>>
      %dma_start3A_231 = arith.constant 0 : i32
      %dma_start3A_232 = arith.constant 0 : i32
      %dma_start3A_233 = tpu.memref_slice %arg4[%dma_start3A_231, %dma_start3A_232] : memref<20000x128xf32, #tpu.memory_space<hbm>> -> memref<20000x128xf32, #tpu.memory_space<hbm>>
      tpu.enqueue_indirect_dma source(%dma_start3A_233 : memref<20000x128xf32, #tpu.memory_space<hbm>>) target(%arg10 : memref<80x128xf32, #tpu.memory_space<vmem>>) offsets(%dma_start3A_230 : memref<80xi32, #tpu.memory_space<vmem>>) semaphore(%arg15 : memref<!tpu.dma_semaphore, #tpu.memory_space<semaphore_mem>>)
      %dma_wait3A_234 = arith.constant 0 : i32
      %dma_wait3A_235 = arith.constant 0 : i32
      %dma_wait3A_236 = tpu.memref_slice %arg13[%dma_wait3A_234, %dma_wait3A_235] : memref<4x80xi32, #tpu.memory_space<vmem>> -> memref<1x80xi32, #tpu.memory_space<vmem>>
      %dma_wait3A_237 = tpu.memref_squeeze %dma_wait3A_236 : memref<1x80xi32, #tpu.memory_space<vmem>> -> memref<80xi32, #tpu.memory_space<vmem>>
      %dma_wait3A_238 = arith.constant 0 : i32
      %dma_wait3A_239 = arith.constant 0 : i32
      %dma_wait3A_240 = tpu.memref_slice %arg4[%dma_wait3A_238, %dma_wait3A_239] : memref<20000x128xf32, #tpu.memory_space<hbm>> -> memref<20000x128xf32, #tpu.memory_space<hbm>>
      tpu.wait_indirect_dma semaphore(%arg15 : memref<!tpu.dma_semaphore, #tpu.memory_space<semaphore_mem>>) src(%dma_wait3A_240 : memref<20000x128xf32, #tpu.memory_space<hbm>>) dst(%arg10 : memref<80x128xf32, #tpu.memory_space<vmem>>)
      %scan3A_241 = arith.constant 0 : i32
      %scan3A_242 = arith.constant 0 : i32
      %scan3A_243 = arith.constant 80 : i32
      %scan3A_244 = arith.addi %scan3A_242, %scan3A_243 : i32
      %scan3A_245 = arith.constant 1 : i32
      scf.for %scan3A_248 = %scan3A_242 to %scan3A_244 step %scan3A_245  : i32 {
        %get3A_249 = arith.index_cast %scan3A_248 : i32 to index
        %get3A_250 = arith.constant 0 : index
        %get3A_251 = tpu.vector_load %arg12[%get3A_249, %get3A_250] {strides = array<i32>} : memref<80x16xf32, #tpu.memory_space<vmem>>, vector<1x16xf32>,
        %get3A_252 = vector.shape_cast %get3A_251 : vector<1x16xf32> to vector<16xf32>
        %broadcast_in_dim3A_253 = arith.constant 0 : i32
        %broadcast_in_dim3A_254 = vector.broadcast %broadcast_in_dim3A_253 : i32 to vector<16xi32>
        %broadcast_in_dim3A_255 = vector.shape_cast %broadcast_in_dim3A_254 : vector<16xi32> to vector<16x1xi32>
        %gather3A = vector.shape_cast %broadcast_in_dim3A_255 : vector<16x1xi32> to vector<16xi32>
        %gather3A_256 = tpu.dynamic_gather %get3A_252[%gather3A] in [0] : vector<16xf32>, vector<16xi32> -> vector<16xf32>
        %get3A_257 = arith.index_cast %scan3A_248 : i32 to index
        %get3A_258 = arith.constant 0 : index
        %get3A_259 = tpu.vector_load %arg10[%get3A_257, %get3A_258] {strides = array<i32>} : memref<80x128xf32, #tpu.memory_space<vmem>>, vector<1x16xf32>,
        %get3A_260 = vector.shape_cast %get3A_259 : vector<1x16xf32> to vector<16xf32>
        %get3A_261 = arith.index_cast %scan3A_248 : i32 to index
        %get3A_262 = arith.constant 0 : index
        %get3A_263 = tpu.vector_load %arg11[%get3A_261, %get3A_262] {strides = array<i32>} : memref<80x128xf32, #tpu.memory_space<vmem>>, vector<1x16xf32>,
        %get3A_264 = vector.shape_cast %get3A_263 : vector<1x16xf32> to vector<16xf32>
        %add3A_265 = arith.addf %get3A_260, %get3A_264 : vector<16xf32>
        %mul3A_266 = arith.mulf %gather3A_256, %add3A_265 : vector<16xf32>
        %swap3A_267 = arith.index_cast %scan3A_248 : i32 to index
        %swap3A_268 = arith.constant 0 : index
        %swap3A_269 = tpu.vector_load %arg9[%swap3A_267, %swap3A_268] {strides = array<i32>} : memref<80x128xf32, #tpu.memory_space<vmem>>, vector<1x16xf32>,
        %swap3A_270 = vector.shape_cast %swap3A_269 : vector<1x16xf32> to vector<16xf32>
        %swap3A_271 = vector.shape_cast %mul3A_266 : vector<16xf32> to vector<1x16xf32>
        tpu.vector_store %arg9[%swap3A_267, %swap3A_268], %swap3A_271 {strides = array<i32>} : memref<80x128xf32, #tpu.memory_space<vmem>>, vector<1x16xf32>,
        %get3A_272 = arith.index_cast %scan3A_248 : i32 to index
        %get3A_273 = arith.constant 16 : index
        %get3A_274 = tpu.vector_load %arg10[%get3A_272, %get3A_273] {strides = array<i32>} : memref<80x128xf32, #tpu.memory_space<vmem>>, vector<1x16xf32>,
        %get3A_275 = vector.shape_cast %get3A_274 : vector<1x16xf32> to vector<16xf32>
        %get3A_276 = arith.index_cast %scan3A_248 : i32 to index
        %get3A_277 = arith.constant 16 : index
        %get3A_278 = tpu.vector_load %arg11[%get3A_276, %get3A_277] {strides = array<i32>} : memref<80x128xf32, #tpu.memory_space<vmem>>, vector<1x16xf32>,
        %get3A_279 = vector.shape_cast %get3A_278 : vector<1x16xf32> to vector<16xf32>
        %add3A_280 = arith.addf %get3A_275, %get3A_279 : vector<16xf32>
        %mul3A_281 = arith.mulf %gather3A_256, %add3A_280 : vector<16xf32>
        %swap3A_282 = arith.index_cast %scan3A_248 : i32 to index
        %swap3A_283 = arith.constant 16 : index
        %swap3A_284 = tpu.vector_load %arg9[%swap3A_282, %swap3A_283] {strides = array<i32>} : memref<80x128xf32, #tpu.memory_space<vmem>>, vector<1x16xf32>,
        %swap3A_285 = vector.shape_cast %swap3A_284 : vector<1x16xf32> to vector<16xf32>
        %swap3A_286 = vector.shape_cast %mul3A_281 : vector<16xf32> to vector<1x16xf32>
        tpu.vector_store %arg9[%swap3A_282, %swap3A_283], %swap3A_286 {strides = array<i32>} : memref<80x128xf32, #tpu.memory_space<vmem>>, vector<1x16xf32>,
        %broadcast_in_dim3A_287 = arith.constant 1 : i32
        %broadcast_in_dim3A_288 = vector.broadcast %broadcast_in_dim3A_287 : i32 to vector<16xi32>
        %broadcast_in_dim3A_289 = vector.shape_cast %broadcast_in_dim3A_288 : vector<16xi32> to vector<16x1xi32>
        %gather3A_290 = vector.shape_cast %broadcast_in_dim3A_289 : vector<16x1xi32> to vector<16xi32>
        %gather3A_291 = tpu.dynamic_gather %get3A_252[%gather3A_290] in [0] : vector<16xf32>, vector<16xi32> -> vector<16xf32>
        %get3A_292 = arith.index_cast %scan3A_248 : i32 to index
        %get3A_293 = arith.constant 32 : index
        %get3A_294 = tpu.vector_load %arg10[%get3A_292, %get3A_293] {strides = array<i32>} : memref<80x128xf32, #tpu.memory_space<vmem>>, vector<1x16xf32>,
        %get3A_295 = vector.shape_cast %get3A_294 : vector<1x16xf32> to vector<16xf32>
        %get3A_296 = arith.index_cast %scan3A_248 : i32 to index
        %get3A_297 = arith.constant 32 : index
        %get3A_298 = tpu.vector_load %arg11[%get3A_296, %get3A_297] {strides = array<i32>} : memref<80x128xf32, #tpu.memory_space<vmem>>, vector<1x16xf32>,
        %get3A_299 = vector.shape_cast %get3A_298 : vector<1x16xf32> to vector<16xf32>
        %add3A_300 = arith.addf %get3A_295, %get3A_299 : vector<16xf32>
        %mul3A_301 = arith.mulf %gather3A_291, %add3A_300 : vector<16xf32>
        %swap3A_302 = arith.index_cast %scan3A_248 : i32 to index
        %swap3A_303 = arith.constant 32 : index
        %swap3A_304 = tpu.vector_load %arg9[%swap3A_302, %swap3A_303] {strides = array<i32>} : memref<80x128xf32, #tpu.memory_space<vmem>>, vector<1x16xf32>,
        %swap3A_305 = vector.shape_cast %swap3A_304 : vector<1x16xf32> to vector<16xf32>
        %swap3A_306 = vector.shape_cast %mul3A_301 : vector<16xf32> to vector<1x16xf32>
        tpu.vector_store %arg9[%swap3A_302, %swap3A_303], %swap3A_306 {strides = array<i32>} : memref<80x128xf32, #tpu.memory_space<vmem>>, vector<1x16xf32>,
        %get3A_307 = arith.index_cast %scan3A_248 : i32 to index
        %get3A_308 = arith.constant 48 : index
        %get3A_309 = tpu.vector_load %arg10[%get3A_307, %get3A_308] {strides = array<i32>} : memref<80x128xf32, #tpu.memory_space<vmem>>, vector<1x16xf32>,
        %get3A_310 = vector.shape_cast %get3A_309 : vector<1x16xf32> to vector<16xf32>
        %get3A_311 = arith.index_cast %scan3A_248 : i32 to index
        %get3A_312 = arith.constant 48 : index
        %get3A_313 = tpu.vector_load %arg11[%get3A_311, %get3A_312] {strides = array<i32>} : memref<80x128xf32, #tpu.memory_space<vmem>>, vector<1x16xf32>,
        %get3A_314 = vector.shape_cast %get3A_313 : vector<1x16xf32> to vector<16xf32>
        %add3A_315 = arith.addf %get3A_310, %get3A_314 : vector<16xf32>
        %mul3A_316 = arith.mulf %gather3A_291, %add3A_315 : vector<16xf32>
        %swap3A_317 = arith.index_cast %scan3A_248 : i32 to index
        %swap3A_318 = arith.constant 48 : index
        %swap3A_319 = tpu.vector_load %arg9[%swap3A_317, %swap3A_318] {strides = array<i32>} : memref<80x128xf32, #tpu.memory_space<vmem>>, vector<1x16xf32>,
        %swap3A_320 = vector.shape_cast %swap3A_319 : vector<1x16xf32> to vector<16xf32>
        %swap3A_321 = vector.shape_cast %mul3A_316 : vector<16xf32> to vector<1x16xf32>
        tpu.vector_store %arg9[%swap3A_317, %swap3A_318], %swap3A_321 {strides = array<i32>} : memref<80x128xf32, #tpu.memory_space<vmem>>, vector<1x16xf32>,
        %broadcast_in_dim3A_322 = arith.constant 2 : i32
        %broadcast_in_dim3A_323 = vector.broadcast %broadcast_in_dim3A_322 : i32 to vector<16xi32>
        %broadcast_in_dim3A_324 = vector.shape_cast %broadcast_in_dim3A_323 : vector<16xi32> to vector<16x1xi32>
        %gather3A_325 = vector.shape_cast %broadcast_in_dim3A_324 : vector<16x1xi32> to vector<16xi32>
        %gather3A_326 = tpu.dynamic_gather %get3A_252[%gather3A_325] in [0] : vector<16xf32>, vector<16xi32> -> vector<16xf32>
        %get3A_327 = arith.index_cast %scan3A_248 : i32 to index
        %get3A_328 = arith.constant 64 : index
        %get3A_329 = tpu.vector_load %arg10[%get3A_327, %get3A_328] {strides = array<i32>} : memref<80x128xf32, #tpu.memory_space<vmem>>, vector<1x16xf32>,
        %get3A_330 = vector.shape_cast %get3A_329 : vector<1x16xf32> to vector<16xf32>
        %get3A_331 = arith.index_cast %scan3A_248 : i32 to index
        %get3A_332 = arith.constant 64 : index
        %get3A_333 = tpu.vector_load %arg11[%get3A_331, %get3A_332] {strides = array<i32>} : memref<80x128xf32, #tpu.memory_space<vmem>>, vector<1x16xf32>,
        %get3A_334 = vector.shape_cast %get3A_333 : vector<1x16xf32> to vector<16xf32>
        %add3A_335 = arith.addf %get3A_330, %get3A_334 : vector<16xf32>
        %mul3A_336 = arith.mulf %gather3A_326, %add3A_335 : vector<16xf32>
        %swap3A_337 = arith.index_cast %scan3A_248 : i32 to index
        %swap3A_338 = arith.constant 64 : index
        %swap3A_339 = tpu.vector_load %arg9[%swap3A_337, %swap3A_338] {strides = array<i32>} : memref<80x128xf32, #tpu.memory_space<vmem>>, vector<1x16xf32>,
        %swap3A_340 = vector.shape_cast %swap3A_339 : vector<1x16xf32> to vector<16xf32>
        %swap3A_341 = vector.shape_cast %mul3A_336 : vector<16xf32> to vector<1x16xf32>
        tpu.vector_store %arg9[%swap3A_337, %swap3A_338], %swap3A_341 {strides = array<i32>} : memref<80x128xf32, #tpu.memory_space<vmem>>, vector<1x16xf32>,
        %get3A_342 = arith.index_cast %scan3A_248 : i32 to index
        %get3A_343 = arith.constant 80 : index
        %get3A_344 = tpu.vector_load %arg10[%get3A_342, %get3A_343] {strides = array<i32>} : memref<80x128xf32, #tpu.memory_space<vmem>>, vector<1x16xf32>,
        %get3A_345 = vector.shape_cast %get3A_344 : vector<1x16xf32> to vector<16xf32>
        %get3A_346 = arith.index_cast %scan3A_248 : i32 to index
        %get3A_347 = arith.constant 80 : index
        %get3A_348 = tpu.vector_load %arg11[%get3A_346, %get3A_347] {strides = array<i32>} : memref<80x128xf32, #tpu.memory_space<vmem>>, vector<1x16xf32>,
        %get3A_349 = vector.shape_cast %get3A_348 : vector<1x16xf32> to vector<16xf32>
        %add3A_350 = arith.addf %get3A_345, %get3A_349 : vector<16xf32>
        %mul3A_351 = arith.mulf %gather3A_326, %add3A_350 : vector<16xf32>
        %swap3A_352 = arith.index_cast %scan3A_248 : i32 to index
        %swap3A_353 = arith.constant 80 : index
        %swap3A_354 = tpu.vector_load %arg9[%swap3A_352, %swap3A_353] {strides = array<i32>} : memref<80x128xf32, #tpu.memory_space<vmem>>, vector<1x16xf32>,
        %swap3A_355 = vector.shape_cast %swap3A_354 : vector<1x16xf32> to vector<16xf32>
        %swap3A_356 = vector.shape_cast %mul3A_351 : vector<16xf32> to vector<1x16xf32>
        tpu.vector_store %arg9[%swap3A_352, %swap3A_353], %swap3A_356 {strides = array<i32>} : memref<80x128xf32, #tpu.memory_space<vmem>>, vector<1x16xf32>,
        %broadcast_in_dim3A_357 = arith.constant 3 : i32
        %broadcast_in_dim3A_358 = vector.broadcast %broadcast_in_dim3A_357 : i32 to vector<16xi32>
        %broadcast_in_dim3A_359 = vector.shape_cast %broadcast_in_dim3A_358 : vector<16xi32> to vector<16x1xi32>
        %gather3A_360 = vector.shape_cast %broadcast_in_dim3A_359 : vector<16x1xi32> to vector<16xi32>
        %gather3A_361 = tpu.dynamic_gather %get3A_252[%gather3A_360] in [0] : vector<16xf32>, vector<16xi32> -> vector<16xf32>
        %get3A_362 = arith.index_cast %scan3A_248 : i32 to index
        %get3A_363 = arith.constant 96 : index
        %get3A_364 = tpu.vector_load %arg10[%get3A_362, %get3A_363] {strides = array<i32>} : memref<80x128xf32, #tpu.memory_space<vmem>>, vector<1x16xf32>,
        %get3A_365 = vector.shape_cast %get3A_364 : vector<1x16xf32> to vector<16xf32>
        %get3A_366 = arith.index_cast %scan3A_248 : i32 to index
        %get3A_367 = arith.constant 96 : index
        %get3A_368 = tpu.vector_load %arg11[%get3A_366, %get3A_367] {strides = array<i32>} : memref<80x128xf32, #tpu.memory_space<vmem>>, vector<1x16xf32>,
        %get3A_369 = vector.shape_cast %get3A_368 : vector<1x16xf32> to vector<16xf32>
        %add3A_370 = arith.addf %get3A_365, %get3A_369 : vector<16xf32>
        %mul3A_371 = arith.mulf %gather3A_361, %add3A_370 : vector<16xf32>
        %swap3A_372 = arith.index_cast %scan3A_248 : i32 to index
        %swap3A_373 = arith.constant 96 : index
        %swap3A_374 = tpu.vector_load %arg9[%swap3A_372, %swap3A_373] {strides = array<i32>} : memref<80x128xf32, #tpu.memory_space<vmem>>, vector<1x16xf32>,
        %swap3A_375 = vector.shape_cast %swap3A_374 : vector<1x16xf32> to vector<16xf32>
        %swap3A_376 = vector.shape_cast %mul3A_371 : vector<16xf32> to vector<1x16xf32>
        tpu.vector_store %arg9[%swap3A_372, %swap3A_373], %swap3A_376 {strides = array<i32>} : memref<80x128xf32, #tpu.memory_space<vmem>>, vector<1x16xf32>,
        %get3A_377 = arith.index_cast %scan3A_248 : i32 to index
        %get3A_378 = arith.constant 112 : index
        %get3A_379 = tpu.vector_load %arg10[%get3A_377, %get3A_378] {strides = array<i32>} : memref<80x128xf32, #tpu.memory_space<vmem>>, vector<1x16xf32>,
        %get3A_380 = vector.shape_cast %get3A_379 : vector<1x16xf32> to vector<16xf32>
        %get3A_381 = arith.index_cast %scan3A_248 : i32 to index
        %get3A_382 = arith.constant 112 : index
        %get3A_383 = tpu.vector_load %arg11[%get3A_381, %get3A_382] {strides = array<i32>} : memref<80x128xf32, #tpu.memory_space<vmem>>, vector<1x16xf32>,
        %get3A_384 = vector.shape_cast %get3A_383 : vector<1x16xf32> to vector<16xf32>
        %add3A_385 = arith.addf %get3A_380, %get3A_384 : vector<16xf32>
        %mul3A_386 = arith.mulf %gather3A_361, %add3A_385 : vector<16xf32>
        %swap3A_387 = arith.index_cast %scan3A_248 : i32 to index
        %swap3A_388 = arith.constant 112 : index
        %swap3A_389 = tpu.vector_load %arg9[%swap3A_387, %swap3A_388] {strides = array<i32>} : memref<80x128xf32, #tpu.memory_space<vmem>>, vector<1x16xf32>,
        %swap3A_390 = vector.shape_cast %swap3A_389 : vector<1x16xf32> to vector<16xf32>
        %swap3A_391 = vector.shape_cast %mul3A_386 : vector<16xf32> to vector<1x16xf32>
        tpu.vector_store %arg9[%swap3A_387, %swap3A_388], %swap3A_391 {strides = array<i32>} : memref<80x128xf32, #tpu.memory_space<vmem>>, vector<1x16xf32>,
      }
      %scan3A_246 = arith.constant 80 : i32
      %run_scoped3A_247 = arith.constant 2 : i32
      "tpu.region"() ({
        %run_scoped3A_248 = tpu.sem_alloc : memref<!tpu.dma_semaphore, #tpu.memory_space<semaphore_mem>>
        %dma_start3A_249 = arith.constant 0 : i32
        %dma_start3A_250 = tpu.memref_slice %arg13[%run_scoped3A_247, %dma_start3A_249] : memref<4x80xi32, #tpu.memory_space<vmem>> -> memref<1x80xi32, #tpu.memory_space<vmem>>
        %dma_start3A_251 = tpu.memref_squeeze %dma_start3A_250 : memref<1x80xi32, #tpu.memory_space<vmem>> -> memref<80xi32, #tpu.memory_space<vmem>>
        %dma_start3A_252 = arith.constant 0 : i32
        %dma_start3A_253 = arith.constant 0 : i32
        %dma_start3A_254 = tpu.memref_slice %arg14[%dma_start3A_252, %dma_start3A_253] : memref<10000x128xf32, #tpu.memory_space<vmem_shared>> -> memref<10000x128xf32, #tpu.memory_space<vmem_shared>>
        tpu.enqueue_indirect_dma source(%arg9 : memref<80x128xf32, #tpu.memory_space<vmem>>) target(%dma_start3A_254 : memref<10000x128xf32, #tpu.memory_space<vmem_shared>>) offsets(%dma_start3A_251 : memref<80xi32, #tpu.memory_space<vmem>>) semaphore(%run_scoped3A_248 : memref<!tpu.dma_semaphore, #tpu.memory_space<semaphore_mem>>) {add = true}
        %dma_wait3A_255 = arith.constant 0 : i32
        %dma_wait3A_256 = tpu.memref_slice %arg13[%run_scoped3A_247, %dma_wait3A_255] : memref<4x80xi32, #tpu.memory_space<vmem>> -> memref<1x80xi32, #tpu.memory_space<vmem>>
        %dma_wait3A_257 = tpu.memref_squeeze %dma_wait3A_256 : memref<1x80xi32, #tpu.memory_space<vmem>> -> memref<80xi32, #tpu.memory_space<vmem>>
        %dma_wait3A_258 = arith.constant 0 : i32
        %dma_wait3A_259 = arith.constant 0 : i32
        %dma_wait3A_260 = tpu.memref_slice %arg14[%dma_wait3A_258, %dma_wait3A_259] : memref<10000x128xf32, #tpu.memory_space<vmem_shared>> -> memref<10000x128xf32, #tpu.memory_space<vmem_shared>>
        tpu.wait_indirect_dma semaphore(%run_scoped3A_248 : memref<!tpu.dma_semaphore, #tpu.memory_space<semaphore_mem>>) src(%arg9 : memref<80x128xf32, #tpu.memory_space<vmem>>) dst(%dma_wait3A_260 : memref<10000x128xf32, #tpu.memory_space<vmem_shared>>)
        tpu.yield
      }) : () -> ()
      "tpu.region"() ({
        %run_scoped3A_248 = tpu.sem_alloc : memref<!tpu.dma_semaphore, #tpu.memory_space<semaphore_mem>>
        %dma_start3A_249 = arith.constant 0 : i32
        %dma_start3A_250 = tpu.memref_slice %arg8[%add3A_33, %dma_start3A_249] : memref<320000x16xf32, #tpu.memory_space<hbm>> -> memref<80x16xf32, #tpu.memory_space<hbm>>
        %dma_start3A_251 = arith.constant 0 : i32
        %dma_start3A_252 = tpu.memref_slice %arg8[%add3A_33, %dma_start3A_251] : memref<320000x16xf32, #tpu.memory_space<hbm>> -> memref<80x16xf32, #tpu.memory_space<hbm>>
        tpu.enqueue_dma source(%arg12 : memref<80x16xf32, #tpu.memory_space<vmem>>) target(%dma_start3A_252 : memref<80x16xf32, #tpu.memory_space<hbm>>) target_semaphore(%run_scoped3A_248 : memref<!tpu.dma_semaphore, #tpu.memory_space<semaphore_mem>>)
        %dma_wait3A_253 = arith.constant 0 : i32
        %dma_wait3A_254 = tpu.memref_slice %arg8[%add3A_33, %dma_wait3A_253] : memref<320000x16xf32, #tpu.memory_space<hbm>> -> memref<80x16xf32, #tpu.memory_space<hbm>>
        %dma_wait3A_255 = arith.constant 0 : i32
        %dma_wait3A_256 = tpu.memref_slice %arg8[%add3A_33, %dma_wait3A_255] : memref<320000x16xf32, #tpu.memory_space<hbm>> -> memref<80x16xf32, #tpu.memory_space<hbm>>
        tpu.wait_dma2 semaphore(%run_scoped3A_248 : memref<!tpu.dma_semaphore, #tpu.memory_space<semaphore_mem>>) src(%arg12 : memref<80x16xf32, #tpu.memory_space<vmem>>) dst(%dma_wait3A_256 : memref<80x16xf32, #tpu.memory_space<hbm>>)
        tpu.yield
      }) : () -> ()
    }
    %scan3A_18 = arith.constant 125 : i32
    %barrier3A_19 = arith.constant 0 : index
    tpu.barrier barrier_id(%barrier3A_19)
    %lt3A = arith.constant 15 : i32
    %lt3A_20 = arith.cmpi slt, %arg1, %lt3A : i32
    %convert_element_type3A = arith.extui %lt3A_20 : i1 to i32
    %cond3A = arith.constant 0 : i32
    %cond3A_21 = arith.cmpi ne, %convert_element_type3A, %cond3A : i32
    scf.if %cond3A_21 {
      %mul3A_26 = arith.constant 624 : i32
      %mul3A_27 = arith.muli %arg1, %mul3A_26 : i32
      %mul3A_28 = arith.constant 10000 : i32
      %mul3A_29 = arith.muli %arg0, %mul3A_28 : i32
      %mul3A_30 = arith.constant 624 : i32
      %mul3A_31 = arith.muli %arg1, %mul3A_30 : i32
      %add3A = arith.addi %mul3A_29, %mul3A_31 : i32
      "tpu.region"() ({
        %run_scoped3A = tpu.sem_alloc : memref<!tpu.dma_semaphore, #tpu.memory_space<semaphore_mem>>
        %dma_start3A = arith.constant 0 : i32
        %dma_start3A_32 = tpu.memref_slice %arg7[%add3A, %dma_start3A] : memref<20000x128xf32, #tpu.memory_space<hbm>> -> memref<624x128xf32, #tpu.memory_space<hbm>>
        %dma_start3A_33 = arith.constant 0 : i32
        %dma_start3A_34 = tpu.memref_slice %arg14[%mul3A_27, %dma_start3A_33] : memref<10000x128xf32, #tpu.memory_space<vmem_shared>> -> memref<624x128xf32, #tpu.memory_space<vmem_shared>>
        tpu.enqueue_dma source(%dma_start3A_34 : memref<624x128xf32, #tpu.memory_space<vmem_shared>>) target(%dma_start3A_32 : memref<624x128xf32, #tpu.memory_space<hbm>>) target_semaphore(%run_scoped3A : memref<!tpu.dma_semaphore, #tpu.memory_space<semaphore_mem>>)
        %dma_wait3A = arith.constant 0 : i32
        %dma_wait3A_35 = tpu.memref_slice %arg7[%add3A, %dma_wait3A] : memref<20000x128xf32, #tpu.memory_space<hbm>> -> memref<624x128xf32, #tpu.memory_space<hbm>>
        %dma_wait3A_36 = arith.constant 0 : i32
        %dma_wait3A_37 = tpu.memref_slice %arg14[%mul3A_27, %dma_wait3A_36] : memref<10000x128xf32, #tpu.memory_space<vmem_shared>> -> memref<624x128xf32, #tpu.memory_space<vmem_shared>>
        tpu.wait_dma2 semaphore(%run_scoped3A : memref<!tpu.dma_semaphore, #tpu.memory_space<semaphore_mem>>) src(%dma_wait3A_37 : memref<624x128xf32, #tpu.memory_space<vmem_shared>>) dst(%dma_wait3A_35 : memref<624x128xf32, #tpu.memory_space<hbm>>)
        tpu.yield
      }) : () -> ()
    } else {
    }
    %eq3A = arith.constant 15 : i32
    %eq3A_22 = arith.cmpi eq, %arg1, %eq3A : i32
    %convert_element_type3A_23 = arith.extui %eq3A_22 : i1 to i32
    %cond3A_24 = arith.constant 0 : i32
    %cond3A_25 = arith.cmpi ne, %convert_element_type3A_23, %cond3A_24 : i32
    scf.if %cond3A_25 {
      %mul3A_26 = arith.constant 10000 : i32
      %mul3A_27 = arith.muli %arg0, %mul3A_26 : i32
      %add3A = arith.constant 9360 : i32
      %add3A_28 = arith.addi %mul3A_27, %add3A : i32
      "tpu.region"() ({
        %run_scoped3A = tpu.sem_alloc : memref<!tpu.dma_semaphore, #tpu.memory_space<semaphore_mem>>
        %dma_start3A = arith.constant 0 : i32
        %dma_start3A_29 = tpu.memref_slice %arg7[%add3A_28, %dma_start3A] : memref<20000x128xf32, #tpu.memory_space<hbm>> -> memref<640x128xf32, #tpu.memory_space<hbm>>
        %dma_start3A_30 = arith.constant 9360 : i32
        %dma_start3A_31 = arith.constant 0 : i32
        %dma_start3A_32 = tpu.memref_slice %arg14[%dma_start3A_30, %dma_start3A_31] : memref<10000x128xf32, #tpu.memory_space<vmem_shared>> -> memref<640x128xf32, #tpu.memory_space<vmem_shared>>
        tpu.enqueue_dma source(%dma_start3A_32 : memref<640x128xf32, #tpu.memory_space<vmem_shared>>) target(%dma_start3A_29 : memref<640x128xf32, #tpu.memory_space<hbm>>) target_semaphore(%run_scoped3A : memref<!tpu.dma_semaphore, #tpu.memory_space<semaphore_mem>>)
        %dma_wait3A = arith.constant 0 : i32
        %dma_wait3A_33 = tpu.memref_slice %arg7[%add3A_28, %dma_wait3A] : memref<20000x128xf32, #tpu.memory_space<hbm>> -> memref<640x128xf32, #tpu.memory_space<hbm>>
        %dma_wait3A_34 = arith.constant 9360 : i32
        %dma_wait3A_35 = arith.constant 0 : i32
        %dma_wait3A_36 = tpu.memref_slice %arg14[%dma_wait3A_34, %dma_wait3A_35] : memref<10000x128xf32, #tpu.memory_space<vmem_shared>> -> memref<640x128xf32, #tpu.memory_space<vmem_shared>>
        tpu.wait_dma2 semaphore(%run_scoped3A : memref<!tpu.dma_semaphore, #tpu.memory_space<semaphore_mem>>) src(%dma_wait3A_36 : memref<640x128xf32, #tpu.memory_space<vmem_shared>>) dst(%dma_wait3A_33 : memref<640x128xf32, #tpu.memory_space<hbm>>)
        tpu.yield
      }) : () -> ()
    } else {
    }
    return
  }
}

#map = affine_map<(d0, d1) -> (0, 0)>
#map1 = affine_map<(d0, d1) -> (0)>
module attributes {stable_mosaic.version = 14 : i64} {
  func.func @den_sc(%arg0: i32, %arg1: i32, %arg2: memref<320000x16xf32, #tpu.memory_space<hbm>>, %arg3: memref<160000xi32, #tpu.memory_space<hbm>>, %arg4: memref<20000x128xf32, #tpu.memory_space<hbm>>, %arg5: memref<80x16xf32, #tpu.memory_space<vmem>>, %arg6: memref<80x128xf32, #tpu.memory_space<vmem>>, %arg7: memref<2x80xi32, #tpu.memory_space<vmem>>, %arg8: memref<10000x128xf32, #tpu.memory_space<vmem_shared>>, %arg9: memref<!tpu.dma_semaphore, #tpu.memory_space<semaphore_mem>>) attributes {dimension_semantics = [#tpu.dimension_semantics<core_parallel>, #tpu.dimension_semantics<subcore_parallel>], iteration_bounds = array<i64: 2, 16>, scalar_prefetch = 0 : i64, scratch_operands = 5 : i64, tpu.core_type = #tpu.core_type<sc_vector_subcore>, window_params = [{transform_indices = #map}, {transform_indices = #map1}, {transform_indices = #map}]} {
    %broadcast_in_dim3A = arith.constant 0.000000e+00 : f32
    %broadcast_in_dim3A_0 = vector.broadcast %broadcast_in_dim3A : f32 to vector<16xf32>
    %scan3A = arith.constant 0 : i32
    %scan3A_1 = arith.constant 0 : i32
    %scan3A_2 = arith.constant 80 : i32
    %scan3A_3 = arith.addi %scan3A_1, %scan3A_2 : i32
    %scan3A_4 = arith.constant 1 : i32
    scf.for %scan3A_25 = %scan3A_1 to %scan3A_3 step %scan3A_4  : i32 {
      %swap3A = arith.index_cast %scan3A_25 : i32 to index
      %swap3A_26 = arith.constant 0 : index
      %swap3A_27 = tpu.vector_load %arg6[%swap3A, %swap3A_26] {strides = array<i32>} : memref<80x128xf32, #tpu.memory_space<vmem>>, vector<1x16xf32>,
      %swap3A_28 = vector.shape_cast %swap3A_27 : vector<1x16xf32> to vector<16xf32>
      %swap3A_29 = vector.shape_cast %broadcast_in_dim3A_0 : vector<16xf32> to vector<1x16xf32>
      tpu.vector_store %arg6[%swap3A, %swap3A_26], %swap3A_29 {strides = array<i32>} : memref<80x128xf32, #tpu.memory_space<vmem>>, vector<1x16xf32>,
      %swap3A_30 = arith.index_cast %scan3A_25 : i32 to index
      %swap3A_31 = arith.constant 16 : index
      %swap3A_32 = tpu.vector_load %arg6[%swap3A_30, %swap3A_31] {strides = array<i32>} : memref<80x128xf32, #tpu.memory_space<vmem>>, vector<1x16xf32>,
      %swap3A_33 = vector.shape_cast %swap3A_32 : vector<1x16xf32> to vector<16xf32>
      %swap3A_34 = vector.shape_cast %broadcast_in_dim3A_0 : vector<16xf32> to vector<1x16xf32>
      tpu.vector_store %arg6[%swap3A_30, %swap3A_31], %swap3A_34 {strides = array<i32>} : memref<80x128xf32, #tpu.memory_space<vmem>>, vector<1x16xf32>,
      %swap3A_35 = arith.index_cast %scan3A_25 : i32 to index
      %swap3A_36 = arith.constant 32 : index
      %swap3A_37 = tpu.vector_load %arg6[%swap3A_35, %swap3A_36] {strides = array<i32>} : memref<80x128xf32, #tpu.memory_space<vmem>>, vector<1x16xf32>,
      %swap3A_38 = vector.shape_cast %swap3A_37 : vector<1x16xf32> to vector<16xf32>
      %swap3A_39 = vector.shape_cast %broadcast_in_dim3A_0 : vector<16xf32> to vector<1x16xf32>
      tpu.vector_store %arg6[%swap3A_35, %swap3A_36], %swap3A_39 {strides = array<i32>} : memref<80x128xf32, #tpu.memory_space<vmem>>, vector<1x16xf32>,
      %swap3A_40 = arith.index_cast %scan3A_25 : i32 to index
      %swap3A_41 = arith.constant 48 : index
      %swap3A_42 = tpu.vector_load %arg6[%swap3A_40, %swap3A_41] {strides = array<i32>} : memref<80x128xf32, #tpu.memory_space<vmem>>, vector<1x16xf32>,
      %swap3A_43 = vector.shape_cast %swap3A_42 : vector<1x16xf32> to vector<16xf32>
      %swap3A_44 = vector.shape_cast %broadcast_in_dim3A_0 : vector<16xf32> to vector<1x16xf32>
      tpu.vector_store %arg6[%swap3A_40, %swap3A_41], %swap3A_44 {strides = array<i32>} : memref<80x128xf32, #tpu.memory_space<vmem>>, vector<1x16xf32>,
      %swap3A_45 = arith.index_cast %scan3A_25 : i32 to index
      %swap3A_46 = arith.constant 64 : index
      %swap3A_47 = tpu.vector_load %arg6[%swap3A_45, %swap3A_46] {strides = array<i32>} : memref<80x128xf32, #tpu.memory_space<vmem>>, vector<1x16xf32>,
      %swap3A_48 = vector.shape_cast %swap3A_47 : vector<1x16xf32> to vector<16xf32>
      %swap3A_49 = vector.shape_cast %broadcast_in_dim3A_0 : vector<16xf32> to vector<1x16xf32>
      tpu.vector_store %arg6[%swap3A_45, %swap3A_46], %swap3A_49 {strides = array<i32>} : memref<80x128xf32, #tpu.memory_space<vmem>>, vector<1x16xf32>,
      %swap3A_50 = arith.index_cast %scan3A_25 : i32 to index
      %swap3A_51 = arith.constant 80 : index
      %swap3A_52 = tpu.vector_load %arg6[%swap3A_50, %swap3A_51] {strides = array<i32>} : memref<80x128xf32, #tpu.memory_space<vmem>>, vector<1x16xf32>,
      %swap3A_53 = vector.shape_cast %swap3A_52 : vector<1x16xf32> to vector<16xf32>
      %swap3A_54 = vector.shape_cast %broadcast_in_dim3A_0 : vector<16xf32> to vector<1x16xf32>
      tpu.vector_store %arg6[%swap3A_50, %swap3A_51], %swap3A_54 {strides = array<i32>} : memref<80x128xf32, #tpu.memory_space<vmem>>, vector<1x16xf32>,
      %swap3A_55 = arith.index_cast %scan3A_25 : i32 to index
      %swap3A_56 = arith.constant 96 : index
      %swap3A_57 = tpu.vector_load %arg6[%swap3A_55, %swap3A_56] {strides = array<i32>} : memref<80x128xf32, #tpu.memory_space<vmem>>, vector<1x16xf32>,
      %swap3A_58 = vector.shape_cast %swap3A_57 : vector<1x16xf32> to vector<16xf32>
      %swap3A_59 = vector.shape_cast %broadcast_in_dim3A_0 : vector<16xf32> to vector<1x16xf32>
      tpu.vector_store %arg6[%swap3A_55, %swap3A_56], %swap3A_59 {strides = array<i32>} : memref<80x128xf32, #tpu.memory_space<vmem>>, vector<1x16xf32>,
      %swap3A_60 = arith.index_cast %scan3A_25 : i32 to index
      %swap3A_61 = arith.constant 112 : index
      %swap3A_62 = tpu.vector_load %arg6[%swap3A_60, %swap3A_61] {strides = array<i32>} : memref<80x128xf32, #tpu.memory_space<vmem>>, vector<1x16xf32>,
      %swap3A_63 = vector.shape_cast %swap3A_62 : vector<1x16xf32> to vector<16xf32>
      %swap3A_64 = vector.shape_cast %broadcast_in_dim3A_0 : vector<16xf32> to vector<1x16xf32>
      tpu.vector_store %arg6[%swap3A_60, %swap3A_61], %swap3A_64 {strides = array<i32>} : memref<80x128xf32, #tpu.memory_space<vmem>>, vector<1x16xf32>,
    }
    %scan3A_5 = arith.constant 80 : i32
    %scan3A_6 = arith.constant 0 : i32
    %scan3A_7 = arith.constant 0 : i32
    %scan3A_8 = arith.constant 8 : i32
    %scan3A_9 = arith.addi %scan3A_7, %scan3A_8 : i32
    %scan3A_10 = arith.constant 1 : i32
    scf.for %scan3A_25 = %scan3A_7 to %scan3A_9 step %scan3A_10  : i32 {
      %mul3A = arith.constant 624 : i32
      %mul3A_26 = arith.muli %arg1, %mul3A : i32
      %mul3A_27 = arith.constant 80 : i32
      %mul3A_28 = arith.muli %scan3A_25, %mul3A_27 : i32
      %add3A = arith.addi %mul3A_26, %mul3A_28 : i32
      "tpu.region"() ({
        %run_scoped3A = tpu.sem_alloc : memref<!tpu.dma_semaphore, #tpu.memory_space<semaphore_mem>>
        %dma_start3A = arith.constant 0 : i32
        %dma_start3A_29 = tpu.memref_slice %arg8[%add3A, %dma_start3A] : memref<10000x128xf32, #tpu.memory_space<vmem_shared>> -> memref<80x128xf32, #tpu.memory_space<vmem_shared>>
        %dma_start3A_30 = arith.constant 0 : i32
        %dma_start3A_31 = tpu.memref_slice %arg8[%add3A, %dma_start3A_30] : memref<10000x128xf32, #tpu.memory_space<vmem_shared>> -> memref<80x128xf32, #tpu.memory_space<vmem_shared>>
        tpu.enqueue_dma source(%arg6 : memref<80x128xf32, #tpu.memory_space<vmem>>) target(%dma_start3A_31 : memref<80x128xf32, #tpu.memory_space<vmem_shared>>) target_semaphore(%run_scoped3A : memref<!tpu.dma_semaphore, #tpu.memory_space<semaphore_mem>>)
        %dma_wait3A = arith.constant 0 : i32
        %dma_wait3A_32 = tpu.memref_slice %arg8[%add3A, %dma_wait3A] : memref<10000x128xf32, #tpu.memory_space<vmem_shared>> -> memref<80x128xf32, #tpu.memory_space<vmem_shared>>
        %dma_wait3A_33 = arith.constant 0 : i32
        %dma_wait3A_34 = tpu.memref_slice %arg8[%add3A, %dma_wait3A_33] : memref<10000x128xf32, #tpu.memory_space<vmem_shared>> -> memref<80x128xf32, #tpu.memory_space<vmem_shared>>
        tpu.wait_dma2 semaphore(%run_scoped3A : memref<!tpu.dma_semaphore, #tpu.memory_space<semaphore_mem>>) src(%arg6 : memref<80x128xf32, #tpu.memory_space<vmem>>) dst(%dma_wait3A_34 : memref<80x128xf32, #tpu.memory_space<vmem_shared>>)
        tpu.yield
      }) : () -> ()
    }
    %scan3A_11 = arith.constant 8 : i32
    %barrier3A = arith.constant 0 : index
    tpu.barrier barrier_id(%barrier3A)
    %scan3A_12 = arith.constant 0 : i32
    %scan3A_13 = arith.constant 0 : i32
    %scan3A_14 = arith.constant 125 : i32
    %scan3A_15 = arith.addi %scan3A_13, %scan3A_14 : i32
    %scan3A_16 = arith.constant 1 : i32
    scf.for %scan3A_25 = %scan3A_13 to %scan3A_15 step %scan3A_16  : i32 {
      %mul3A = arith.constant 10000 : i32
      %mul3A_26 = arith.muli %arg1, %mul3A : i32
      %mul3A_27 = arith.constant 80 : i32
      %mul3A_28 = arith.muli %scan3A_25, %mul3A_27 : i32
      %add3A = arith.addi %mul3A_26, %mul3A_28 : i32
      %run_scoped3A = arith.constant 1 : i32
      "tpu.region"() ({
        %run_scoped3A_106 = tpu.sem_alloc : memref<!tpu.dma_semaphore, #tpu.memory_space<semaphore_mem>>
        %dma_start3A = arith.constant 0 : i32
        %dma_start3A_107 = tpu.memref_slice %arg7[%run_scoped3A, %dma_start3A] : memref<2x80xi32, #tpu.memory_space<vmem>> -> memref<1x80xi32, #tpu.memory_space<vmem>>
        %dma_start3A_108 = tpu.memref_squeeze %dma_start3A_107 : memref<1x80xi32, #tpu.memory_space<vmem>> -> memref<80xi32, #tpu.memory_space<vmem>>
        %dma_start3A_109 = tpu.memref_slice %arg3[%add3A] : memref<160000xi32, #tpu.memory_space<hbm>> -> memref<80xi32, #tpu.memory_space<hbm>>
        %dma_start3A_110 = arith.constant 0 : i32
        %dma_start3A_111 = tpu.memref_slice %arg7[%run_scoped3A, %dma_start3A_110] : memref<2x80xi32, #tpu.memory_space<vmem>> -> memref<1x80xi32, #tpu.memory_space<vmem>>
        %dma_start3A_112 = tpu.memref_squeeze %dma_start3A_111 : memref<1x80xi32, #tpu.memory_space<vmem>> -> memref<80xi32, #tpu.memory_space<vmem>>
        %dma_start3A_113 = tpu.memref_slice %arg3[%add3A] : memref<160000xi32, #tpu.memory_space<hbm>> -> memref<80xi32, #tpu.memory_space<hbm>>
        tpu.enqueue_dma source(%dma_start3A_113 : memref<80xi32, #tpu.memory_space<hbm>>) target(%dma_start3A_112 : memref<80xi32, #tpu.memory_space<vmem>>) target_semaphore(%run_scoped3A_106 : memref<!tpu.dma_semaphore, #tpu.memory_space<semaphore_mem>>)
        %dma_wait3A = arith.constant 0 : i32
        %dma_wait3A_114 = tpu.memref_slice %arg7[%run_scoped3A, %dma_wait3A] : memref<2x80xi32, #tpu.memory_space<vmem>> -> memref<1x80xi32, #tpu.memory_space<vmem>>
        %dma_wait3A_115 = tpu.memref_squeeze %dma_wait3A_114 : memref<1x80xi32, #tpu.memory_space<vmem>> -> memref<80xi32, #tpu.memory_space<vmem>>
        %dma_wait3A_116 = tpu.memref_slice %arg3[%add3A] : memref<160000xi32, #tpu.memory_space<hbm>> -> memref<80xi32, #tpu.memory_space<hbm>>
        %dma_wait3A_117 = arith.constant 0 : i32
        %dma_wait3A_118 = tpu.memref_slice %arg7[%run_scoped3A, %dma_wait3A_117] : memref<2x80xi32, #tpu.memory_space<vmem>> -> memref<1x80xi32, #tpu.memory_space<vmem>>
        %dma_wait3A_119 = tpu.memref_squeeze %dma_wait3A_118 : memref<1x80xi32, #tpu.memory_space<vmem>> -> memref<80xi32, #tpu.memory_space<vmem>>
        %dma_wait3A_120 = tpu.memref_slice %arg3[%add3A] : memref<160000xi32, #tpu.memory_space<hbm>> -> memref<80xi32, #tpu.memory_space<hbm>>
        tpu.wait_dma2 semaphore(%run_scoped3A_106 : memref<!tpu.dma_semaphore, #tpu.memory_space<semaphore_mem>>) src(%dma_wait3A_120 : memref<80xi32, #tpu.memory_space<hbm>>) dst(%dma_wait3A_119 : memref<80xi32, #tpu.memory_space<vmem>>)
        tpu.yield
      }) : () -> ()
      %get3A = arith.constant 1 : i32
      %get3A_29 = arith.index_cast %get3A : i32 to index
      %get3A_30 = arith.constant 0 : index
      %get3A_31 = tpu.vector_load %arg7[%get3A_29, %get3A_30] {strides = array<i32>} : memref<2x80xi32, #tpu.memory_space<vmem>>, vector<1x16xi32>,
      %get3A_32 = vector.shape_cast %get3A_31 : vector<1x16xi32> to vector<16xi32>
      %shift_right_arithmetic3A = arith.constant 16 : i32
      %shift_right_arithmetic3A_33 = vector.broadcast %shift_right_arithmetic3A : i32 to vector<16xi32>
      %shift_right_arithmetic3A_34 = arith.shrsi %get3A_32, %shift_right_arithmetic3A_33 : vector<16xi32>
      %swap3A = arith.constant 0 : i32
      %swap3A_35 = arith.index_cast %swap3A : i32 to index
      %swap3A_36 = arith.constant 0 : index
      %swap3A_37 = tpu.vector_load %arg7[%swap3A_35, %swap3A_36] {strides = array<i32>} : memref<2x80xi32, #tpu.memory_space<vmem>>, vector<1x16xi32>,
      %swap3A_38 = vector.shape_cast %swap3A_37 : vector<1x16xi32> to vector<16xi32>
      %swap3A_39 = vector.shape_cast %shift_right_arithmetic3A_34 : vector<16xi32> to vector<1x16xi32>
      tpu.vector_store %arg7[%swap3A_35, %swap3A_36], %swap3A_39 {strides = array<i32>} : memref<2x80xi32, #tpu.memory_space<vmem>>, vector<1x16xi32>,
      %get3A_40 = arith.constant 1 : i32
      %get3A_41 = arith.index_cast %get3A_40 : i32 to index
      %get3A_42 = arith.constant 16 : index
      %get3A_43 = tpu.vector_load %arg7[%get3A_41, %get3A_42] {strides = array<i32>} : memref<2x80xi32, #tpu.memory_space<vmem>>, vector<1x16xi32>,
      %get3A_44 = vector.shape_cast %get3A_43 : vector<1x16xi32> to vector<16xi32>
      %shift_right_arithmetic3A_45 = arith.constant 16 : i32
      %shift_right_arithmetic3A_46 = vector.broadcast %shift_right_arithmetic3A_45 : i32 to vector<16xi32>
      %shift_right_arithmetic3A_47 = arith.shrsi %get3A_44, %shift_right_arithmetic3A_46 : vector<16xi32>
      %swap3A_48 = arith.constant 0 : i32
      %swap3A_49 = arith.index_cast %swap3A_48 : i32 to index
      %swap3A_50 = arith.constant 16 : index
      %swap3A_51 = tpu.vector_load %arg7[%swap3A_49, %swap3A_50] {strides = array<i32>} : memref<2x80xi32, #tpu.memory_space<vmem>>, vector<1x16xi32>,
      %swap3A_52 = vector.shape_cast %swap3A_51 : vector<1x16xi32> to vector<16xi32>
      %swap3A_53 = vector.shape_cast %shift_right_arithmetic3A_47 : vector<16xi32> to vector<1x16xi32>
      tpu.vector_store %arg7[%swap3A_49, %swap3A_50], %swap3A_53 {strides = array<i32>} : memref<2x80xi32, #tpu.memory_space<vmem>>, vector<1x16xi32>,
      %get3A_54 = arith.constant 1 : i32
      %get3A_55 = arith.index_cast %get3A_54 : i32 to index
      %get3A_56 = arith.constant 32 : index
      %get3A_57 = tpu.vector_load %arg7[%get3A_55, %get3A_56] {strides = array<i32>} : memref<2x80xi32, #tpu.memory_space<vmem>>, vector<1x16xi32>,
      %get3A_58 = vector.shape_cast %get3A_57 : vector<1x16xi32> to vector<16xi32>
      %shift_right_arithmetic3A_59 = arith.constant 16 : i32
      %shift_right_arithmetic3A_60 = vector.broadcast %shift_right_arithmetic3A_59 : i32 to vector<16xi32>
      %shift_right_arithmetic3A_61 = arith.shrsi %get3A_58, %shift_right_arithmetic3A_60 : vector<16xi32>
      %swap3A_62 = arith.constant 0 : i32
      %swap3A_63 = arith.index_cast %swap3A_62 : i32 to index
      %swap3A_64 = arith.constant 32 : index
      %swap3A_65 = tpu.vector_load %arg7[%swap3A_63, %swap3A_64] {strides = array<i32>} : memref<2x80xi32, #tpu.memory_space<vmem>>, vector<1x16xi32>,
      %swap3A_66 = vector.shape_cast %swap3A_65 : vector<1x16xi32> to vector<16xi32>
      %swap3A_67 = vector.shape_cast %shift_right_arithmetic3A_61 : vector<16xi32> to vector<1x16xi32>
      tpu.vector_store %arg7[%swap3A_63, %swap3A_64], %swap3A_67 {strides = array<i32>} : memref<2x80xi32, #tpu.memory_space<vmem>>, vector<1x16xi32>,
      %get3A_68 = arith.constant 1 : i32
      %get3A_69 = arith.index_cast %get3A_68 : i32 to index
      %get3A_70 = arith.constant 48 : index
      %get3A_71 = tpu.vector_load %arg7[%get3A_69, %get3A_70] {strides = array<i32>} : memref<2x80xi32, #tpu.memory_space<vmem>>, vector<1x16xi32>,
      %get3A_72 = vector.shape_cast %get3A_71 : vector<1x16xi32> to vector<16xi32>
      %shift_right_arithmetic3A_73 = arith.constant 16 : i32
      %shift_right_arithmetic3A_74 = vector.broadcast %shift_right_arithmetic3A_73 : i32 to vector<16xi32>
      %shift_right_arithmetic3A_75 = arith.shrsi %get3A_72, %shift_right_arithmetic3A_74 : vector<16xi32>
      %swap3A_76 = arith.constant 0 : i32
      %swap3A_77 = arith.index_cast %swap3A_76 : i32 to index
      %swap3A_78 = arith.constant 48 : index
      %swap3A_79 = tpu.vector_load %arg7[%swap3A_77, %swap3A_78] {strides = array<i32>} : memref<2x80xi32, #tpu.memory_space<vmem>>, vector<1x16xi32>,
      %swap3A_80 = vector.shape_cast %swap3A_79 : vector<1x16xi32> to vector<16xi32>
      %swap3A_81 = vector.shape_cast %shift_right_arithmetic3A_75 : vector<16xi32> to vector<1x16xi32>
      tpu.vector_store %arg7[%swap3A_77, %swap3A_78], %swap3A_81 {strides = array<i32>} : memref<2x80xi32, #tpu.memory_space<vmem>>, vector<1x16xi32>,
      %get3A_82 = arith.constant 1 : i32
      %get3A_83 = arith.index_cast %get3A_82 : i32 to index
      %get3A_84 = arith.constant 64 : index
      %get3A_85 = tpu.vector_load %arg7[%get3A_83, %get3A_84] {strides = array<i32>} : memref<2x80xi32, #tpu.memory_space<vmem>>, vector<1x16xi32>,
      %get3A_86 = vector.shape_cast %get3A_85 : vector<1x16xi32> to vector<16xi32>
      %shift_right_arithmetic3A_87 = arith.constant 16 : i32
      %shift_right_arithmetic3A_88 = vector.broadcast %shift_right_arithmetic3A_87 : i32 to vector<16xi32>
      %shift_right_arithmetic3A_89 = arith.shrsi %get3A_86, %shift_right_arithmetic3A_88 : vector<16xi32>
      %swap3A_90 = arith.constant 0 : i32
      %swap3A_91 = arith.index_cast %swap3A_90 : i32 to index
      %swap3A_92 = arith.constant 64 : index
      %swap3A_93 = tpu.vector_load %arg7[%swap3A_91, %swap3A_92] {strides = array<i32>} : memref<2x80xi32, #tpu.memory_space<vmem>>, vector<1x16xi32>,
      %swap3A_94 = vector.shape_cast %swap3A_93 : vector<1x16xi32> to vector<16xi32>
      %swap3A_95 = vector.shape_cast %shift_right_arithmetic3A_89 : vector<16xi32> to vector<1x16xi32>
      tpu.vector_store %arg7[%swap3A_91, %swap3A_92], %swap3A_95 {strides = array<i32>} : memref<2x80xi32, #tpu.memory_space<vmem>>, vector<1x16xi32>,
      %mul3A_96 = arith.constant 160000 : i32
      %mul3A_97 = arith.muli %arg0, %mul3A_96 : i32
      %add3A_98 = arith.addi %mul3A_97, %add3A : i32
      "tpu.region"() ({
        %run_scoped3A_106 = tpu.sem_alloc : memref<!tpu.dma_semaphore, #tpu.memory_space<semaphore_mem>>
        %dma_start3A = arith.constant 0 : i32
        %dma_start3A_107 = tpu.memref_slice %arg2[%add3A_98, %dma_start3A] : memref<320000x16xf32, #tpu.memory_space<hbm>> -> memref<80x16xf32, #tpu.memory_space<hbm>>
        %dma_start3A_108 = arith.constant 0 : i32
        %dma_start3A_109 = tpu.memref_slice %arg2[%add3A_98, %dma_start3A_108] : memref<320000x16xf32, #tpu.memory_space<hbm>> -> memref<80x16xf32, #tpu.memory_space<hbm>>
        tpu.enqueue_dma source(%dma_start3A_109 : memref<80x16xf32, #tpu.memory_space<hbm>>) target(%arg5 : memref<80x16xf32, #tpu.memory_space<vmem>>) target_semaphore(%run_scoped3A_106 : memref<!tpu.dma_semaphore, #tpu.memory_space<semaphore_mem>>)
        %dma_wait3A = arith.constant 0 : i32
        %dma_wait3A_110 = tpu.memref_slice %arg2[%add3A_98, %dma_wait3A] : memref<320000x16xf32, #tpu.memory_space<hbm>> -> memref<80x16xf32, #tpu.memory_space<hbm>>
        %dma_wait3A_111 = arith.constant 0 : i32
        %dma_wait3A_112 = tpu.memref_slice %arg2[%add3A_98, %dma_wait3A_111] : memref<320000x16xf32, #tpu.memory_space<hbm>> -> memref<80x16xf32, #tpu.memory_space<hbm>>
        tpu.wait_dma2 semaphore(%run_scoped3A_106 : memref<!tpu.dma_semaphore, #tpu.memory_space<semaphore_mem>>) src(%dma_wait3A_112 : memref<80x16xf32, #tpu.memory_space<hbm>>) dst(%arg5 : memref<80x16xf32, #tpu.memory_space<vmem>>)
        tpu.yield
      }) : () -> ()
      %scan3A_99 = arith.constant 0 : i32
      %scan3A_100 = arith.constant 0 : i32
      %scan3A_101 = arith.constant 80 : i32
      %scan3A_102 = arith.addi %scan3A_100, %scan3A_101 : i32
      %scan3A_103 = arith.constant 1 : i32
      scf.for %scan3A_106 = %scan3A_100 to %scan3A_102 step %scan3A_103  : i32 {
        %get3A_107 = arith.index_cast %scan3A_106 : i32 to index
        %get3A_108 = arith.constant 0 : index
        %get3A_109 = tpu.vector_load %arg5[%get3A_107, %get3A_108] {strides = array<i32>} : memref<80x16xf32, #tpu.memory_space<vmem>>, vector<1x16xf32>,
        %get3A_110 = vector.shape_cast %get3A_109 : vector<1x16xf32> to vector<16xf32>
        %swap3A_111 = arith.index_cast %scan3A_106 : i32 to index
        %swap3A_112 = arith.constant 0 : index
        %swap3A_113 = tpu.vector_load %arg6[%swap3A_111, %swap3A_112] {strides = array<i32>} : memref<80x128xf32, #tpu.memory_space<vmem>>, vector<1x16xf32>,
        %swap3A_114 = vector.shape_cast %swap3A_113 : vector<1x16xf32> to vector<16xf32>
        %swap3A_115 = vector.shape_cast %get3A_110 : vector<16xf32> to vector<1x16xf32>
        tpu.vector_store %arg6[%swap3A_111, %swap3A_112], %swap3A_115 {strides = array<i32>} : memref<80x128xf32, #tpu.memory_space<vmem>>, vector<1x16xf32>,
      }
      %scan3A_104 = arith.constant 80 : i32
      %run_scoped3A_105 = arith.constant 0 : i32
      "tpu.region"() ({
        %run_scoped3A_106 = tpu.sem_alloc : memref<!tpu.dma_semaphore, #tpu.memory_space<semaphore_mem>>
        %dma_start3A = arith.constant 0 : i32
        %dma_start3A_107 = tpu.memref_slice %arg7[%run_scoped3A_105, %dma_start3A] : memref<2x80xi32, #tpu.memory_space<vmem>> -> memref<1x80xi32, #tpu.memory_space<vmem>>
        %dma_start3A_108 = tpu.memref_squeeze %dma_start3A_107 : memref<1x80xi32, #tpu.memory_space<vmem>> -> memref<80xi32, #tpu.memory_space<vmem>>
        %dma_start3A_109 = arith.constant 0 : i32
        %dma_start3A_110 = arith.constant 0 : i32
        %dma_start3A_111 = tpu.memref_slice %arg8[%dma_start3A_109, %dma_start3A_110] : memref<10000x128xf32, #tpu.memory_space<vmem_shared>> -> memref<10000x128xf32, #tpu.memory_space<vmem_shared>>
        tpu.enqueue_indirect_dma source(%arg6 : memref<80x128xf32, #tpu.memory_space<vmem>>) target(%dma_start3A_111 : memref<10000x128xf32, #tpu.memory_space<vmem_shared>>) offsets(%dma_start3A_108 : memref<80xi32, #tpu.memory_space<vmem>>) semaphore(%run_scoped3A_106 : memref<!tpu.dma_semaphore, #tpu.memory_space<semaphore_mem>>) {add = true}
        %dma_wait3A = arith.constant 0 : i32
        %dma_wait3A_112 = tpu.memref_slice %arg7[%run_scoped3A_105, %dma_wait3A] : memref<2x80xi32, #tpu.memory_space<vmem>> -> memref<1x80xi32, #tpu.memory_space<vmem>>
        %dma_wait3A_113 = tpu.memref_squeeze %dma_wait3A_112 : memref<1x80xi32, #tpu.memory_space<vmem>> -> memref<80xi32, #tpu.memory_space<vmem>>
        %dma_wait3A_114 = arith.constant 0 : i32
        %dma_wait3A_115 = arith.constant 0 : i32
        %dma_wait3A_116 = tpu.memref_slice %arg8[%dma_wait3A_114, %dma_wait3A_115] : memref<10000x128xf32, #tpu.memory_space<vmem_shared>> -> memref<10000x128xf32, #tpu.memory_space<vmem_shared>>
        tpu.wait_indirect_dma semaphore(%run_scoped3A_106 : memref<!tpu.dma_semaphore, #tpu.memory_space<semaphore_mem>>) src(%arg6 : memref<80x128xf32, #tpu.memory_space<vmem>>) dst(%dma_wait3A_116 : memref<10000x128xf32, #tpu.memory_space<vmem_shared>>)
        tpu.yield
      }) : () -> ()
    }
    %scan3A_17 = arith.constant 125 : i32
    %barrier3A_18 = arith.constant 0 : index
    tpu.barrier barrier_id(%barrier3A_18)
    %lt3A = arith.constant 15 : i32
    %lt3A_19 = arith.cmpi slt, %arg1, %lt3A : i32
    %convert_element_type3A = arith.extui %lt3A_19 : i1 to i32
    %cond3A = arith.constant 0 : i32
    %cond3A_20 = arith.cmpi ne, %convert_element_type3A, %cond3A : i32
    scf.if %cond3A_20 {
      %mul3A = arith.constant 624 : i32
      %mul3A_25 = arith.muli %arg1, %mul3A : i32
      %mul3A_26 = arith.constant 10000 : i32
      %mul3A_27 = arith.muli %arg0, %mul3A_26 : i32
      %mul3A_28 = arith.constant 624 : i32
      %mul3A_29 = arith.muli %arg1, %mul3A_28 : i32
      %add3A = arith.addi %mul3A_27, %mul3A_29 : i32
      "tpu.region"() ({
        %run_scoped3A = tpu.sem_alloc : memref<!tpu.dma_semaphore, #tpu.memory_space<semaphore_mem>>
        %dma_start3A = arith.constant 0 : i32
        %dma_start3A_30 = tpu.memref_slice %arg4[%add3A, %dma_start3A] : memref<20000x128xf32, #tpu.memory_space<hbm>> -> memref<624x128xf32, #tpu.memory_space<hbm>>
        %dma_start3A_31 = arith.constant 0 : i32
        %dma_start3A_32 = tpu.memref_slice %arg8[%mul3A_25, %dma_start3A_31] : memref<10000x128xf32, #tpu.memory_space<vmem_shared>> -> memref<624x128xf32, #tpu.memory_space<vmem_shared>>
        tpu.enqueue_dma source(%dma_start3A_32 : memref<624x128xf32, #tpu.memory_space<vmem_shared>>) target(%dma_start3A_30 : memref<624x128xf32, #tpu.memory_space<hbm>>) target_semaphore(%run_scoped3A : memref<!tpu.dma_semaphore, #tpu.memory_space<semaphore_mem>>)
        %dma_wait3A = arith.constant 0 : i32
        %dma_wait3A_33 = tpu.memref_slice %arg4[%add3A, %dma_wait3A] : memref<20000x128xf32, #tpu.memory_space<hbm>> -> memref<624x128xf32, #tpu.memory_space<hbm>>
        %dma_wait3A_34 = arith.constant 0 : i32
        %dma_wait3A_35 = tpu.memref_slice %arg8[%mul3A_25, %dma_wait3A_34] : memref<10000x128xf32, #tpu.memory_space<vmem_shared>> -> memref<624x128xf32, #tpu.memory_space<vmem_shared>>
        tpu.wait_dma2 semaphore(%run_scoped3A : memref<!tpu.dma_semaphore, #tpu.memory_space<semaphore_mem>>) src(%dma_wait3A_35 : memref<624x128xf32, #tpu.memory_space<vmem_shared>>) dst(%dma_wait3A_33 : memref<624x128xf32, #tpu.memory_space<hbm>>)
        tpu.yield
      }) : () -> ()
    } else {
    }
    %eq3A = arith.constant 15 : i32
    %eq3A_21 = arith.cmpi eq, %arg1, %eq3A : i32
    %convert_element_type3A_22 = arith.extui %eq3A_21 : i1 to i32
    %cond3A_23 = arith.constant 0 : i32
    %cond3A_24 = arith.cmpi ne, %convert_element_type3A_22, %cond3A_23 : i32
    scf.if %cond3A_24 {
      %mul3A = arith.constant 10000 : i32
      %mul3A_25 = arith.muli %arg0, %mul3A : i32
      %add3A = arith.constant 9360 : i32
      %add3A_26 = arith.addi %mul3A_25, %add3A : i32
      "tpu.region"() ({
        %run_scoped3A = tpu.sem_alloc : memref<!tpu.dma_semaphore, #tpu.memory_space<semaphore_mem>>
        %dma_start3A = arith.constant 0 : i32
        %dma_start3A_27 = tpu.memref_slice %arg4[%add3A_26, %dma_start3A] : memref<20000x128xf32, #tpu.memory_space<hbm>> -> memref<640x128xf32, #tpu.memory_space<hbm>>
        %dma_start3A_28 = arith.constant 9360 : i32
        %dma_start3A_29 = arith.constant 0 : i32
        %dma_start3A_30 = tpu.memref_slice %arg8[%dma_start3A_28, %dma_start3A_29] : memref<10000x128xf32, #tpu.memory_space<vmem_shared>> -> memref<640x128xf32, #tpu.memory_space<vmem_shared>>
        tpu.enqueue_dma source(%dma_start3A_30 : memref<640x128xf32, #tpu.memory_space<vmem_shared>>) target(%dma_start3A_27 : memref<640x128xf32, #tpu.memory_space<hbm>>) target_semaphore(%run_scoped3A : memref<!tpu.dma_semaphore, #tpu.memory_space<semaphore_mem>>)
        %dma_wait3A = arith.constant 0 : i32
        %dma_wait3A_31 = tpu.memref_slice %arg4[%add3A_26, %dma_wait3A] : memref<20000x128xf32, #tpu.memory_space<hbm>> -> memref<640x128xf32, #tpu.memory_space<hbm>>
        %dma_wait3A_32 = arith.constant 9360 : i32
        %dma_wait3A_33 = arith.constant 0 : i32
        %dma_wait3A_34 = tpu.memref_slice %arg8[%dma_wait3A_32, %dma_wait3A_33] : memref<10000x128xf32, #tpu.memory_space<vmem_shared>> -> memref<640x128xf32, #tpu.memory_space<vmem_shared>>
        tpu.wait_dma2 semaphore(%run_scoped3A : memref<!tpu.dma_semaphore, #tpu.memory_space<semaphore_mem>>) src(%dma_wait3A_34 : memref<640x128xf32, #tpu.memory_space<vmem_shared>>) dst(%dma_wait3A_31 : memref<640x128xf32, #tpu.memory_space<hbm>>)
        tpu.yield
      }) : () -> ()
    } else {
    }
    return
  }
}

module attributes {stable_mosaic.version = 14 : i64} {
  func.func @_edge_enc_body(%arg0: i32, %arg1: memref<1000x4xf32, #tpu.memory_space<vmem>>, %arg2: memref<1x256xf32, #tpu.memory_space<vmem>>, %arg3: memref<1x1xf32, #tpu.memory_space<vmem>>, %arg4: memref<256x256xf32, #tpu.memory_space<vmem>>, %arg5: memref<1x256xf32, #tpu.memory_space<vmem>>, %arg6: memref<1x256xf32, #tpu.memory_space<vmem>>, %arg7: memref<1x256xf32, #tpu.memory_space<vmem>>, %arg8: memref<256x256xf32, #tpu.memory_space<vmem>>, %arg9: memref<1x256xf32, #tpu.memory_space<vmem>>, %arg10: memref<1x256xf32, #tpu.memory_space<vmem>>, %arg11: memref<1x256xf32, #tpu.memory_space<vmem>>, %arg12: memref<256x256xf32, #tpu.memory_space<vmem>>, %arg13: memref<1x256xf32, #tpu.memory_space<vmem>>, %arg14: memref<6x256x256xf32, #tpu.memory_space<vmem>>, %arg15: memref<6x256xf32, #tpu.memory_space<vmem>>, %arg16: memref<6x2x1000x128xf32, #tpu.memory_space<vmem>>) attributes {dimension_semantics = [#tpu.dimension_semantics<arbitrary>], iteration_bounds = array<i64: 160>, scalar_prefetch = 0 : i64, scratch_operands = 0 : i64, tpu.core_type = #tpu.core_type<tc>, window_params = [{transform_indices = @transform_0, window_bounds = array<i64: 1000, 4>}, {pipeline_mode = #tpu.pipeline_mode<synchronous>, transform_indices = @transform_1, window_bounds = array<i64: 1, 256>}, {pipeline_mode = #tpu.pipeline_mode<synchronous>, transform_indices = @transform_2, window_bounds = array<i64: 1, 1>}, {pipeline_mode = #tpu.pipeline_mode<synchronous>, transform_indices = @transform_3, window_bounds = array<i64: 256, 256>}, {pipeline_mode = #tpu.pipeline_mode<synchronous>, transform_indices = @transform_4, window_bounds = array<i64: 1, 256>}, {pipeline_mode = #tpu.pipeline_mode<synchronous>, transform_indices = @transform_5, window_bounds = array<i64: 1, 256>}, {pipeline_mode = #tpu.pipeline_mode<synchronous>, transform_indices = @transform_6, window_bounds = array<i64: 1, 256>}, {pipeline_mode = #tpu.pipeline_mode<synchronous>, transform_indices = @transform_7, window_bounds = array<i64: 256, 256>}, {pipeline_mode = #tpu.pipeline_mode<synchronous>, transform_indices = @transform_8, window_bounds = array<i64: 1, 256>}, {pipeline_mode = #tpu.pipeline_mode<synchronous>, transform_indices = @transform_9, window_bounds = array<i64: 1, 256>}, {pipeline_mode = #tpu.pipeline_mode<synchronous>, transform_indices = @transform_10, window_bounds = array<i64: 1, 256>}, {pipeline_mode = #tpu.pipeline_mode<synchronous>, transform_indices = @transform_11, window_bounds = array<i64: 256, 256>}, {pipeline_mode = #tpu.pipeline_mode<synchronous>, transform_indices = @transform_12, window_bounds = array<i64: 1, 256>}, {pipeline_mode = #tpu.pipeline_mode<synchronous>, transform_indices = @transform_13, window_bounds = array<i64: 6, 256, 256>}, {pipeline_mode = #tpu.pipeline_mode<synchronous>, transform_indices = @transform_14, window_bounds = array<i64: 6, 256>}, {transform_indices = @transform_15, window_bounds = array<i64: 6, 2, 1000, 128>}]} {
    %get3A = arith.constant 0 : index
    %get3A_0 = arith.constant 0 : index
    %get3A_1 = vector.load %arg1[%get3A, %get3A_0] : memref<1000x4xf32, #tpu.memory_space<vmem>>, vector<1000x4xf32>
    %mul3A = arith.mulf %get3A_1, %get3A_1 : vector<1000x4xf32>
    %reduce_sum3A = arith.constant dense<0.000000e+00> : vector<1000xf32>
    %reduce_sum3A_2 = vector.multi_reduction <add>, %mul3A, %reduce_sum3A [1] : vector<1000x4xf32> to vector<1000xf32>
    %broadcast_in_dim3A = vector.shape_cast %reduce_sum3A_2 : vector<1000xf32> to vector<1000x1xf32>
    %sqrt3A = math.sqrt %broadcast_in_dim3A : vector<1000x1xf32>
    %get3A_3 = arith.constant 0 : index
    %get3A_4 = arith.constant 0 : index
    %get3A_5 = vector.load %arg2[%get3A_3, %get3A_4] : memref<1x256xf32, #tpu.memory_space<vmem>>, vector<1x256xf32>
    %get3A_6 = arith.constant 0 : index
    %get3A_7 = arith.constant 0 : index
    %get3A_8 = vector.load %arg3[%get3A_6, %get3A_7] : memref<1x1xf32, #tpu.memory_space<vmem>>, vector<1x1xf32>
    %get3A_9 = vector.extract %get3A_8[0, 0] : f32 from vector<1x1xf32>
    %neg3A = arith.constant 0.000000e+00 : f32
    %neg3A_10 = arith.subf %neg3A, %get3A_9 : f32
    %sub3A = vector.broadcast %sqrt3A : vector<1000x1xf32> to vector<1000x256xf32>
    %sub3A_11 = vector.broadcast %get3A_5 : vector<1x256xf32> to vector<1000x256xf32>
    %sub3A_12 = arith.subf %sub3A, %sub3A_11 : vector<1000x256xf32>
    %integer_pow3A = arith.mulf %sub3A_12, %sub3A_12 : vector<1000x256xf32>
    %mul3A_13 = vector.broadcast %neg3A_10 : f32 to vector<1000x256xf32>
    %mul3A_14 = arith.mulf %mul3A_13, %integer_pow3A : vector<1000x256xf32>
    %exp3A = math.exp %mul3A_14 : vector<1000x256xf32>
    %get3A_15 = arith.constant 0 : index
    %get3A_16 = arith.constant 0 : index
    %get3A_17 = vector.load %arg4[%get3A_15, %get3A_16] : memref<256x256xf32, #tpu.memory_space<vmem>>, vector<256x256xf32>
    %dot_general3A = arith.constant dense<0.000000e+00> : vector<1000x256xf32>
    %dot_general3A_18 = tpu.matmul %exp3A, %get3A_17, %dot_general3A {dimension_numbers = #tpu.dot_dimension_numbers<[1], [0], [0], [1], [0, 0, 1, 1], [], []>, precision = #tpu.contract_precision<fp32>, transpose_lhs_hint = false} : vector<1000x256xf32>, vector<256x256xf32>, vector<1000x256xf32> -> vector<1000x256xf32>
    %get3A_19 = arith.constant 0 : index
    %get3A_20 = arith.constant 0 : index
    %get3A_21 = vector.load %arg5[%get3A_19, %get3A_20] : memref<1x256xf32, #tpu.memory_space<vmem>>, vector<1x256xf32>
    %add3A = vector.broadcast %get3A_21 : vector<1x256xf32> to vector<1000x256xf32>
    %add3A_22 = arith.addf %dot_general3A_18, %add3A : vector<1000x256xf32>
    %get3A_23 = arith.constant 0 : index
    %get3A_24 = arith.constant 0 : index
    %get3A_25 = vector.load %arg6[%get3A_23, %get3A_24] : memref<1x256xf32, #tpu.memory_space<vmem>>, vector<1x256xf32>
    %get3A_26 = arith.constant 0 : index
    %get3A_27 = arith.constant 0 : index
    %get3A_28 = vector.load %arg7[%get3A_26, %get3A_27] : memref<1x256xf32, #tpu.memory_space<vmem>>, vector<1x256xf32>
    %reduce_sum3A_29 = arith.constant dense<0.000000e+00> : vector<1000xf32>
    %reduce_sum3A_30 = vector.multi_reduction <add>, %add3A_22, %reduce_sum3A_29 [1] : vector<1000x256xf32> to vector<1000xf32>
    %broadcast_in_dim3A_31 = vector.shape_cast %reduce_sum3A_30 : vector<1000xf32> to vector<1000x1xf32>
    %div3A = arith.constant 2.560000e+02 : f32
    %div3A_32 = vector.broadcast %div3A : f32 to vector<1000x1xf32>
    %div3A_33 = arith.divf %broadcast_in_dim3A_31, %div3A_32 : vector<1000x1xf32>
    %sub3A_34 = vector.broadcast %div3A_33 : vector<1000x1xf32> to vector<1000x256xf32>
    %sub3A_35 = arith.subf %add3A_22, %sub3A_34 : vector<1000x256xf32>
    %integer_pow3A_36 = arith.mulf %sub3A_35, %sub3A_35 : vector<1000x256xf32>
    %reduce_sum3A_37 = arith.constant dense<0.000000e+00> : vector<1000xf32>
    %reduce_sum3A_38 = vector.multi_reduction <add>, %integer_pow3A_36, %reduce_sum3A_37 [1] : vector<1000x256xf32> to vector<1000xf32>
    %broadcast_in_dim3A_39 = vector.shape_cast %reduce_sum3A_38 : vector<1000xf32> to vector<1000x1xf32>
    %div3A_40 = arith.constant 2.560000e+02 : f32
    %div3A_41 = vector.broadcast %div3A_40 : f32 to vector<1000x1xf32>
    %div3A_42 = arith.divf %broadcast_in_dim3A_39, %div3A_41 : vector<1000x1xf32>
    %sub3A_43 = vector.broadcast %div3A_33 : vector<1000x1xf32> to vector<1000x256xf32>
    %sub3A_44 = arith.subf %add3A_22, %sub3A_43 : vector<1000x256xf32>
    %add3A_45 = arith.constant 9.99999974E-6 : f32
    %add3A_46 = vector.broadcast %add3A_45 : f32 to vector<1000x1xf32>
    %add3A_47 = arith.addf %div3A_42, %add3A_46 : vector<1000x1xf32>
    %rsqrt3A = math.rsqrt %add3A_47 : vector<1000x1xf32>
    %mul3A_48 = vector.broadcast %rsqrt3A : vector<1000x1xf32> to vector<1000x256xf32>
    %mul3A_49 = arith.mulf %sub3A_44, %mul3A_48 : vector<1000x256xf32>
    %mul3A_50 = vector.broadcast %get3A_25 : vector<1x256xf32> to vector<1000x256xf32>
    %mul3A_51 = arith.mulf %mul3A_49, %mul3A_50 : vector<1000x256xf32>
    %add3A_52 = vector.broadcast %get3A_28 : vector<1x256xf32> to vector<1000x256xf32>
    %add3A_53 = arith.addf %mul3A_51, %add3A_52 : vector<1000x256xf32>
    %logistic3A = arith.negf %add3A_53 : vector<1000x256xf32>
    %logistic3A_54 = math.exp %logistic3A : vector<1000x256xf32>
    %logistic3A_55 = arith.constant 1.000000e+00 : f32
    %logistic3A_56 = vector.broadcast %logistic3A_55 : f32 to vector<1000x256xf32>
    %logistic3A_57 = arith.addf %logistic3A_56, %logistic3A_54 : vector<1000x256xf32>
    %logistic3A_58 = arith.divf %logistic3A_56, %logistic3A_57 : vector<1000x256xf32>
    %mul3A_59 = arith.mulf %add3A_53, %logistic3A_58 : vector<1000x256xf32>
    %get3A_60 = arith.constant 0 : index
    %get3A_61 = arith.constant 0 : index
    %get3A_62 = vector.load %arg8[%get3A_60, %get3A_61] : memref<256x256xf32, #tpu.memory_space<vmem>>, vector<256x256xf32>
    %dot_general3A_63 = arith.constant dense<0.000000e+00> : vector<1000x256xf32>
    %dot_general3A_64 = tpu.matmul %mul3A_59, %get3A_62, %dot_general3A_63 {dimension_numbers = #tpu.dot_dimension_numbers<[1], [0], [0], [1], [0, 0, 1, 1], [], []>, precision = #tpu.contract_precision<fp32>, transpose_lhs_hint = false} : vector<1000x256xf32>, vector<256x256xf32>, vector<1000x256xf32> -> vector<1000x256xf32>
    %get3A_65 = arith.constant 0 : index
    %get3A_66 = arith.constant 0 : index
    %get3A_67 = vector.load %arg9[%get3A_65, %get3A_66] : memref<1x256xf32, #tpu.memory_space<vmem>>, vector<1x256xf32>
    %add3A_68 = vector.broadcast %get3A_67 : vector<1x256xf32> to vector<1000x256xf32>
    %add3A_69 = arith.addf %dot_general3A_64, %add3A_68 : vector<1000x256xf32>
    %get3A_70 = arith.constant 0 : index
    %get3A_71 = arith.constant 0 : index
    %get3A_72 = vector.load %arg10[%get3A_70, %get3A_71] : memref<1x256xf32, #tpu.memory_space<vmem>>, vector<1x256xf32>
    %get3A_73 = arith.constant 0 : index
    %get3A_74 = arith.constant 0 : index
    %get3A_75 = vector.load %arg11[%get3A_73, %get3A_74] : memref<1x256xf32, #tpu.memory_space<vmem>>, vector<1x256xf32>
    %reduce_sum3A_76 = arith.constant dense<0.000000e+00> : vector<1000xf32>
    %reduce_sum3A_77 = vector.multi_reduction <add>, %add3A_69, %reduce_sum3A_76 [1] : vector<1000x256xf32> to vector<1000xf32>
    %broadcast_in_dim3A_78 = vector.shape_cast %reduce_sum3A_77 : vector<1000xf32> to vector<1000x1xf32>
    %div3A_79 = arith.constant 2.560000e+02 : f32
    %div3A_80 = vector.broadcast %div3A_79 : f32 to vector<1000x1xf32>
    %div3A_81 = arith.divf %broadcast_in_dim3A_78, %div3A_80 : vector<1000x1xf32>
    %sub3A_82 = vector.broadcast %div3A_81 : vector<1000x1xf32> to vector<1000x256xf32>
    %sub3A_83 = arith.subf %add3A_69, %sub3A_82 : vector<1000x256xf32>
    %integer_pow3A_84 = arith.mulf %sub3A_83, %sub3A_83 : vector<1000x256xf32>
    %reduce_sum3A_85 = arith.constant dense<0.000000e+00> : vector<1000xf32>
    %reduce_sum3A_86 = vector.multi_reduction <add>, %integer_pow3A_84, %reduce_sum3A_85 [1] : vector<1000x256xf32> to vector<1000xf32>
    %broadcast_in_dim3A_87 = vector.shape_cast %reduce_sum3A_86 : vector<1000xf32> to vector<1000x1xf32>
    %div3A_88 = arith.constant 2.560000e+02 : f32
    %div3A_89 = vector.broadcast %div3A_88 : f32 to vector<1000x1xf32>
    %div3A_90 = arith.divf %broadcast_in_dim3A_87, %div3A_89 : vector<1000x1xf32>
    %sub3A_91 = vector.broadcast %div3A_81 : vector<1000x1xf32> to vector<1000x256xf32>
    %sub3A_92 = arith.subf %add3A_69, %sub3A_91 : vector<1000x256xf32>
    %add3A_93 = arith.constant 9.99999974E-6 : f32
    %add3A_94 = vector.broadcast %add3A_93 : f32 to vector<1000x1xf32>
    %add3A_95 = arith.addf %div3A_90, %add3A_94 : vector<1000x1xf32>
    %rsqrt3A_96 = math.rsqrt %add3A_95 : vector<1000x1xf32>
    %mul3A_97 = vector.broadcast %rsqrt3A_96 : vector<1000x1xf32> to vector<1000x256xf32>
    %mul3A_98 = arith.mulf %sub3A_92, %mul3A_97 : vector<1000x256xf32>
    %mul3A_99 = vector.broadcast %get3A_72 : vector<1x256xf32> to vector<1000x256xf32>
    %mul3A_100 = arith.mulf %mul3A_98, %mul3A_99 : vector<1000x256xf32>
    %add3A_101 = vector.broadcast %get3A_75 : vector<1x256xf32> to vector<1000x256xf32>
    %add3A_102 = arith.addf %mul3A_100, %add3A_101 : vector<1000x256xf32>
    %logistic3A_103 = arith.negf %add3A_102 : vector<1000x256xf32>
    %logistic3A_104 = math.exp %logistic3A_103 : vector<1000x256xf32>
    %logistic3A_105 = arith.constant 1.000000e+00 : f32
    %logistic3A_106 = vector.broadcast %logistic3A_105 : f32 to vector<1000x256xf32>
    %logistic3A_107 = arith.addf %logistic3A_106, %logistic3A_104 : vector<1000x256xf32>
    %logistic3A_108 = arith.divf %logistic3A_106, %logistic3A_107 : vector<1000x256xf32>
    %mul3A_109 = arith.mulf %add3A_102, %logistic3A_108 : vector<1000x256xf32>
    %get3A_110 = arith.constant 0 : index
    %get3A_111 = arith.constant 0 : index
    %get3A_112 = vector.load %arg12[%get3A_110, %get3A_111] : memref<256x256xf32, #tpu.memory_space<vmem>>, vector<256x256xf32>
    %dot_general3A_113 = arith.constant dense<0.000000e+00> : vector<1000x256xf32>
    %dot_general3A_114 = tpu.matmul %mul3A_109, %get3A_112, %dot_general3A_113 {dimension_numbers = #tpu.dot_dimension_numbers<[1], [0], [0], [1], [0, 0, 1, 1], [], []>, precision = #tpu.contract_precision<fp32>, transpose_lhs_hint = false} : vector<1000x256xf32>, vector<256x256xf32>, vector<1000x256xf32> -> vector<1000x256xf32>
    %get3A_115 = arith.constant 0 : index
    %get3A_116 = arith.constant 0 : index
    %get3A_117 = vector.load %arg13[%get3A_115, %get3A_116] : memref<1x256xf32, #tpu.memory_space<vmem>>, vector<1x256xf32>
    %add3A_118 = vector.broadcast %get3A_117 : vector<1x256xf32> to vector<1000x256xf32>
    %add3A_119 = arith.addf %dot_general3A_114, %add3A_118 : vector<1000x256xf32>
    %get3A_120 = arith.constant 0 : index
    %get3A_121 = arith.constant 0 : index
    %get3A_122 = arith.constant 0 : index
    %get3A_123 = vector.load %arg14[%get3A_120, %get3A_121, %get3A_122] : memref<6x256x256xf32, #tpu.memory_space<vmem>>, vector<1x256x256xf32>
    %get3A_124 = vector.shape_cast %get3A_123 : vector<1x256x256xf32> to vector<256x256xf32>
    %dot_general3A_125 = arith.constant dense<0.000000e+00> : vector<1000x256xf32>
    %dot_general3A_126 = tpu.matmul %add3A_119, %get3A_124, %dot_general3A_125 {dimension_numbers = #tpu.dot_dimension_numbers<[1], [0], [0], [1], [0, 0, 1, 1], [], []>, precision = #tpu.contract_precision<fp32>, transpose_lhs_hint = false} : vector<1000x256xf32>, vector<256x256xf32>, vector<1000x256xf32> -> vector<1000x256xf32>
    %get3A_127 = arith.constant 0 : index
    %get3A_128 = arith.constant 0 : index
    %get3A_129 = vector.load %arg15[%get3A_127, %get3A_128] : memref<6x256xf32, #tpu.memory_space<vmem>>, vector<1x256xf32>
    %get3A_130 = vector.shape_cast %get3A_129 : vector<1x256xf32> to vector<256xf32>
    %reshape3A = vector.shape_cast %get3A_130 : vector<256xf32> to vector<1x256xf32>
    %add3A_131 = vector.broadcast %reshape3A : vector<1x256xf32> to vector<1000x256xf32>
    %add3A_132 = arith.addf %dot_general3A_126, %add3A_131 : vector<1000x256xf32>
    %slice3A = vector.extract_strided_slice %add3A_132 {offsets = [0, 0], sizes = [1000, 128], strides = [1, 1]} : vector<1000x256xf32> to vector<1000x128xf32>
    %swap3A = arith.constant 0 : index
    %swap3A_133 = arith.constant 0 : index
    %swap3A_134 = arith.constant 0 : index
    %swap3A_135 = arith.constant 0 : index
    %swap3A_136 = vector.load %arg16[%swap3A, %swap3A_133, %swap3A_134, %swap3A_135] : memref<6x2x1000x128xf32, #tpu.memory_space<vmem>>, vector<1x1x1000x128xf32>
    %swap3A_137 = vector.shape_cast %swap3A_136 : vector<1x1x1000x128xf32> to vector<1000x128xf32>
    %swap3A_138 = vector.shape_cast %slice3A : vector<1000x128xf32> to vector<1x1x1000x128xf32>
    tpu.vector_store %arg16[%swap3A, %swap3A_133, %swap3A_134, %swap3A_135], %swap3A_138 {strides = array<i32>} : memref<6x2x1000x128xf32, #tpu.memory_space<vmem>>, vector<1x1x1000x128xf32>,
    %slice3A_139 = vector.extract_strided_slice %add3A_132 {offsets = [0, 128], sizes = [1000, 128], strides = [1, 1]} : vector<1000x256xf32> to vector<1000x128xf32>
    %swap3A_140 = arith.constant 0 : index
    %swap3A_141 = arith.constant 1 : index
    %swap3A_142 = arith.constant 0 : index
    %swap3A_143 = arith.constant 0 : index
    %swap3A_144 = vector.load %arg16[%swap3A_140, %swap3A_141, %swap3A_142, %swap3A_143] : memref<6x2x1000x128xf32, #tpu.memory_space<vmem>>, vector<1x1x1000x128xf32>
    %swap3A_145 = vector.shape_cast %swap3A_144 : vector<1x1x1000x128xf32> to vector<1000x128xf32>
    %swap3A_146 = vector.shape_cast %slice3A_139 : vector<1000x128xf32> to vector<1x1x1000x128xf32>
    tpu.vector_store %arg16[%swap3A_140, %swap3A_141, %swap3A_142, %swap3A_143], %swap3A_146 {strides = array<i32>} : memref<6x2x1000x128xf32, #tpu.memory_space<vmem>>, vector<1x1x1000x128xf32>,
    %get3A_147 = arith.constant 1 : index
    %get3A_148 = arith.constant 0 : index
    %get3A_149 = arith.constant 0 : index
    %get3A_150 = vector.load %arg14[%get3A_147, %get3A_148, %get3A_149] : memref<6x256x256xf32, #tpu.memory_space<vmem>>, vector<1x256x256xf32>
    %get3A_151 = vector.shape_cast %get3A_150 : vector<1x256x256xf32> to vector<256x256xf32>
    %dot_general3A_152 = arith.constant dense<0.000000e+00> : vector<1000x256xf32>
    %dot_general3A_153 = tpu.matmul %add3A_119, %get3A_151, %dot_general3A_152 {dimension_numbers = #tpu.dot_dimension_numbers<[1], [0], [0], [1], [0, 0, 1, 1], [], []>, precision = #tpu.contract_precision<fp32>, transpose_lhs_hint = false} : vector<1000x256xf32>, vector<256x256xf32>, vector<1000x256xf32> -> vector<1000x256xf32>
    %get3A_154 = arith.constant 1 : index
    %get3A_155 = arith.constant 0 : index
    %get3A_156 = vector.load %arg15[%get3A_154, %get3A_155] : memref<6x256xf32, #tpu.memory_space<vmem>>, vector<1x256xf32>
    %get3A_157 = vector.shape_cast %get3A_156 : vector<1x256xf32> to vector<256xf32>
    %reshape3A_158 = vector.shape_cast %get3A_157 : vector<256xf32> to vector<1x256xf32>
    %add3A_159 = vector.broadcast %reshape3A_158 : vector<1x256xf32> to vector<1000x256xf32>
    %add3A_160 = arith.addf %dot_general3A_153, %add3A_159 : vector<1000x256xf32>
    %slice3A_161 = vector.extract_strided_slice %add3A_160 {offsets = [0, 0], sizes = [1000, 128], strides = [1, 1]} : vector<1000x256xf32> to vector<1000x128xf32>
    %swap3A_162 = arith.constant 1 : index
    %swap3A_163 = arith.constant 0 : index
    %swap3A_164 = arith.constant 0 : index
    %swap3A_165 = arith.constant 0 : index
    %swap3A_166 = vector.load %arg16[%swap3A_162, %swap3A_163, %swap3A_164, %swap3A_165] : memref<6x2x1000x128xf32, #tpu.memory_space<vmem>>, vector<1x1x1000x128xf32>
    %swap3A_167 = vector.shape_cast %swap3A_166 : vector<1x1x1000x128xf32> to vector<1000x128xf32>
    %swap3A_168 = vector.shape_cast %slice3A_161 : vector<1000x128xf32> to vector<1x1x1000x128xf32>
    tpu.vector_store %arg16[%swap3A_162, %swap3A_163, %swap3A_164, %swap3A_165], %swap3A_168 {strides = array<i32>} : memref<6x2x1000x128xf32, #tpu.memory_space<vmem>>, vector<1x1x1000x128xf32>,
    %slice3A_169 = vector.extract_strided_slice %add3A_160 {offsets = [0, 128], sizes = [1000, 128], strides = [1, 1]} : vector<1000x256xf32> to vector<1000x128xf32>
    %swap3A_170 = arith.constant 1 : index
    %swap3A_171 = arith.constant 1 : index
    %swap3A_172 = arith.constant 0 : index
    %swap3A_173 = arith.constant 0 : index
    %swap3A_174 = vector.load %arg16[%swap3A_170, %swap3A_171, %swap3A_172, %swap3A_173] : memref<6x2x1000x128xf32, #tpu.memory_space<vmem>>, vector<1x1x1000x128xf32>
    %swap3A_175 = vector.shape_cast %swap3A_174 : vector<1x1x1000x128xf32> to vector<1000x128xf32>
    %swap3A_176 = vector.shape_cast %slice3A_169 : vector<1000x128xf32> to vector<1x1x1000x128xf32>
    tpu.vector_store %arg16[%swap3A_170, %swap3A_171, %swap3A_172, %swap3A_173], %swap3A_176 {strides = array<i32>} : memref<6x2x1000x128xf32, #tpu.memory_space<vmem>>, vector<1x1x1000x128xf32>,
    %get3A_177 = arith.constant 2 : index
    %get3A_178 = arith.constant 0 : index
    %get3A_179 = arith.constant 0 : index
    %get3A_180 = vector.load %arg14[%get3A_177, %get3A_178, %get3A_179] : memref<6x256x256xf32, #tpu.memory_space<vmem>>, vector<1x256x256xf32>
    %get3A_181 = vector.shape_cast %get3A_180 : vector<1x256x256xf32> to vector<256x256xf32>
    %dot_general3A_182 = arith.constant dense<0.000000e+00> : vector<1000x256xf32>
    %dot_general3A_183 = tpu.matmul %add3A_119, %get3A_181, %dot_general3A_182 {dimension_numbers = #tpu.dot_dimension_numbers<[1], [0], [0], [1], [0, 0, 1, 1], [], []>, precision = #tpu.contract_precision<fp32>, transpose_lhs_hint = false} : vector<1000x256xf32>, vector<256x256xf32>, vector<1000x256xf32> -> vector<1000x256xf32>
    %get3A_184 = arith.constant 2 : index
    %get3A_185 = arith.constant 0 : index
    %get3A_186 = vector.load %arg15[%get3A_184, %get3A_185] : memref<6x256xf32, #tpu.memory_space<vmem>>, vector<1x256xf32>
    %get3A_187 = vector.shape_cast %get3A_186 : vector<1x256xf32> to vector<256xf32>
    %reshape3A_188 = vector.shape_cast %get3A_187 : vector<256xf32> to vector<1x256xf32>
    %add3A_189 = vector.broadcast %reshape3A_188 : vector<1x256xf32> to vector<1000x256xf32>
    %add3A_190 = arith.addf %dot_general3A_183, %add3A_189 : vector<1000x256xf32>
    %slice3A_191 = vector.extract_strided_slice %add3A_190 {offsets = [0, 0], sizes = [1000, 128], strides = [1, 1]} : vector<1000x256xf32> to vector<1000x128xf32>
    %swap3A_192 = arith.constant 2 : index
    %swap3A_193 = arith.constant 0 : index
    %swap3A_194 = arith.constant 0 : index
    %swap3A_195 = arith.constant 0 : index
    %swap3A_196 = vector.load %arg16[%swap3A_192, %swap3A_193, %swap3A_194, %swap3A_195] : memref<6x2x1000x128xf32, #tpu.memory_space<vmem>>, vector<1x1x1000x128xf32>
    %swap3A_197 = vector.shape_cast %swap3A_196 : vector<1x1x1000x128xf32> to vector<1000x128xf32>
    %swap3A_198 = vector.shape_cast %slice3A_191 : vector<1000x128xf32> to vector<1x1x1000x128xf32>
    tpu.vector_store %arg16[%swap3A_192, %swap3A_193, %swap3A_194, %swap3A_195], %swap3A_198 {strides = array<i32>} : memref<6x2x1000x128xf32, #tpu.memory_space<vmem>>, vector<1x1x1000x128xf32>,
    %slice3A_199 = vector.extract_strided_slice %add3A_190 {offsets = [0, 128], sizes = [1000, 128], strides = [1, 1]} : vector<1000x256xf32> to vector<1000x128xf32>
    %swap3A_200 = arith.constant 2 : index
    %swap3A_201 = arith.constant 1 : index
    %swap3A_202 = arith.constant 0 : index
    %swap3A_203 = arith.constant 0 : index
    %swap3A_204 = vector.load %arg16[%swap3A_200, %swap3A_201, %swap3A_202, %swap3A_203] : memref<6x2x1000x128xf32, #tpu.memory_space<vmem>>, vector<1x1x1000x128xf32>
    %swap3A_205 = vector.shape_cast %swap3A_204 : vector<1x1x1000x128xf32> to vector<1000x128xf32>
    %swap3A_206 = vector.shape_cast %slice3A_199 : vector<1000x128xf32> to vector<1x1x1000x128xf32>
    tpu.vector_store %arg16[%swap3A_200, %swap3A_201, %swap3A_202, %swap3A_203], %swap3A_206 {strides = array<i32>} : memref<6x2x1000x128xf32, #tpu.memory_space<vmem>>, vector<1x1x1000x128xf32>,
    %get3A_207 = arith.constant 3 : index
    %get3A_208 = arith.constant 0 : index
    %get3A_209 = arith.constant 0 : index
    %get3A_210 = vector.load %arg14[%get3A_207, %get3A_208, %get3A_209] : memref<6x256x256xf32, #tpu.memory_space<vmem>>, vector<1x256x256xf32>
    %get3A_211 = vector.shape_cast %get3A_210 : vector<1x256x256xf32> to vector<256x256xf32>
    %dot_general3A_212 = arith.constant dense<0.000000e+00> : vector<1000x256xf32>
    %dot_general3A_213 = tpu.matmul %add3A_119, %get3A_211, %dot_general3A_212 {dimension_numbers = #tpu.dot_dimension_numbers<[1], [0], [0], [1], [0, 0, 1, 1], [], []>, precision = #tpu.contract_precision<fp32>, transpose_lhs_hint = false} : vector<1000x256xf32>, vector<256x256xf32>, vector<1000x256xf32> -> vector<1000x256xf32>
    %get3A_214 = arith.constant 3 : index
    %get3A_215 = arith.constant 0 : index
    %get3A_216 = vector.load %arg15[%get3A_214, %get3A_215] : memref<6x256xf32, #tpu.memory_space<vmem>>, vector<1x256xf32>
    %get3A_217 = vector.shape_cast %get3A_216 : vector<1x256xf32> to vector<256xf32>
    %reshape3A_218 = vector.shape_cast %get3A_217 : vector<256xf32> to vector<1x256xf32>
    %add3A_219 = vector.broadcast %reshape3A_218 : vector<1x256xf32> to vector<1000x256xf32>
    %add3A_220 = arith.addf %dot_general3A_213, %add3A_219 : vector<1000x256xf32>
    %slice3A_221 = vector.extract_strided_slice %add3A_220 {offsets = [0, 0], sizes = [1000, 128], strides = [1, 1]} : vector<1000x256xf32> to vector<1000x128xf32>
    %swap3A_222 = arith.constant 3 : index
    %swap3A_223 = arith.constant 0 : index
    %swap3A_224 = arith.constant 0 : index
    %swap3A_225 = arith.constant 0 : index
    %swap3A_226 = vector.load %arg16[%swap3A_222, %swap3A_223, %swap3A_224, %swap3A_225] : memref<6x2x1000x128xf32, #tpu.memory_space<vmem>>, vector<1x1x1000x128xf32>
    %swap3A_227 = vector.shape_cast %swap3A_226 : vector<1x1x1000x128xf32> to vector<1000x128xf32>
    %swap3A_228 = vector.shape_cast %slice3A_221 : vector<1000x128xf32> to vector<1x1x1000x128xf32>
    tpu.vector_store %arg16[%swap3A_222, %swap3A_223, %swap3A_224, %swap3A_225], %swap3A_228 {strides = array<i32>} : memref<6x2x1000x128xf32, #tpu.memory_space<vmem>>, vector<1x1x1000x128xf32>,
    %slice3A_229 = vector.extract_strided_slice %add3A_220 {offsets = [0, 128], sizes = [1000, 128], strides = [1, 1]} : vector<1000x256xf32> to vector<1000x128xf32>
    %swap3A_230 = arith.constant 3 : index
    %swap3A_231 = arith.constant 1 : index
    %swap3A_232 = arith.constant 0 : index
    %swap3A_233 = arith.constant 0 : index
    %swap3A_234 = vector.load %arg16[%swap3A_230, %swap3A_231, %swap3A_232, %swap3A_233] : memref<6x2x1000x128xf32, #tpu.memory_space<vmem>>, vector<1x1x1000x128xf32>
    %swap3A_235 = vector.shape_cast %swap3A_234 : vector<1x1x1000x128xf32> to vector<1000x128xf32>
    %swap3A_236 = vector.shape_cast %slice3A_229 : vector<1000x128xf32> to vector<1x1x1000x128xf32>
    tpu.vector_store %arg16[%swap3A_230, %swap3A_231, %swap3A_232, %swap3A_233], %swap3A_236 {strides = array<i32>} : memref<6x2x1000x128xf32, #tpu.memory_space<vmem>>, vector<1x1x1000x128xf32>,
    %get3A_237 = arith.constant 4 : index
    %get3A_238 = arith.constant 0 : index
    %get3A_239 = arith.constant 0 : index
    %get3A_240 = vector.load %arg14[%get3A_237, %get3A_238, %get3A_239] : memref<6x256x256xf32, #tpu.memory_space<vmem>>, vector<1x256x256xf32>
    %get3A_241 = vector.shape_cast %get3A_240 : vector<1x256x256xf32> to vector<256x256xf32>
    %dot_general3A_242 = arith.constant dense<0.000000e+00> : vector<1000x256xf32>
    %dot_general3A_243 = tpu.matmul %add3A_119, %get3A_241, %dot_general3A_242 {dimension_numbers = #tpu.dot_dimension_numbers<[1], [0], [0], [1], [0, 0, 1, 1], [], []>, precision = #tpu.contract_precision<fp32>, transpose_lhs_hint = false} : vector<1000x256xf32>, vector<256x256xf32>, vector<1000x256xf32> -> vector<1000x256xf32>
    %get3A_244 = arith.constant 4 : index
    %get3A_245 = arith.constant 0 : index
    %get3A_246 = vector.load %arg15[%get3A_244, %get3A_245] : memref<6x256xf32, #tpu.memory_space<vmem>>, vector<1x256xf32>
    %get3A_247 = vector.shape_cast %get3A_246 : vector<1x256xf32> to vector<256xf32>
    %reshape3A_248 = vector.shape_cast %get3A_247 : vector<256xf32> to vector<1x256xf32>
    %add3A_249 = vector.broadcast %reshape3A_248 : vector<1x256xf32> to vector<1000x256xf32>
    %add3A_250 = arith.addf %dot_general3A_243, %add3A_249 : vector<1000x256xf32>
    %slice3A_251 = vector.extract_strided_slice %add3A_250 {offsets = [0, 0], sizes = [1000, 128], strides = [1, 1]} : vector<1000x256xf32> to vector<1000x128xf32>
    %swap3A_252 = arith.constant 4 : index
    %swap3A_253 = arith.constant 0 : index
    %swap3A_254 = arith.constant 0 : index
    %swap3A_255 = arith.constant 0 : index
    %swap3A_256 = vector.load %arg16[%swap3A_252, %swap3A_253, %swap3A_254, %swap3A_255] : memref<6x2x1000x128xf32, #tpu.memory_space<vmem>>, vector<1x1x1000x128xf32>
    %swap3A_257 = vector.shape_cast %swap3A_256 : vector<1x1x1000x128xf32> to vector<1000x128xf32>
    %swap3A_258 = vector.shape_cast %slice3A_251 : vector<1000x128xf32> to vector<1x1x1000x128xf32>
    tpu.vector_store %arg16[%swap3A_252, %swap3A_253, %swap3A_254, %swap3A_255], %swap3A_258 {strides = array<i32>} : memref<6x2x1000x128xf32, #tpu.memory_space<vmem>>, vector<1x1x1000x128xf32>,
    %slice3A_259 = vector.extract_strided_slice %add3A_250 {offsets = [0, 128], sizes = [1000, 128], strides = [1, 1]} : vector<1000x256xf32> to vector<1000x128xf32>
    %swap3A_260 = arith.constant 4 : index
    %swap3A_261 = arith.constant 1 : index
    %swap3A_262 = arith.constant 0 : index
    %swap3A_263 = arith.constant 0 : index
    %swap3A_264 = vector.load %arg16[%swap3A_260, %swap3A_261, %swap3A_262, %swap3A_263] : memref<6x2x1000x128xf32, #tpu.memory_space<vmem>>, vector<1x1x1000x128xf32>
    %swap3A_265 = vector.shape_cast %swap3A_264 : vector<1x1x1000x128xf32> to vector<1000x128xf32>
    %swap3A_266 = vector.shape_cast %slice3A_259 : vector<1000x128xf32> to vector<1x1x1000x128xf32>
    tpu.vector_store %arg16[%swap3A_260, %swap3A_261, %swap3A_262, %swap3A_263], %swap3A_266 {strides = array<i32>} : memref<6x2x1000x128xf32, #tpu.memory_space<vmem>>, vector<1x1x1000x128xf32>,
    %get3A_267 = arith.constant 5 : index
    %get3A_268 = arith.constant 0 : index
    %get3A_269 = arith.constant 0 : index
    %get3A_270 = vector.load %arg14[%get3A_267, %get3A_268, %get3A_269] : memref<6x256x256xf32, #tpu.memory_space<vmem>>, vector<1x256x256xf32>
    %get3A_271 = vector.shape_cast %get3A_270 : vector<1x256x256xf32> to vector<256x256xf32>
    %dot_general3A_272 = arith.constant dense<0.000000e+00> : vector<1000x256xf32>
    %dot_general3A_273 = tpu.matmul %add3A_119, %get3A_271, %dot_general3A_272 {dimension_numbers = #tpu.dot_dimension_numbers<[1], [0], [0], [1], [0, 0, 1, 1], [], []>, precision = #tpu.contract_precision<fp32>, transpose_lhs_hint = false} : vector<1000x256xf32>, vector<256x256xf32>, vector<1000x256xf32> -> vector<1000x256xf32>
    %get3A_274 = arith.constant 5 : index
    %get3A_275 = arith.constant 0 : index
    %get3A_276 = vector.load %arg15[%get3A_274, %get3A_275] : memref<6x256xf32, #tpu.memory_space<vmem>>, vector<1x256xf32>
    %get3A_277 = vector.shape_cast %get3A_276 : vector<1x256xf32> to vector<256xf32>
    %reshape3A_278 = vector.shape_cast %get3A_277 : vector<256xf32> to vector<1x256xf32>
    %add3A_279 = vector.broadcast %reshape3A_278 : vector<1x256xf32> to vector<1000x256xf32>
    %add3A_280 = arith.addf %dot_general3A_273, %add3A_279 : vector<1000x256xf32>
    %slice3A_281 = vector.extract_strided_slice %add3A_280 {offsets = [0, 0], sizes = [1000, 128], strides = [1, 1]} : vector<1000x256xf32> to vector<1000x128xf32>
    %swap3A_282 = arith.constant 5 : index
    %swap3A_283 = arith.constant 0 : index
    %swap3A_284 = arith.constant 0 : index
    %swap3A_285 = arith.constant 0 : index
    %swap3A_286 = vector.load %arg16[%swap3A_282, %swap3A_283, %swap3A_284, %swap3A_285] : memref<6x2x1000x128xf32, #tpu.memory_space<vmem>>, vector<1x1x1000x128xf32>
    %swap3A_287 = vector.shape_cast %swap3A_286 : vector<1x1x1000x128xf32> to vector<1000x128xf32>
    %swap3A_288 = vector.shape_cast %slice3A_281 : vector<1000x128xf32> to vector<1x1x1000x128xf32>
    tpu.vector_store %arg16[%swap3A_282, %swap3A_283, %swap3A_284, %swap3A_285], %swap3A_288 {strides = array<i32>} : memref<6x2x1000x128xf32, #tpu.memory_space<vmem>>, vector<1x1x1000x128xf32>,
    %slice3A_289 = vector.extract_strided_slice %add3A_280 {offsets = [0, 128], sizes = [1000, 128], strides = [1, 1]} : vector<1000x256xf32> to vector<1000x128xf32>
    %swap3A_290 = arith.constant 5 : index
    %swap3A_291 = arith.constant 1 : index
    %swap3A_292 = arith.constant 0 : index
    %swap3A_293 = arith.constant 0 : index
    %swap3A_294 = vector.load %arg16[%swap3A_290, %swap3A_291, %swap3A_292, %swap3A_293] : memref<6x2x1000x128xf32, #tpu.memory_space<vmem>>, vector<1x1x1000x128xf32>
    %swap3A_295 = vector.shape_cast %swap3A_294 : vector<1x1x1000x128xf32> to vector<1000x128xf32>
    %swap3A_296 = vector.shape_cast %slice3A_289 : vector<1000x128xf32> to vector<1x1x1000x128xf32>
    tpu.vector_store %arg16[%swap3A_290, %swap3A_291, %swap3A_292, %swap3A_293], %swap3A_296 {strides = array<i32>} : memref<6x2x1000x128xf32, #tpu.memory_space<vmem>>, vector<1x1x1000x128xf32>,
    return
  }
  func.func @transform_0(%arg0: i32) -> (i32, i32) {
    %c0_i32 = arith.constant 0 : i32
    %c0_i32_0 = arith.constant 0 : i32
    return %arg0, %c0_i32 : i32, i32
  }
  func.func @transform_1(%arg0: i32) -> (i32, i32) {
    %c0_i32 = arith.constant 0 : i32
    %c0_i32_0 = arith.constant 0 : i32
    %c0_i32_1 = arith.constant 0 : i32
    return %c0_i32, %c0_i32_0 : i32, i32
  }
  func.func @transform_2(%arg0: i32) -> (i32, i32) {
    %c0_i32 = arith.constant 0 : i32
    %c0_i32_0 = arith.constant 0 : i32
    %c0_i32_1 = arith.constant 0 : i32
    return %c0_i32, %c0_i32_0 : i32, i32
  }
  func.func @transform_3(%arg0: i32) -> (i32, i32) {
    %c0_i32 = arith.constant 0 : i32
    %c0_i32_0 = arith.constant 0 : i32
    %c0_i32_1 = arith.constant 0 : i32
    return %c0_i32, %c0_i32_0 : i32, i32
  }
  func.func @transform_4(%arg0: i32) -> (i32, i32) {
    %c0_i32 = arith.constant 0 : i32
    %c0_i32_0 = arith.constant 0 : i32
    %c0_i32_1 = arith.constant 0 : i32
    return %c0_i32, %c0_i32_0 : i32, i32
  }
  func.func @transform_5(%arg0: i32) -> (i32, i32) {
    %c0_i32 = arith.constant 0 : i32
    %c0_i32_0 = arith.constant 0 : i32
    %c0_i32_1 = arith.constant 0 : i32
    return %c0_i32, %c0_i32_0 : i32, i32
  }
  func.func @transform_6(%arg0: i32) -> (i32, i32) {
    %c0_i32 = arith.constant 0 : i32
    %c0_i32_0 = arith.constant 0 : i32
    %c0_i32_1 = arith.constant 0 : i32
    return %c0_i32, %c0_i32_0 : i32, i32
  }
  func.func @transform_7(%arg0: i32) -> (i32, i32) {
    %c0_i32 = arith.constant 0 : i32
    %c0_i32_0 = arith.constant 0 : i32
    %c0_i32_1 = arith.constant 0 : i32
    return %c0_i32, %c0_i32_0 : i32, i32
  }
  func.func @transform_8(%arg0: i32) -> (i32, i32) {
    %c0_i32 = arith.constant 0 : i32
    %c0_i32_0 = arith.constant 0 : i32
    %c0_i32_1 = arith.constant 0 : i32
    return %c0_i32, %c0_i32_0 : i32, i32
  }
  func.func @transform_9(%arg0: i32) -> (i32, i32) {
    %c0_i32 = arith.constant 0 : i32
    %c0_i32_0 = arith.constant 0 : i32
    %c0_i32_1 = arith.constant 0 : i32
    return %c0_i32, %c0_i32_0 : i32, i32
  }
  func.func @transform_10(%arg0: i32) -> (i32, i32) {
    %c0_i32 = arith.constant 0 : i32
    %c0_i32_0 = arith.constant 0 : i32
    %c0_i32_1 = arith.constant 0 : i32
    return %c0_i32, %c0_i32_0 : i32, i32
  }
  func.func @transform_11(%arg0: i32) -> (i32, i32) {
    %c0_i32 = arith.constant 0 : i32
    %c0_i32_0 = arith.constant 0 : i32
    %c0_i32_1 = arith.constant 0 : i32
    return %c0_i32, %c0_i32_0 : i32, i32
  }
  func.func @transform_12(%arg0: i32) -> (i32, i32) {
    %c0_i32 = arith.constant 0 : i32
    %c0_i32_0 = arith.constant 0 : i32
    %c0_i32_1 = arith.constant 0 : i32
    return %c0_i32, %c0_i32_0 : i32, i32
  }
  func.func @transform_13(%arg0: i32) -> (i32, i32, i32) {
    %c0_i32 = arith.constant 0 : i32
    %c0_i32_0 = arith.constant 0 : i32
    %c0_i32_1 = arith.constant 0 : i32
    %c0_i32_2 = arith.constant 0 : i32
    return %c0_i32, %c0_i32_0, %c0_i32_1 : i32, i32, i32
  }
  func.func @transform_14(%arg0: i32) -> (i32, i32) {
    %c0_i32 = arith.constant 0 : i32
    %c0_i32_0 = arith.constant 0 : i32
    %c0_i32_1 = arith.constant 0 : i32
    return %c0_i32, %c0_i32_0 : i32, i32
  }
  func.func @transform_15(%arg0: i32) -> (i32, i32, i32, i32) {
    %c0_i32 = arith.constant 0 : i32
    %c0_i32_0 = arith.constant 0 : i32
    %c0_i32_1 = arith.constant 0 : i32
    %c0_i32_2 = arith.constant 0 : i32
    return %c0_i32, %c0_i32_0, %arg0, %c0_i32_1 : i32, i32, i32, i32
  }
}

module attributes {stable_mosaic.version = 14 : i64} {
  func.func @_node_enc_body(%arg0: i32, %arg1: memref<1000x128xf32, #tpu.memory_space<vmem>>, %arg2: memref<128x256xf32, #tpu.memory_space<vmem>>, %arg3: memref<1x256xf32, #tpu.memory_space<vmem>>, %arg4: memref<1x256xf32, #tpu.memory_space<vmem>>, %arg5: memref<1x256xf32, #tpu.memory_space<vmem>>, %arg6: memref<256x256xf32, #tpu.memory_space<vmem>>, %arg7: memref<1x256xf32, #tpu.memory_space<vmem>>, %arg8: memref<1000x256xf32, #tpu.memory_space<vmem>>) attributes {dimension_semantics = [#tpu.dimension_semantics<arbitrary>], iteration_bounds = array<i64: 10>, scalar_prefetch = 0 : i64, scratch_operands = 0 : i64, tpu.core_type = #tpu.core_type<tc>, window_params = [{transform_indices = @transform_0, window_bounds = array<i64: 1000, 128>}, {pipeline_mode = #tpu.pipeline_mode<synchronous>, transform_indices = @transform_1, window_bounds = array<i64: 128, 256>}, {pipeline_mode = #tpu.pipeline_mode<synchronous>, transform_indices = @transform_2, window_bounds = array<i64: 1, 256>}, {pipeline_mode = #tpu.pipeline_mode<synchronous>, transform_indices = @transform_3, window_bounds = array<i64: 1, 256>}, {pipeline_mode = #tpu.pipeline_mode<synchronous>, transform_indices = @transform_4, window_bounds = array<i64: 1, 256>}, {pipeline_mode = #tpu.pipeline_mode<synchronous>, transform_indices = @transform_5, window_bounds = array<i64: 256, 256>}, {pipeline_mode = #tpu.pipeline_mode<synchronous>, transform_indices = @transform_6, window_bounds = array<i64: 1, 256>}, {transform_indices = @transform_7, window_bounds = array<i64: 1000, 256>}]} {
    %get3A = arith.constant 0 : index
    %get3A_0 = arith.constant 0 : index
    %get3A_1 = vector.load %arg1[%get3A, %get3A_0] : memref<1000x128xf32, #tpu.memory_space<vmem>>, vector<1000x128xf32>
    %get3A_2 = arith.constant 0 : index
    %get3A_3 = arith.constant 0 : index
    %get3A_4 = vector.load %arg2[%get3A_2, %get3A_3] : memref<128x256xf32, #tpu.memory_space<vmem>>, vector<128x256xf32>
    %dot_general3A = arith.constant dense<0.000000e+00> : vector<1000x256xf32>
    %dot_general3A_5 = tpu.matmul %get3A_1, %get3A_4, %dot_general3A {dimension_numbers = #tpu.dot_dimension_numbers<[1], [0], [0], [1], [0, 0, 1, 1], [], []>, precision = #tpu.contract_precision<fp32>, transpose_lhs_hint = false} : vector<1000x128xf32>, vector<128x256xf32>, vector<1000x256xf32> -> vector<1000x256xf32>
    %get3A_6 = arith.constant 0 : index
    %get3A_7 = arith.constant 0 : index
    %get3A_8 = vector.load %arg3[%get3A_6, %get3A_7] : memref<1x256xf32, #tpu.memory_space<vmem>>, vector<1x256xf32>
    %add3A = vector.broadcast %get3A_8 : vector<1x256xf32> to vector<1000x256xf32>
    %add3A_9 = arith.addf %dot_general3A_5, %add3A : vector<1000x256xf32>
    %get3A_10 = arith.constant 0 : index
    %get3A_11 = arith.constant 0 : index
    %get3A_12 = vector.load %arg4[%get3A_10, %get3A_11] : memref<1x256xf32, #tpu.memory_space<vmem>>, vector<1x256xf32>
    %get3A_13 = arith.constant 0 : index
    %get3A_14 = arith.constant 0 : index
    %get3A_15 = vector.load %arg5[%get3A_13, %get3A_14] : memref<1x256xf32, #tpu.memory_space<vmem>>, vector<1x256xf32>
    %reduce_sum3A = arith.constant dense<0.000000e+00> : vector<1000xf32>
    %reduce_sum3A_16 = vector.multi_reduction <add>, %add3A_9, %reduce_sum3A [1] : vector<1000x256xf32> to vector<1000xf32>
    %broadcast_in_dim3A = vector.shape_cast %reduce_sum3A_16 : vector<1000xf32> to vector<1000x1xf32>
    %div3A = arith.constant 2.560000e+02 : f32
    %div3A_17 = vector.broadcast %div3A : f32 to vector<1000x1xf32>
    %div3A_18 = arith.divf %broadcast_in_dim3A, %div3A_17 : vector<1000x1xf32>
    %sub3A = vector.broadcast %div3A_18 : vector<1000x1xf32> to vector<1000x256xf32>
    %sub3A_19 = arith.subf %add3A_9, %sub3A : vector<1000x256xf32>
    %integer_pow3A = arith.mulf %sub3A_19, %sub3A_19 : vector<1000x256xf32>
    %reduce_sum3A_20 = arith.constant dense<0.000000e+00> : vector<1000xf32>
    %reduce_sum3A_21 = vector.multi_reduction <add>, %integer_pow3A, %reduce_sum3A_20 [1] : vector<1000x256xf32> to vector<1000xf32>
    %broadcast_in_dim3A_22 = vector.shape_cast %reduce_sum3A_21 : vector<1000xf32> to vector<1000x1xf32>
    %div3A_23 = arith.constant 2.560000e+02 : f32
    %div3A_24 = vector.broadcast %div3A_23 : f32 to vector<1000x1xf32>
    %div3A_25 = arith.divf %broadcast_in_dim3A_22, %div3A_24 : vector<1000x1xf32>
    %sub3A_26 = vector.broadcast %div3A_18 : vector<1000x1xf32> to vector<1000x256xf32>
    %sub3A_27 = arith.subf %add3A_9, %sub3A_26 : vector<1000x256xf32>
    %add3A_28 = arith.constant 9.99999974E-6 : f32
    %add3A_29 = vector.broadcast %add3A_28 : f32 to vector<1000x1xf32>
    %add3A_30 = arith.addf %div3A_25, %add3A_29 : vector<1000x1xf32>
    %rsqrt3A = math.rsqrt %add3A_30 : vector<1000x1xf32>
    %mul3A = vector.broadcast %rsqrt3A : vector<1000x1xf32> to vector<1000x256xf32>
    %mul3A_31 = arith.mulf %sub3A_27, %mul3A : vector<1000x256xf32>
    %mul3A_32 = vector.broadcast %get3A_12 : vector<1x256xf32> to vector<1000x256xf32>
    %mul3A_33 = arith.mulf %mul3A_31, %mul3A_32 : vector<1000x256xf32>
    %add3A_34 = vector.broadcast %get3A_15 : vector<1x256xf32> to vector<1000x256xf32>
    %add3A_35 = arith.addf %mul3A_33, %add3A_34 : vector<1000x256xf32>
    %logistic3A = arith.negf %add3A_35 : vector<1000x256xf32>
    %logistic3A_36 = math.exp %logistic3A : vector<1000x256xf32>
    %logistic3A_37 = arith.constant 1.000000e+00 : f32
    %logistic3A_38 = vector.broadcast %logistic3A_37 : f32 to vector<1000x256xf32>
    %logistic3A_39 = arith.addf %logistic3A_38, %logistic3A_36 : vector<1000x256xf32>
    %logistic3A_40 = arith.divf %logistic3A_38, %logistic3A_39 : vector<1000x256xf32>
    %mul3A_41 = arith.mulf %add3A_35, %logistic3A_40 : vector<1000x256xf32>
    %get3A_42 = arith.constant 0 : index
    %get3A_43 = arith.constant 0 : index
    %get3A_44 = vector.load %arg6[%get3A_42, %get3A_43] : memref<256x256xf32, #tpu.memory_space<vmem>>, vector<256x256xf32>
    %dot_general3A_45 = arith.constant dense<0.000000e+00> : vector<1000x256xf32>
    %dot_general3A_46 = tpu.matmul %mul3A_41, %get3A_44, %dot_general3A_45 {dimension_numbers = #tpu.dot_dimension_numbers<[1], [0], [0], [1], [0, 0, 1, 1], [], []>, precision = #tpu.contract_precision<fp32>, transpose_lhs_hint = false} : vector<1000x256xf32>, vector<256x256xf32>, vector<1000x256xf32> -> vector<1000x256xf32>
    %get3A_47 = arith.constant 0 : index
    %get3A_48 = arith.constant 0 : index
    %get3A_49 = vector.load %arg7[%get3A_47, %get3A_48] : memref<1x256xf32, #tpu.memory_space<vmem>>, vector<1x256xf32>
    %add3A_50 = vector.broadcast %get3A_49 : vector<1x256xf32> to vector<1000x256xf32>
    %add3A_51 = arith.addf %dot_general3A_46, %add3A_50 : vector<1000x256xf32>
    %swap3A = arith.constant 0 : index
    %swap3A_52 = arith.constant 0 : index
    %swap3A_53 = vector.load %arg8[%swap3A, %swap3A_52] : memref<1000x256xf32, #tpu.memory_space<vmem>>, vector<1000x256xf32>
    tpu.vector_store %arg8[%swap3A, %swap3A_52], %add3A_51 {strides = array<i32>} : memref<1000x256xf32, #tpu.memory_space<vmem>>, vector<1000x256xf32>,
    return
  }
  func.func @transform_0(%arg0: i32) -> (i32, i32) {
    %c0_i32 = arith.constant 0 : i32
    %c0_i32_0 = arith.constant 0 : i32
    return %arg0, %c0_i32 : i32, i32
  }
  func.func @transform_1(%arg0: i32) -> (i32, i32) {
    %c0_i32 = arith.constant 0 : i32
    %c0_i32_0 = arith.constant 0 : i32
    %c0_i32_1 = arith.constant 0 : i32
    return %c0_i32, %c0_i32_0 : i32, i32
  }
  func.func @transform_2(%arg0: i32) -> (i32, i32) {
    %c0_i32 = arith.constant 0 : i32
    %c0_i32_0 = arith.constant 0 : i32
    %c0_i32_1 = arith.constant 0 : i32
    return %c0_i32, %c0_i32_0 : i32, i32
  }
  func.func @transform_3(%arg0: i32) -> (i32, i32) {
    %c0_i32 = arith.constant 0 : i32
    %c0_i32_0 = arith.constant 0 : i32
    %c0_i32_1 = arith.constant 0 : i32
    return %c0_i32, %c0_i32_0 : i32, i32
  }
  func.func @transform_4(%arg0: i32) -> (i32, i32) {
    %c0_i32 = arith.constant 0 : i32
    %c0_i32_0 = arith.constant 0 : i32
    %c0_i32_1 = arith.constant 0 : i32
    return %c0_i32, %c0_i32_0 : i32, i32
  }
  func.func @transform_5(%arg0: i32) -> (i32, i32) {
    %c0_i32 = arith.constant 0 : i32
    %c0_i32_0 = arith.constant 0 : i32
    %c0_i32_1 = arith.constant 0 : i32
    return %c0_i32, %c0_i32_0 : i32, i32
  }
  func.func @transform_6(%arg0: i32) -> (i32, i32) {
    %c0_i32 = arith.constant 0 : i32
    %c0_i32_0 = arith.constant 0 : i32
    %c0_i32_1 = arith.constant 0 : i32
    return %c0_i32, %c0_i32_0 : i32, i32
  }
  func.func @transform_7(%arg0: i32) -> (i32, i32) {
    %c0_i32 = arith.constant 0 : i32
    %c0_i32_0 = arith.constant 0 : i32
    return %arg0, %c0_i32 : i32, i32
  }
}

module attributes {stable_mosaic.version = 14 : i64} {
  func.func @_qkv_body(%arg0: i32, %arg1: memref<1000x256xf32, #tpu.memory_space<vmem>>, %arg2: memref<256x256xf32, #tpu.memory_space<vmem>>, %arg3: memref<1x256xf32, #tpu.memory_space<vmem>>, %arg4: memref<256x256xf32, #tpu.memory_space<vmem>>, %arg5: memref<1x256xf32, #tpu.memory_space<vmem>>, %arg6: memref<256x256xf32, #tpu.memory_space<vmem>>, %arg7: memref<1x256xf32, #tpu.memory_space<vmem>>, %arg8: memref<2x1000x128xf32, #tpu.memory_space<vmem>>, %arg9: memref<2x1000x128xf32, #tpu.memory_space<vmem>>, %arg10: memref<2x1000x128xf32, #tpu.memory_space<vmem>>) attributes {dimension_semantics = [#tpu.dimension_semantics<arbitrary>], iteration_bounds = array<i64: 10>, scalar_prefetch = 0 : i64, scratch_operands = 0 : i64, tpu.core_type = #tpu.core_type<tc>, window_params = [{transform_indices = @transform_0, window_bounds = array<i64: 1000, 256>}, {pipeline_mode = #tpu.pipeline_mode<synchronous>, transform_indices = @transform_1, window_bounds = array<i64: 256, 256>}, {pipeline_mode = #tpu.pipeline_mode<synchronous>, transform_indices = @transform_2, window_bounds = array<i64: 1, 256>}, {pipeline_mode = #tpu.pipeline_mode<synchronous>, transform_indices = @transform_3, window_bounds = array<i64: 256, 256>}, {pipeline_mode = #tpu.pipeline_mode<synchronous>, transform_indices = @transform_4, window_bounds = array<i64: 1, 256>}, {pipeline_mode = #tpu.pipeline_mode<synchronous>, transform_indices = @transform_5, window_bounds = array<i64: 256, 256>}, {pipeline_mode = #tpu.pipeline_mode<synchronous>, transform_indices = @transform_6, window_bounds = array<i64: 1, 256>}, {transform_indices = @transform_7, window_bounds = array<i64: 2, 1000, 128>}, {transform_indices = @transform_8, window_bounds = array<i64: 2, 1000, 128>}, {transform_indices = @transform_9, window_bounds = array<i64: 2, 1000, 128>}]} {
    %get3A = arith.constant 0 : index
    %get3A_0 = arith.constant 0 : index
    %get3A_1 = vector.load %arg1[%get3A, %get3A_0] : memref<1000x256xf32, #tpu.memory_space<vmem>>, vector<1000x256xf32>
    %get3A_2 = arith.constant 0 : index
    %get3A_3 = arith.constant 0 : index
    %get3A_4 = vector.load %arg2[%get3A_2, %get3A_3] : memref<256x256xf32, #tpu.memory_space<vmem>>, vector<256x256xf32>
    %dot_general3A = arith.constant dense<0.000000e+00> : vector<1000x256xf32>
    %dot_general3A_5 = tpu.matmul %get3A_1, %get3A_4, %dot_general3A {dimension_numbers = #tpu.dot_dimension_numbers<[1], [0], [0], [1], [0, 0, 1, 1], [], []>, precision = #tpu.contract_precision<fp32>, transpose_lhs_hint = false} : vector<1000x256xf32>, vector<256x256xf32>, vector<1000x256xf32> -> vector<1000x256xf32>
    %get3A_6 = arith.constant 0 : index
    %get3A_7 = arith.constant 0 : index
    %get3A_8 = vector.load %arg3[%get3A_6, %get3A_7] : memref<1x256xf32, #tpu.memory_space<vmem>>, vector<1x256xf32>
    %add3A = vector.broadcast %get3A_8 : vector<1x256xf32> to vector<1000x256xf32>
    %add3A_9 = arith.addf %dot_general3A_5, %add3A : vector<1000x256xf32>
    %slice3A = vector.extract_strided_slice %add3A_9 {offsets = [0, 0], sizes = [1000, 128], strides = [1, 1]} : vector<1000x256xf32> to vector<1000x128xf32>
    %swap3A = arith.constant 0 : index
    %swap3A_10 = arith.constant 0 : index
    %swap3A_11 = arith.constant 0 : index
    %swap3A_12 = vector.load %arg8[%swap3A, %swap3A_10, %swap3A_11] : memref<2x1000x128xf32, #tpu.memory_space<vmem>>, vector<1x1000x128xf32>
    %swap3A_13 = vector.shape_cast %swap3A_12 : vector<1x1000x128xf32> to vector<1000x128xf32>
    %swap3A_14 = vector.shape_cast %slice3A : vector<1000x128xf32> to vector<1x1000x128xf32>
    tpu.vector_store %arg8[%swap3A, %swap3A_10, %swap3A_11], %swap3A_14 {strides = array<i32>} : memref<2x1000x128xf32, #tpu.memory_space<vmem>>, vector<1x1000x128xf32>,
    %slice3A_15 = vector.extract_strided_slice %add3A_9 {offsets = [0, 128], sizes = [1000, 128], strides = [1, 1]} : vector<1000x256xf32> to vector<1000x128xf32>
    %swap3A_16 = arith.constant 1 : index
    %swap3A_17 = arith.constant 0 : index
    %swap3A_18 = arith.constant 0 : index
    %swap3A_19 = vector.load %arg8[%swap3A_16, %swap3A_17, %swap3A_18] : memref<2x1000x128xf32, #tpu.memory_space<vmem>>, vector<1x1000x128xf32>
    %swap3A_20 = vector.shape_cast %swap3A_19 : vector<1x1000x128xf32> to vector<1000x128xf32>
    %swap3A_21 = vector.shape_cast %slice3A_15 : vector<1000x128xf32> to vector<1x1000x128xf32>
    tpu.vector_store %arg8[%swap3A_16, %swap3A_17, %swap3A_18], %swap3A_21 {strides = array<i32>} : memref<2x1000x128xf32, #tpu.memory_space<vmem>>, vector<1x1000x128xf32>,
    %get3A_22 = arith.constant 0 : index
    %get3A_23 = arith.constant 0 : index
    %get3A_24 = vector.load %arg4[%get3A_22, %get3A_23] : memref<256x256xf32, #tpu.memory_space<vmem>>, vector<256x256xf32>
    %dot_general3A_25 = arith.constant dense<0.000000e+00> : vector<1000x256xf32>
    %dot_general3A_26 = tpu.matmul %get3A_1, %get3A_24, %dot_general3A_25 {dimension_numbers = #tpu.dot_dimension_numbers<[1], [0], [0], [1], [0, 0, 1, 1], [], []>, precision = #tpu.contract_precision<fp32>, transpose_lhs_hint = false} : vector<1000x256xf32>, vector<256x256xf32>, vector<1000x256xf32> -> vector<1000x256xf32>
    %get3A_27 = arith.constant 0 : index
    %get3A_28 = arith.constant 0 : index
    %get3A_29 = vector.load %arg5[%get3A_27, %get3A_28] : memref<1x256xf32, #tpu.memory_space<vmem>>, vector<1x256xf32>
    %add3A_30 = vector.broadcast %get3A_29 : vector<1x256xf32> to vector<1000x256xf32>
    %add3A_31 = arith.addf %dot_general3A_26, %add3A_30 : vector<1000x256xf32>
    %slice3A_32 = vector.extract_strided_slice %add3A_31 {offsets = [0, 0], sizes = [1000, 128], strides = [1, 1]} : vector<1000x256xf32> to vector<1000x128xf32>
    %swap3A_33 = arith.constant 0 : index
    %swap3A_34 = arith.constant 0 : index
    %swap3A_35 = arith.constant 0 : index
    %swap3A_36 = vector.load %arg9[%swap3A_33, %swap3A_34, %swap3A_35] : memref<2x1000x128xf32, #tpu.memory_space<vmem>>, vector<1x1000x128xf32>
    %swap3A_37 = vector.shape_cast %swap3A_36 : vector<1x1000x128xf32> to vector<1000x128xf32>
    %swap3A_38 = vector.shape_cast %slice3A_32 : vector<1000x128xf32> to vector<1x1000x128xf32>
    tpu.vector_store %arg9[%swap3A_33, %swap3A_34, %swap3A_35], %swap3A_38 {strides = array<i32>} : memref<2x1000x128xf32, #tpu.memory_space<vmem>>, vector<1x1000x128xf32>,
    %slice3A_39 = vector.extract_strided_slice %add3A_31 {offsets = [0, 128], sizes = [1000, 128], strides = [1, 1]} : vector<1000x256xf32> to vector<1000x128xf32>
    %swap3A_40 = arith.constant 1 : index
    %swap3A_41 = arith.constant 0 : index
    %swap3A_42 = arith.constant 0 : index
    %swap3A_43 = vector.load %arg9[%swap3A_40, %swap3A_41, %swap3A_42] : memref<2x1000x128xf32, #tpu.memory_space<vmem>>, vector<1x1000x128xf32>
    %swap3A_44 = vector.shape_cast %swap3A_43 : vector<1x1000x128xf32> to vector<1000x128xf32>
    %swap3A_45 = vector.shape_cast %slice3A_39 : vector<1000x128xf32> to vector<1x1000x128xf32>
    tpu.vector_store %arg9[%swap3A_40, %swap3A_41, %swap3A_42], %swap3A_45 {strides = array<i32>} : memref<2x1000x128xf32, #tpu.memory_space<vmem>>, vector<1x1000x128xf32>,
    %get3A_46 = arith.constant 0 : index
    %get3A_47 = arith.constant 0 : index
    %get3A_48 = vector.load %arg6[%get3A_46, %get3A_47] : memref<256x256xf32, #tpu.memory_space<vmem>>, vector<256x256xf32>
    %dot_general3A_49 = arith.constant dense<0.000000e+00> : vector<1000x256xf32>
    %dot_general3A_50 = tpu.matmul %get3A_1, %get3A_48, %dot_general3A_49 {dimension_numbers = #tpu.dot_dimension_numbers<[1], [0], [0], [1], [0, 0, 1, 1], [], []>, precision = #tpu.contract_precision<fp32>, transpose_lhs_hint = false} : vector<1000x256xf32>, vector<256x256xf32>, vector<1000x256xf32> -> vector<1000x256xf32>
    %get3A_51 = arith.constant 0 : index
    %get3A_52 = arith.constant 0 : index
    %get3A_53 = vector.load %arg7[%get3A_51, %get3A_52] : memref<1x256xf32, #tpu.memory_space<vmem>>, vector<1x256xf32>
    %add3A_54 = vector.broadcast %get3A_53 : vector<1x256xf32> to vector<1000x256xf32>
    %add3A_55 = arith.addf %dot_general3A_50, %add3A_54 : vector<1000x256xf32>
    %slice3A_56 = vector.extract_strided_slice %add3A_55 {offsets = [0, 0], sizes = [1000, 128], strides = [1, 1]} : vector<1000x256xf32> to vector<1000x128xf32>
    %swap3A_57 = arith.constant 0 : index
    %swap3A_58 = arith.constant 0 : index
    %swap3A_59 = arith.constant 0 : index
    %swap3A_60 = vector.load %arg10[%swap3A_57, %swap3A_58, %swap3A_59] : memref<2x1000x128xf32, #tpu.memory_space<vmem>>, vector<1x1000x128xf32>
    %swap3A_61 = vector.shape_cast %swap3A_60 : vector<1x1000x128xf32> to vector<1000x128xf32>
    %swap3A_62 = vector.shape_cast %slice3A_56 : vector<1000x128xf32> to vector<1x1000x128xf32>
    tpu.vector_store %arg10[%swap3A_57, %swap3A_58, %swap3A_59], %swap3A_62 {strides = array<i32>} : memref<2x1000x128xf32, #tpu.memory_space<vmem>>, vector<1x1000x128xf32>,
    %slice3A_63 = vector.extract_strided_slice %add3A_55 {offsets = [0, 128], sizes = [1000, 128], strides = [1, 1]} : vector<1000x256xf32> to vector<1000x128xf32>
    %swap3A_64 = arith.constant 1 : index
    %swap3A_65 = arith.constant 0 : index
    %swap3A_66 = arith.constant 0 : index
    %swap3A_67 = vector.load %arg10[%swap3A_64, %swap3A_65, %swap3A_66] : memref<2x1000x128xf32, #tpu.memory_space<vmem>>, vector<1x1000x128xf32>
    %swap3A_68 = vector.shape_cast %swap3A_67 : vector<1x1000x128xf32> to vector<1000x128xf32>
    %swap3A_69 = vector.shape_cast %slice3A_63 : vector<1000x128xf32> to vector<1x1000x128xf32>
    tpu.vector_store %arg10[%swap3A_64, %swap3A_65, %swap3A_66], %swap3A_69 {strides = array<i32>} : memref<2x1000x128xf32, #tpu.memory_space<vmem>>, vector<1x1000x128xf32>,
    return
  }
  func.func @transform_0(%arg0: i32) -> (i32, i32) {
    %c0_i32 = arith.constant 0 : i32
    %c0_i32_0 = arith.constant 0 : i32
    return %arg0, %c0_i32 : i32, i32
  }
  func.func @transform_1(%arg0: i32) -> (i32, i32) {
    %c0_i32 = arith.constant 0 : i32
    %c0_i32_0 = arith.constant 0 : i32
    %c0_i32_1 = arith.constant 0 : i32
    return %c0_i32, %c0_i32_0 : i32, i32
  }
  func.func @transform_2(%arg0: i32) -> (i32, i32) {
    %c0_i32 = arith.constant 0 : i32
    %c0_i32_0 = arith.constant 0 : i32
    %c0_i32_1 = arith.constant 0 : i32
    return %c0_i32, %c0_i32_0 : i32, i32
  }
  func.func @transform_3(%arg0: i32) -> (i32, i32) {
    %c0_i32 = arith.constant 0 : i32
    %c0_i32_0 = arith.constant 0 : i32
    %c0_i32_1 = arith.constant 0 : i32
    return %c0_i32, %c0_i32_0 : i32, i32
  }
  func.func @transform_4(%arg0: i32) -> (i32, i32) {
    %c0_i32 = arith.constant 0 : i32
    %c0_i32_0 = arith.constant 0 : i32
    %c0_i32_1 = arith.constant 0 : i32
    return %c0_i32, %c0_i32_0 : i32, i32
  }
  func.func @transform_5(%arg0: i32) -> (i32, i32) {
    %c0_i32 = arith.constant 0 : i32
    %c0_i32_0 = arith.constant 0 : i32
    %c0_i32_1 = arith.constant 0 : i32
    return %c0_i32, %c0_i32_0 : i32, i32
  }
  func.func @transform_6(%arg0: i32) -> (i32, i32) {
    %c0_i32 = arith.constant 0 : i32
    %c0_i32_0 = arith.constant 0 : i32
    %c0_i32_1 = arith.constant 0 : i32
    return %c0_i32, %c0_i32_0 : i32, i32
  }
  func.func @transform_7(%arg0: i32) -> (i32, i32, i32) {
    %c0_i32 = arith.constant 0 : i32
    %c0_i32_0 = arith.constant 0 : i32
    %c0_i32_1 = arith.constant 0 : i32
    return %c0_i32, %arg0, %c0_i32_0 : i32, i32, i32
  }
  func.func @transform_8(%arg0: i32) -> (i32, i32, i32) {
    %c0_i32 = arith.constant 0 : i32
    %c0_i32_0 = arith.constant 0 : i32
    %c0_i32_1 = arith.constant 0 : i32
    return %c0_i32, %arg0, %c0_i32_0 : i32, i32, i32
  }
  func.func @transform_9(%arg0: i32) -> (i32, i32, i32) {
    %c0_i32 = arith.constant 0 : i32
    %c0_i32_0 = arith.constant 0 : i32
    %c0_i32_1 = arith.constant 0 : i32
    return %c0_i32, %arg0, %c0_i32_0 : i32, i32, i32
  }
}

module attributes {stable_mosaic.version = 14 : i64} {
  func.func @_post_body(%arg0: i32, %arg1: memref<1000x256xf32, #tpu.memory_space<vmem>>, %arg2: memref<1000x128xf32, #tpu.memory_space<vmem>>, %arg3: memref<1000x128xf32, #tpu.memory_space<vmem>>, %arg4: memref<1000x128xf32, #tpu.memory_space<vmem>>, %arg5: memref<1000x128xf32, #tpu.memory_space<vmem>>, %arg6: memref<1x256xf32, #tpu.memory_space<vmem>>, %arg7: memref<1x256xf32, #tpu.memory_space<vmem>>, %arg8: memref<1000x256xf32, #tpu.memory_space<vmem>>) attributes {dimension_semantics = [#tpu.dimension_semantics<arbitrary>], iteration_bounds = array<i64: 10>, scalar_prefetch = 0 : i64, scratch_operands = 0 : i64, tpu.core_type = #tpu.core_type<tc>, window_params = [{transform_indices = @transform_0, window_bounds = array<i64: 1000, 256>}, {transform_indices = @transform_1, window_bounds = array<i64: 1000, 128>}, {transform_indices = @transform_2, window_bounds = array<i64: 1000, 128>}, {transform_indices = @transform_3, window_bounds = array<i64: 1000, 128>}, {transform_indices = @transform_4, window_bounds = array<i64: 1000, 128>}, {pipeline_mode = #tpu.pipeline_mode<synchronous>, transform_indices = @transform_5, window_bounds = array<i64: 1, 256>}, {pipeline_mode = #tpu.pipeline_mode<synchronous>, transform_indices = @transform_6, window_bounds = array<i64: 1, 256>}, {transform_indices = @transform_7, window_bounds = array<i64: 1000, 256>}]} {
    %get3A = arith.constant 0 : index
    %get3A_0 = arith.constant 0 : index
    %get3A_1 = vector.load %arg2[%get3A, %get3A_0] : memref<1000x128xf32, #tpu.memory_space<vmem>>, vector<1000x128xf32>
    %get3A_2 = arith.constant 0 : index
    %get3A_3 = arith.constant 0 : index
    %get3A_4 = vector.load %arg3[%get3A_2, %get3A_3] : memref<1000x128xf32, #tpu.memory_space<vmem>>, vector<1000x128xf32>
    %concatenate3A = tpu.concatenate %get3A_1, %get3A_4 in 1 : vector<1000x128xf32>, vector<1000x128xf32> -> vector<1000x256xf32>
    %get3A_5 = arith.constant 0 : index
    %get3A_6 = arith.constant 0 : index
    %get3A_7 = vector.load %arg4[%get3A_5, %get3A_6] : memref<1000x128xf32, #tpu.memory_space<vmem>>, vector<1000x128xf32>
    %slice3A = vector.extract_strided_slice %get3A_7 {offsets = [0, 0], sizes = [1000, 4], strides = [1, 1]} : vector<1000x128xf32> to vector<1000x4xf32>
    %get3A_8 = arith.constant 0 : index
    %get3A_9 = arith.constant 0 : index
    %get3A_10 = vector.load %arg5[%get3A_8, %get3A_9] : memref<1000x128xf32, #tpu.memory_space<vmem>>, vector<1000x128xf32>
    %slice3A_11 = vector.extract_strided_slice %get3A_10 {offsets = [0, 0], sizes = [1000, 4], strides = [1, 1]} : vector<1000x128xf32> to vector<1000x4xf32>
    %concatenate3A_12 = tpu.concatenate %slice3A, %slice3A_11 in 1 : vector<1000x4xf32>, vector<1000x4xf32> -> vector<1000x8xf32>
    %iota3A = tpu.iota {dimensions = array<i32: 0>} : vector<8x256xi32>
    %iota3A_13 = tpu.iota {dimensions = array<i32: 1>} : vector<8x256xi32>
    %jit3A = arith.constant 32 : i32
    %div3A = vector.broadcast %jit3A : i32 to vector<8x256xi32>
    %div3A_14 = arith.divsi %iota3A_13, %div3A : vector<8x256xi32>
    %sign3A = arith.constant 0 : i32
    %sign3A_15 = vector.broadcast %sign3A : i32 to vector<8x256xi32>
    %sign3A_16 = arith.cmpi sgt, %iota3A_13, %sign3A_15 : vector<8x256xi32>
    %sign3A_17 = arith.extui %sign3A_16 : vector<8x256xi1> to vector<8x256xi32>
    %sign3A_18 = arith.constant 0 : i32
    %sign3A_19 = vector.broadcast %sign3A_18 : i32 to vector<8x256xi32>
    %sign3A_20 = arith.cmpi slt, %iota3A_13, %sign3A_19 : vector<8x256xi32>
    %sign3A_21 = arith.extui %sign3A_20 : vector<8x256xi1> to vector<8x256xi32>
    %sign3A_22 = arith.subi %sign3A_17, %sign3A_21 : vector<8x256xi32>
    %sign3A_23 = arith.constant 0 : i32
    %sign3A_24 = arith.cmpi sgt, %jit3A, %sign3A_23 : i32
    %sign3A_25 = arith.extui %sign3A_24 : i1 to i32
    %sign3A_26 = arith.constant 0 : i32
    %sign3A_27 = arith.cmpi slt, %jit3A, %sign3A_26 : i32
    %sign3A_28 = arith.extui %sign3A_27 : i1 to i32
    %sign3A_29 = arith.subi %sign3A_25, %sign3A_28 : i32
    %ne3A = vector.broadcast %sign3A_29 : i32 to vector<8x256xi32>
    %ne3A_30 = arith.cmpi ne, %sign3A_22, %ne3A : vector<8x256xi32>
    %rem3A = vector.broadcast %jit3A : i32 to vector<8x256xi32>
    %rem3A_31 = arith.remsi %iota3A_13, %rem3A : vector<8x256xi32>
    %ne3A_32 = arith.constant 0 : i32
    %ne3A_33 = vector.broadcast %ne3A_32 : i32 to vector<8x256xi32>
    %ne3A_34 = arith.cmpi ne, %rem3A_31, %ne3A_33 : vector<8x256xi32>
    %and3A = arith.andi %ne3A_30, %ne3A_34 : vector<8x256xi1>
    %sub3A = arith.constant 1 : i32
    %sub3A_35 = vector.broadcast %sub3A : i32 to vector<8x256xi32>
    %sub3A_36 = arith.subi %div3A_14, %sub3A_35 : vector<8x256xi32>
    %select_n3A = arith.select %and3A, %sub3A_36, %div3A_14 : vector<8x256xi1>, vector<8x256xi32>
    %eq3A = arith.cmpi eq, %select_n3A, %iota3A : vector<8x256xi32>
    %convert_element_type3A = arith.extui %eq3A : vector<8x256xi1> to vector<8x256xi32>
    %convert_element_type3A_37 = arith.sitofp %convert_element_type3A : vector<8x256xi32> to vector<8x256xf32>
    %dot_general3A = arith.constant dense<0.000000e+00> : vector<1000x256xf32>
    %dot_general3A_38 = tpu.matmul %concatenate3A_12, %convert_element_type3A_37, %dot_general3A {dimension_numbers = #tpu.dot_dimension_numbers<[1], [0], [0], [1], [0, 0, 1, 1], [], []>, precision = #tpu.contract_precision<fp32>, transpose_lhs_hint = false} : vector<1000x8xf32>, vector<8x256xf32>, vector<1000x256xf32> -> vector<1000x256xf32>
    %add3A = arith.constant 1.000000e-16 : f32
    %add3A_39 = vector.broadcast %add3A : f32 to vector<1000x256xf32>
    %add3A_40 = arith.addf %dot_general3A_38, %add3A_39 : vector<1000x256xf32>
    %div3A_41 = arith.divf %concatenate3A, %add3A_40 : vector<1000x256xf32>
    %get3A_42 = arith.constant 0 : index
    %get3A_43 = arith.constant 0 : index
    %get3A_44 = vector.load %arg1[%get3A_42, %get3A_43] : memref<1000x256xf32, #tpu.memory_space<vmem>>, vector<1000x256xf32>
    %add3A_45 = arith.addf %get3A_44, %div3A_41 : vector<1000x256xf32>
    %get3A_46 = arith.constant 0 : index
    %get3A_47 = arith.constant 0 : index
    %get3A_48 = vector.load %arg6[%get3A_46, %get3A_47] : memref<1x256xf32, #tpu.memory_space<vmem>>, vector<1x256xf32>
    %get3A_49 = arith.constant 0 : index
    %get3A_50 = arith.constant 0 : index
    %get3A_51 = vector.load %arg7[%get3A_49, %get3A_50] : memref<1x256xf32, #tpu.memory_space<vmem>>, vector<1x256xf32>
    %reduce_sum3A = arith.constant dense<0.000000e+00> : vector<1000xf32>
    %reduce_sum3A_52 = vector.multi_reduction <add>, %add3A_45, %reduce_sum3A [1] : vector<1000x256xf32> to vector<1000xf32>
    %broadcast_in_dim3A = vector.shape_cast %reduce_sum3A_52 : vector<1000xf32> to vector<1000x1xf32>
    %div3A_53 = arith.constant 2.560000e+02 : f32
    %div3A_54 = vector.broadcast %div3A_53 : f32 to vector<1000x1xf32>
    %div3A_55 = arith.divf %broadcast_in_dim3A, %div3A_54 : vector<1000x1xf32>
    %sub3A_56 = vector.broadcast %div3A_55 : vector<1000x1xf32> to vector<1000x256xf32>
    %sub3A_57 = arith.subf %add3A_45, %sub3A_56 : vector<1000x256xf32>
    %integer_pow3A = arith.mulf %sub3A_57, %sub3A_57 : vector<1000x256xf32>
    %reduce_sum3A_58 = arith.constant dense<0.000000e+00> : vector<1000xf32>
    %reduce_sum3A_59 = vector.multi_reduction <add>, %integer_pow3A, %reduce_sum3A_58 [1] : vector<1000x256xf32> to vector<1000xf32>
    %broadcast_in_dim3A_60 = vector.shape_cast %reduce_sum3A_59 : vector<1000xf32> to vector<1000x1xf32>
    %div3A_61 = arith.constant 2.560000e+02 : f32
    %div3A_62 = vector.broadcast %div3A_61 : f32 to vector<1000x1xf32>
    %div3A_63 = arith.divf %broadcast_in_dim3A_60, %div3A_62 : vector<1000x1xf32>
    %sub3A_64 = vector.broadcast %div3A_55 : vector<1000x1xf32> to vector<1000x256xf32>
    %sub3A_65 = arith.subf %add3A_45, %sub3A_64 : vector<1000x256xf32>
    %add3A_66 = arith.constant 9.99999974E-6 : f32
    %add3A_67 = vector.broadcast %add3A_66 : f32 to vector<1000x1xf32>
    %add3A_68 = arith.addf %div3A_63, %add3A_67 : vector<1000x1xf32>
    %rsqrt3A = math.rsqrt %add3A_68 : vector<1000x1xf32>
    %mul3A = vector.broadcast %rsqrt3A : vector<1000x1xf32> to vector<1000x256xf32>
    %mul3A_69 = arith.mulf %sub3A_65, %mul3A : vector<1000x256xf32>
    %mul3A_70 = vector.broadcast %get3A_48 : vector<1x256xf32> to vector<1000x256xf32>
    %mul3A_71 = arith.mulf %mul3A_69, %mul3A_70 : vector<1000x256xf32>
    %add3A_72 = vector.broadcast %get3A_51 : vector<1x256xf32> to vector<1000x256xf32>
    %add3A_73 = arith.addf %mul3A_71, %add3A_72 : vector<1000x256xf32>
    %swap3A = arith.constant 0 : index
    %swap3A_74 = arith.constant 0 : index
    %swap3A_75 = vector.load %arg8[%swap3A, %swap3A_74] : memref<1000x256xf32, #tpu.memory_space<vmem>>, vector<1000x256xf32>
    tpu.vector_store %arg8[%swap3A, %swap3A_74], %add3A_73 {strides = array<i32>} : memref<1000x256xf32, #tpu.memory_space<vmem>>, vector<1000x256xf32>,
    return
  }
  func.func @transform_0(%arg0: i32) -> (i32, i32) {
    %c0_i32 = arith.constant 0 : i32
    %c0_i32_0 = arith.constant 0 : i32
    return %arg0, %c0_i32 : i32, i32
  }
  func.func @transform_1(%arg0: i32) -> (i32, i32) {
    %c0_i32 = arith.constant 0 : i32
    %c0_i32_0 = arith.constant 0 : i32
    return %arg0, %c0_i32 : i32, i32
  }
  func.func @transform_2(%arg0: i32) -> (i32, i32) {
    %add3A = arith.constant 10 : i32
    %add3A_0 = arith.addi %arg0, %add3A : i32
    %c0_i32 = arith.constant 0 : i32
    %c0_i32_1 = arith.constant 0 : i32
    return %add3A_0, %c0_i32 : i32, i32
  }
  func.func @transform_3(%arg0: i32) -> (i32, i32) {
    %c0_i32 = arith.constant 0 : i32
    %c0_i32_0 = arith.constant 0 : i32
    return %arg0, %c0_i32 : i32, i32
  }
  func.func @transform_4(%arg0: i32) -> (i32, i32) {
    %add3A = arith.constant 10 : i32
    %add3A_0 = arith.addi %arg0, %add3A : i32
    %c0_i32 = arith.constant 0 : i32
    %c0_i32_1 = arith.constant 0 : i32
    return %add3A_0, %c0_i32 : i32, i32
  }
  func.func @transform_5(%arg0: i32) -> (i32, i32) {
    %c0_i32 = arith.constant 0 : i32
    %c0_i32_0 = arith.constant 0 : i32
    %c0_i32_1 = arith.constant 0 : i32
    return %c0_i32, %c0_i32_0 : i32, i32
  }
  func.func @transform_6(%arg0: i32) -> (i32, i32) {
    %c0_i32 = arith.constant 0 : i32
    %c0_i32_0 = arith.constant 0 : i32
    %c0_i32_1 = arith.constant 0 : i32
    return %c0_i32, %c0_i32_0 : i32, i32
  }
  func.func @transform_7(%arg0: i32) -> (i32, i32) {
    %c0_i32 = arith.constant 0 : i32
    %c0_i32_0 = arith.constant 0 : i32
    return %arg0, %c0_i32 : i32, i32
  }
}

module attributes {stable_mosaic.version = 14 : i64} {
  func.func @_pool_body(%arg0: i32, %arg1: memref<1000x256xf32, #tpu.memory_space<vmem>>, %arg2: memref<1000x1xi32, #tpu.memory_space<vmem>>, %arg3: memref<64x256xf32, #tpu.memory_space<vmem>>, %arg4: memref<64x1xf32, #tpu.memory_space<vmem>>) attributes {dimension_semantics = [#tpu.dimension_semantics<arbitrary>], iteration_bounds = array<i64: 10>, scalar_prefetch = 0 : i64, scratch_operands = 0 : i64, tpu.core_type = #tpu.core_type<tc>, window_params = [{transform_indices = @transform_0, window_bounds = array<i64: 1000, 256>}, {transform_indices = @transform_1, window_bounds = array<i64: 1000, 1>}, {pipeline_mode = #tpu.pipeline_mode<synchronous>, transform_indices = @transform_2, window_bounds = array<i64: 64, 256>}, {pipeline_mode = #tpu.pipeline_mode<synchronous>, transform_indices = @transform_3, window_bounds = array<i64: 64, 1>}]} {
    %get3A = arith.constant 0 : index
    %get3A_0 = arith.constant 0 : index
    %get3A_1 = vector.load %arg2[%get3A, %get3A_0] : memref<1000x1xi32, #tpu.memory_space<vmem>>, vector<1000x1xi32>
    %iota3A = tpu.iota {dimensions = array<i32: 1>} : vector<1x64xi32>
    %eq3A = vector.broadcast %get3A_1 : vector<1000x1xi32> to vector<1000x64xi32>
    %eq3A_2 = vector.broadcast %iota3A : vector<1x64xi32> to vector<1000x64xi32>
    %eq3A_3 = arith.cmpi eq, %eq3A, %eq3A_2 : vector<1000x64xi32>
    %convert_element_type3A = arith.extui %eq3A_3 : vector<1000x64xi1> to vector<1000x64xi32>
    %convert_element_type3A_4 = arith.sitofp %convert_element_type3A : vector<1000x64xi32> to vector<1000x64xf32>
    %get3A_5 = arith.constant 0 : index
    %get3A_6 = arith.constant 0 : index
    %get3A_7 = vector.load %arg1[%get3A_5, %get3A_6] : memref<1000x256xf32, #tpu.memory_space<vmem>>, vector<1000x256xf32>
    %dot_general3A = arith.constant dense<0.000000e+00> : vector<64x256xf32>
    %dot_general3A_8 = tpu.matmul %convert_element_type3A_4, %get3A_7, %dot_general3A {dimension_numbers = #tpu.dot_dimension_numbers<[0], [0], [1], [1], [0, 1, 1, 1], [], []>, precision = #tpu.contract_precision<fp32>, transpose_lhs_hint = false} : vector<1000x64xf32>, vector<1000x256xf32>, vector<64x256xf32> -> vector<64x256xf32>
    %broadcast_in_dim3A = arith.constant 1.000000e+00 : f32
    %broadcast_in_dim3A_9 = vector.broadcast %broadcast_in_dim3A : f32 to vector<1000x1xf32>
    %dot_general3A_10 = arith.constant dense<0.000000e+00> : vector<64x1xf32>
    %dot_general3A_11 = tpu.matmul %convert_element_type3A_4, %broadcast_in_dim3A_9, %dot_general3A_10 {dimension_numbers = #tpu.dot_dimension_numbers<[0], [0], [1], [1], [0, 1, 1, 1], [], []>, precision = #tpu.contract_precision<fp32>, transpose_lhs_hint = false} : vector<1000x64xf32>, vector<1000x1xf32>, vector<64x1xf32> -> vector<64x1xf32>
    %eq3A_12 = arith.constant 0 : i32
    %eq3A_13 = arith.cmpi eq, %arg0, %eq3A_12 : i32
    %convert_element_type3A_14 = arith.extui %eq3A_13 : i1 to i32
    %cond3A = arith.constant 0 : i32
    %cond3A_15 = arith.cmpi ne, %convert_element_type3A_14, %cond3A : i32
    scf.if %cond3A_15 {
      %broadcast_in_dim3A_28 = arith.constant 0.000000e+00 : f32
      %broadcast_in_dim3A_29 = vector.broadcast %broadcast_in_dim3A_28 : f32 to vector<64x256xf32>
      %swap3A_30 = arith.constant 0 : index
      %swap3A_31 = arith.constant 0 : index
      %swap3A_32 = vector.load %arg3[%swap3A_30, %swap3A_31] : memref<64x256xf32, #tpu.memory_space<vmem>>, vector<64x256xf32>
      tpu.vector_store %arg3[%swap3A_30, %swap3A_31], %broadcast_in_dim3A_29 {strides = array<i32>} : memref<64x256xf32, #tpu.memory_space<vmem>>, vector<64x256xf32>,
      %broadcast_in_dim3A_33 = arith.constant 0.000000e+00 : f32
      %broadcast_in_dim3A_34 = vector.broadcast %broadcast_in_dim3A_33 : f32 to vector<64x1xf32>
      %swap3A_35 = arith.constant 0 : index
      %swap3A_36 = arith.constant 0 : index
      %swap3A_37 = vector.load %arg4[%swap3A_35, %swap3A_36] : memref<64x1xf32, #tpu.memory_space<vmem>>, vector<64x1xf32>
      tpu.vector_store %arg4[%swap3A_35, %swap3A_36], %broadcast_in_dim3A_34 {strides = array<i32>} : memref<64x1xf32, #tpu.memory_space<vmem>>, vector<64x1xf32>,
    } else {
    }
    %get3A_16 = arith.constant 0 : index
    %get3A_17 = arith.constant 0 : index
    %get3A_18 = vector.load %arg3[%get3A_16, %get3A_17] : memref<64x256xf32, #tpu.memory_space<vmem>>, vector<64x256xf32>
    %add3A = arith.addf %get3A_18, %dot_general3A_8 : vector<64x256xf32>
    %swap3A = arith.constant 0 : index
    %swap3A_19 = arith.constant 0 : index
    %swap3A_20 = vector.load %arg3[%swap3A, %swap3A_19] : memref<64x256xf32, #tpu.memory_space<vmem>>, vector<64x256xf32>
    tpu.vector_store %arg3[%swap3A, %swap3A_19], %add3A {strides = array<i32>} : memref<64x256xf32, #tpu.memory_space<vmem>>, vector<64x256xf32>,
    %get3A_21 = arith.constant 0 : index
    %get3A_22 = arith.constant 0 : index
    %get3A_23 = vector.load %arg4[%get3A_21, %get3A_22] : memref<64x1xf32, #tpu.memory_space<vmem>>, vector<64x1xf32>
    %add3A_24 = arith.addf %get3A_23, %dot_general3A_11 : vector<64x1xf32>
    %swap3A_25 = arith.constant 0 : index
    %swap3A_26 = arith.constant 0 : index
    %swap3A_27 = vector.load %arg4[%swap3A_25, %swap3A_26] : memref<64x1xf32, #tpu.memory_space<vmem>>, vector<64x1xf32>
    tpu.vector_store %arg4[%swap3A_25, %swap3A_26], %add3A_24 {strides = array<i32>} : memref<64x1xf32, #tpu.memory_space<vmem>>, vector<64x1xf32>,
    return
  }
  func.func @transform_0(%arg0: i32) -> (i32, i32) {
    %c0_i32 = arith.constant 0 : i32
    %c0_i32_0 = arith.constant 0 : i32
    return %arg0, %c0_i32 : i32, i32
  }
  func.func @transform_1(%arg0: i32) -> (i32, i32) {
    %c0_i32 = arith.constant 0 : i32
    %c0_i32_0 = arith.constant 0 : i32
    return %arg0, %c0_i32 : i32, i32
  }
  func.func @transform_2(%arg0: i32) -> (i32, i32) {
    %c0_i32 = arith.constant 0 : i32
    %c0_i32_0 = arith.constant 0 : i32
    %c0_i32_1 = arith.constant 0 : i32
    return %c0_i32, %c0_i32_0 : i32, i32
  }
  func.func @transform_3(%arg0: i32) -> (i32, i32) {
    %c0_i32 = arith.constant 0 : i32
    %c0_i32_0 = arith.constant 0 : i32
    %c0_i32_1 = arith.constant 0 : i32
    return %c0_i32, %c0_i32_0 : i32, i32
  }
}

module attributes {stable_mosaic.version = 14 : i64} {
  func.func @_head_body(%arg0: memref<64x256xf32, #tpu.memory_space<vmem>>, %arg1: memref<64x1xf32, #tpu.memory_space<vmem>>, %arg2: memref<256x512xf32, #tpu.memory_space<vmem>>, %arg3: memref<1x512xf32, #tpu.memory_space<vmem>>, %arg4: memref<1x512xf32, #tpu.memory_space<vmem>>, %arg5: memref<1x512xf32, #tpu.memory_space<vmem>>, %arg6: memref<512x1xf32, #tpu.memory_space<vmem>>, %arg7: memref<1x1xf32, #tpu.memory_space<vmem>>, %arg8: memref<64x1xf32, #tpu.memory_space<vmem>>) attributes {dimension_semantics = [], scalar_prefetch = 0 : i64, scratch_operands = 0 : i64, tpu.core_type = #tpu.core_type<tc>} {
    %get3A = arith.constant 0 : index
    %get3A_0 = arith.constant 0 : index
    %get3A_1 = vector.load %arg1[%get3A, %get3A_0] : memref<64x1xf32, #tpu.memory_space<vmem>>, vector<64x1xf32>
    %max3A = arith.constant 1.000000e+00 : f32
    %max3A_2 = vector.broadcast %max3A : f32 to vector<64x1xf32>
    %max3A_3 = arith.maximumf %get3A_1, %max3A_2 : vector<64x1xf32>
    %get3A_4 = arith.constant 0 : index
    %get3A_5 = arith.constant 0 : index
    %get3A_6 = vector.load %arg0[%get3A_4, %get3A_5] : memref<64x256xf32, #tpu.memory_space<vmem>>, vector<64x256xf32>
    %div3A = vector.broadcast %max3A_3 : vector<64x1xf32> to vector<64x256xf32>
    %div3A_7 = arith.divf %get3A_6, %div3A : vector<64x256xf32>
    %get3A_8 = arith.constant 0 : index
    %get3A_9 = arith.constant 0 : index
    %get3A_10 = vector.load %arg2[%get3A_8, %get3A_9] : memref<256x512xf32, #tpu.memory_space<vmem>>, vector<256x512xf32>
    %dot_general3A = arith.constant dense<0.000000e+00> : vector<64x512xf32>
    %dot_general3A_11 = tpu.matmul %div3A_7, %get3A_10, %dot_general3A {dimension_numbers = #tpu.dot_dimension_numbers<[1], [0], [0], [1], [0, 0, 1, 1], [], []>, precision = #tpu.contract_precision<fp32>, transpose_lhs_hint = false} : vector<64x256xf32>, vector<256x512xf32>, vector<64x512xf32> -> vector<64x512xf32>
    %get3A_12 = arith.constant 0 : index
    %get3A_13 = arith.constant 0 : index
    %get3A_14 = vector.load %arg3[%get3A_12, %get3A_13] : memref<1x512xf32, #tpu.memory_space<vmem>>, vector<1x512xf32>
    %add3A = vector.broadcast %get3A_14 : vector<1x512xf32> to vector<64x512xf32>
    %add3A_15 = arith.addf %dot_general3A_11, %add3A : vector<64x512xf32>
    %get3A_16 = arith.constant 0 : index
    %get3A_17 = arith.constant 0 : index
    %get3A_18 = vector.load %arg4[%get3A_16, %get3A_17] : memref<1x512xf32, #tpu.memory_space<vmem>>, vector<1x512xf32>
    %get3A_19 = arith.constant 0 : index
    %get3A_20 = arith.constant 0 : index
    %get3A_21 = vector.load %arg5[%get3A_19, %get3A_20] : memref<1x512xf32, #tpu.memory_space<vmem>>, vector<1x512xf32>
    %reduce_sum3A = arith.constant dense<0.000000e+00> : vector<64xf32>
    %reduce_sum3A_22 = vector.multi_reduction <add>, %add3A_15, %reduce_sum3A [1] : vector<64x512xf32> to vector<64xf32>
    %broadcast_in_dim3A = vector.shape_cast %reduce_sum3A_22 : vector<64xf32> to vector<64x1xf32>
    %div3A_23 = arith.constant 5.120000e+02 : f32
    %div3A_24 = vector.broadcast %div3A_23 : f32 to vector<64x1xf32>
    %div3A_25 = arith.divf %broadcast_in_dim3A, %div3A_24 : vector<64x1xf32>
    %sub3A = vector.broadcast %div3A_25 : vector<64x1xf32> to vector<64x512xf32>
    %sub3A_26 = arith.subf %add3A_15, %sub3A : vector<64x512xf32>
    %integer_pow3A = arith.mulf %sub3A_26, %sub3A_26 : vector<64x512xf32>
    %reduce_sum3A_27 = arith.constant dense<0.000000e+00> : vector<64xf32>
    %reduce_sum3A_28 = vector.multi_reduction <add>, %integer_pow3A, %reduce_sum3A_27 [1] : vector<64x512xf32> to vector<64xf32>
    %broadcast_in_dim3A_29 = vector.shape_cast %reduce_sum3A_28 : vector<64xf32> to vector<64x1xf32>
    %div3A_30 = arith.constant 5.120000e+02 : f32
    %div3A_31 = vector.broadcast %div3A_30 : f32 to vector<64x1xf32>
    %div3A_32 = arith.divf %broadcast_in_dim3A_29, %div3A_31 : vector<64x1xf32>
    %sub3A_33 = vector.broadcast %div3A_25 : vector<64x1xf32> to vector<64x512xf32>
    %sub3A_34 = arith.subf %add3A_15, %sub3A_33 : vector<64x512xf32>
    %add3A_35 = arith.constant 9.99999974E-6 : f32
    %add3A_36 = vector.broadcast %add3A_35 : f32 to vector<64x1xf32>
    %add3A_37 = arith.addf %div3A_32, %add3A_36 : vector<64x1xf32>
    %rsqrt3A = math.rsqrt %add3A_37 : vector<64x1xf32>
    %mul3A = vector.broadcast %rsqrt3A : vector<64x1xf32> to vector<64x512xf32>
    %mul3A_38 = arith.mulf %sub3A_34, %mul3A : vector<64x512xf32>
    %mul3A_39 = vector.broadcast %get3A_18 : vector<1x512xf32> to vector<64x512xf32>
    %mul3A_40 = arith.mulf %mul3A_38, %mul3A_39 : vector<64x512xf32>
    %add3A_41 = vector.broadcast %get3A_21 : vector<1x512xf32> to vector<64x512xf32>
    %add3A_42 = arith.addf %mul3A_40, %add3A_41 : vector<64x512xf32>
    %logistic3A = arith.negf %add3A_42 : vector<64x512xf32>
    %logistic3A_43 = math.exp %logistic3A : vector<64x512xf32>
    %logistic3A_44 = arith.constant 1.000000e+00 : f32
    %logistic3A_45 = vector.broadcast %logistic3A_44 : f32 to vector<64x512xf32>
    %logistic3A_46 = arith.addf %logistic3A_45, %logistic3A_43 : vector<64x512xf32>
    %logistic3A_47 = arith.divf %logistic3A_45, %logistic3A_46 : vector<64x512xf32>
    %mul3A_48 = arith.mulf %add3A_42, %logistic3A_47 : vector<64x512xf32>
    %get3A_49 = arith.constant 0 : index
    %get3A_50 = arith.constant 0 : index
    %get3A_51 = vector.load %arg6[%get3A_49, %get3A_50] : memref<512x1xf32, #tpu.memory_space<vmem>>, vector<512x1xf32>
    %dot_general3A_52 = arith.constant dense<0.000000e+00> : vector<64x1xf32>
    %dot_general3A_53 = tpu.matmul %mul3A_48, %get3A_51, %dot_general3A_52 {dimension_numbers = #tpu.dot_dimension_numbers<[1], [0], [0], [1], [0, 0, 1, 1], [], []>, precision = #tpu.contract_precision<fp32>, transpose_lhs_hint = false} : vector<64x512xf32>, vector<512x1xf32>, vector<64x1xf32> -> vector<64x1xf32>
    %get3A_54 = arith.constant 0 : index
    %get3A_55 = arith.constant 0 : index
    %get3A_56 = vector.load %arg7[%get3A_54, %get3A_55] : memref<1x1xf32, #tpu.memory_space<vmem>>, vector<1x1xf32>
    %add3A_57 = vector.broadcast %get3A_56 : vector<1x1xf32> to vector<64x1xf32>
    %add3A_58 = arith.addf %dot_general3A_53, %add3A_57 : vector<64x1xf32>
    %swap3A = arith.constant 0 : index
    %swap3A_59 = arith.constant 0 : index
    %swap3A_60 = vector.load %arg8[%swap3A, %swap3A_59] : memref<64x1xf32, #tpu.memory_space<vmem>>, vector<64x1xf32>
    tpu.vector_store %arg8[%swap3A, %swap3A_59], %add3A_58 {strides = array<i32>} : memref<64x1xf32, #tpu.memory_space<vmem>>, vector<64x1xf32>,
    return
  }
}

</mosaic_0001>

<sc_bundles>
// kernel: den_sc.5.cloned.1.call-start
scs
__scs_entry_jumppad:
0x0: {  	(pc) =	sbr.rel $0x88, $3  }
0x1: {  	(tag) =	ssettag $0x0;
	lr =	simm.s32 $0x1  }
0x2: {  	[smem:$0x3F7D] =	sst lr;
	_ =	strace $0xD0000000  }
0x3: {  	_ = 	snop  }
0x4: {  	_ = 	snop  }
0x5: {  	_ = 	snop  }
0x6: {  	_ = 	snop  }
0x7: {  	_ = 	snop  }
__scs_overlays_trampoline_lowered:
0x8: {  	[smem:$0x3F8C] =	sst s0  }
0x9: {  	[smem:$0x3F8D] =	sst s1  }
0xa: {  	[smem:$0x3F8E] =	sst s2  }
0xb: {  	[smem:$0x3F8F] =	sst s3  }
0xc: {  	[smem:$0x3F90] =	sst s4  }
0xd: {  	[smem:$0x3F91] =	sst s5  }
0xe: {  	[smem:$0x3F92] =	sst s6  }
0xf: {  	[smem:$0x3F93] =	sst s7  }
0x10: {  	[smem:$0x3F94] =	sst s8  }
0x11: {  	[smem:$0x3F95] =	sst s9;
	s0 =	simm.s32 @!p0 $0x0  }
0x12: {  	s1 =	sld [smem:$0x3F7B];
	s0 =	simm.s32 @p0 $0x1  }
0x13: {  	[smem:$0x3F96] =	sst s0;
	s0 =	simm.s32 @!p1 $0x0  }
0x14: {  	s2 =	sld [smem:$0x3F7A];
	s0 =	simm.s32 @p1 $0x1  }
0x15: {  	[smem:$0x3F97] =	sst s0;
	s0 =	simm.s32 @!p2 $0x0  }
0x16: {  	s3 =	sld [smem:$0x3FDB];
	s0 =	simm.s32 @p2 $0x1  }
0x17: {  	s4 =	simm.s32 $0x1BF5;
	[smem:$0x3F99] =	sst s0  }
0x18: {  	s0 =	sld [smem:$0x3F7C];
	_ =	swait.ge [sflag:s4], $0x0  }
0x19: {  	s7 =	sld [smem:$0x3F7D]  }
0x1a: {  	s8 =	sadd.s32 $0xFFFFE003, lr  }
0x1b: {  	s9 =	sadd.s32 $0xFFFFFEF7, lr;
	s5 =	simm.s32 $0xFFFFFFFF;
	p2 =	slt.u32 s8, $0xFFFFF086  }
0x1c: {  	p1 =	slt.u32 s9, $0xF7A;
	s5 =	simm.s32 @!p2 $0x0  }
0x1d: {  	s5 =	simm.s32 @p1 $0x1;
	p0 =	seq.s32 s7, s2  }
0x1e: {  	s7 =	smul.u32 @!p0 $0xF7A, s2;
	p2 =	seq.s32 @!p0 s5, $0x0  }
0x1f: {  	s9 =	smul.u32 $0xF7A, s1;
	s8 =	simm.s32 @!p0 $0x1BF5;
	p2 =	por !p2, p0  }
0x20: {  	[sflag:s8] =	ssyncset.s32 @!p0 $0xFFFFF086;
	s6 =	sadd.s32 @!p0 s3, s7;
	s7 =	simm.s32 @!p0 $0x108  }
0x21: {  	s3 =	sadd.s32 s3, s9;
	s6 =	sadd.s32 @!p0 $0x88, s6;
	s7 =	simm.s32 @p2 $0x1082  }
0x22: {  	[simem:s7], [sflag:s8] =	dma.local @!p0 [hbm:s6], $0xF7A  }
0x23: {  	s9 =	sor.u32 $0xD0000000, s2;
	s6 =	simm.s32 $0x108;
	_ =	swait.ge @!p0 [sflag:s8], $0x0  }
0x24: {  	s3 =	sadd.s32 $0x88, s3;
	s6 =	simm.s32 @!p1 $0x1082;
	[sflag:s4] =	ssyncset.s32 $0xFFFFF086  }
0x25: {  	[simem:s6], [sflag:s4] =	dma.local [hbm:s3], $0xF7A  }
0x26: {  	[smem:$0x3F7D] =	sst s1;
	(tag) =	ssettag s2;
	_ =	strace s9  }
0x27: {  	s1 =	sld [smem:$0x3F8D]  }
0x28: {  	s2 =	sld [smem:$0x3F8E]  }
0x29: {  	s4 =	sld [smem:$0x3F90]  }
0x2a: {  	p0 =	seq.s32 s5, $0x0;
	s5 =	sld [smem:$0x3F91]  }
0x2b: {  	s6 =	sld [smem:$0x3F92]  }
0x2c: {  	s7 =	sld [smem:$0x3F93]  }
0x2d: {  	s3 =	simm.s32 $0x108;
	s8 =	sld [smem:$0x3F94]  }
0x2e: {  	s3 =	simm.s32 @!p0 $0x1082;
	s9 =	sld [smem:$0x3F95]  }
0x2f: {  	lr =	sadd.s32 s0, s3;
	s0 =	sld [smem:$0x3F8C]  }
0x30: {  	s3 =	sld [smem:$0x3F8F]  }
0x31: {  	[smem:$0x3F98] =	sst s10  }
0x32: {  	s10 =	sld [smem:$0x3F96];
	_ =	sdelay $0x3  }
0x33: {  	p0 =	seq.s32 s10, $0x1;
	s10 =	sld [smem:$0x3F98];
	_ =	sdelay $0x3  }
0x34: {  	[smem:$0x3F98] =	sst s10  }
0x35: {  	s10 =	sld [smem:$0x3F97];
	_ =	sdelay $0x3  }
0x36: {  	p1 =	seq.s32 s10, $0x1;
	s10 =	sld [smem:$0x3F98];
	_ =	sdelay $0x3  }
0x37: {  	[smem:$0x3F98] =	sst s10  }
0x38: {  	s10 =	sld [smem:$0x3F99]  }
0x39: {  	_ = 	snop;
	(pc) =	sbr.ind lr, $3  }
0x3a: {  	_ = 	snop  }
0x3b: {  	_ = 	snop  }
0x3c: {  	p2 =	seq.s32 s10, $0x1;
	s10 =	sld [smem:$0x3F98]  }
0x3d: {  	_ =	shalt  }
0x3e: {  	_ =	shalt  }
0x3f: {  	_ =	shalt  }
0x40: {  	_ =	shalt  }
0x41: {  	_ =	shalt  }
0x42: {  	_ =	shalt  }
0x43: {  	_ =	shalt  }
0x44: {  	_ =	shalt  }
0x45: {  	_ =	shalt  }
0x46: {  	_ =	shalt  }
0x47: {  	_ =	shalt  }
0x48: {  	_ =	shalt  }
0x49: {  	_ =	shalt  }
0x4a: {  	_ =	shalt  }
0x4b: {  	_ =	shalt  }
0x4c: {  	_ =	shalt  }
0x4d: {  	_ =	shalt  }
0x4e: {  	_ =	shalt  }
0x4f: {  	_ =	shalt  }
0x50: {  	_ =	shalt  }
0x51: {  	_ =	shalt  }
0x52: {  	_ =	shalt  }
0x53: {  	_ =	shalt  }
0x54: {  	_ =	shalt  }
0x55: {  	_ =	shalt  }
0x56: {  	_ =	shalt  }
0x57: {  	_ =	shalt  }
0x58: {  	_ =	shalt  }
0x59: {  	_ =	shalt  }
0x5a: {  	_ =	shalt  }
0x5b: {  	_ =	shalt  }
0x5c: {  	_ =	shalt  }
0x5d: {  	_ =	shalt  }
0x5e: {  	_ =	shalt  }
0x5f: {  	_ =	shalt  }
0x60: {  	_ =	shalt  }
0x61: {  	_ =	shalt  }
0x62: {  	_ =	shalt  }
0x63: {  	_ =	shalt  }
0x64: {  	_ =	shalt  }
0x65: {  	_ =	shalt  }
0x66: {  	_ =	shalt  }
0x67: {  	_ =	shalt  }
0x68: {  	_ =	shalt  }
0x69: {  	_ =	shalt  }
0x6a: {  	_ =	shalt  }
0x6b: {  	_ =	shalt  }
0x6c: {  	_ =	shalt  }
0x6d: {  	_ =	shalt  }
0x6e: {  	_ =	shalt  }
0x6f: {  	_ =	shalt  }
0x70: {  	_ =	shalt  }
0x71: {  	_ =	shalt  }
0x72: {  	_ =	shalt  }
0x73: {  	_ =	shalt  }
0x74: {  	_ =	shalt  }
0x75: {  	_ =	shalt  }
0x76: {  	_ =	shalt  }
0x77: {  	_ =	shalt  }
0x78: {  	_ =	shalt  }
0x79: {  	_ =	shalt  }
0x7a: {  	_ =	shalt  }
0x7b: {  	_ =	shalt  }
0x7c: {  	_ =	shalt  }
0x7d: {  	_ =	shalt  }
0x7e: {  	_ =	shalt  }
0x7f: {  	_ =	shalt  }
0x80: {  	_ =	shalt  }
0x81: {  	_ =	shalt  }
0x82: {  	_ =	shalt  }
0x83: {  	_ =	shalt  }
0x84: {  	_ =	shalt  }
0x85: {  	_ =	shalt  }
0x86: {  	_ =	shalt  }
0x87: {  	_ =	shalt  }
.Lfunc_end0:
.L_simem_size_0:
called_computation.1_lowered:
.L_overlay_start_0:
0x88: {  	s2 =	sld [smem:$0x3FD9]  }
0x89: {  	s3 =	sld [smem:$0x3FFE];
	_ =	sdelay $0x1  }
0x8a: {  	s1 =	srdreg.scid  }
0x8b: {  	s0 =	sand.u32 $0x1, s1  }
0x8c: {  	s16 =	sshll.u32 s0, $0xA;
	s2 =	sadd.s32 s3, s2  }
0x8d: {  	s2 =	sadd.s32 s2, s16  }
0x8e: {  	[smem:$0x3FA4] =	sst s2  }
0x8f: {  	_ = 	snop  }
0x90: {  	(tm) =	ssettm $0x1  }
0x91: {  	s17 =	sld [smem:$0x3FFB];
	_ =	sdelay $0x3  }
0x92: {  	_ =	strace s17  }
0x93: {  	s2 =	sld [smem:$0x3FFC];
	_ =	sdelay $0x3  }
0x94: {  	_ =	strace s2  }
0x95: {  	s2 =	sld [smem:$0x3FFD];
	_ =	sdelay $0x3  }
0x96: {  	_ =	strace s2  }
0x97: {  	_ =	strace $0x8FFFFFFF  }
0x98: {  	s18 =	sld [smem:$0x3FDB];
	_ =	sdelay $0x1  }
0x99: {  	s19 =	simm.s32 $_scs_section_size  }
0x9a: {  	s4 =	simm.s32 $_size__tile_overlayer_lowered;
	s5 =	simm.s32 $_tile_overlayer_lowered  }
0x9b: {  	s22 =	simm.s32 $0x1BFF;
	s21 =	sshll.u32 s5, $0x1;
	s2 =	sadd.s32 s19, s18  }
0x9c: {  	s6 =	simm.s32 $0x0;
	s20 =	sshll.u32 s4, $0x1;
	s4 =	sadd.s32 s21, s2  }
0x9d: {  	[timem:s6], [sflag:s22] =	dma.local [hbm:s4], s20  }
0x9e: {  	_ =	swait.ge [sflag:s22], s20  }
0x9f: {  	s3 =	ssub.s32 $0x0, s20;
	[sflag:s22] =	ssyncset.done $0x0  }
0xa0: {  	[sflag:s22] =	ssyncadd.s32 s3;
	_ =	sdelay $0x1  }
0xa1: {  	s23 =	simm.s32 $0x1B8B  }
0xa2: {  	_ =	swait.ge [sflag:s23], $0x1  }
0xa3: {  	[sflag:s23] =	ssyncset.done $0x0  }
0xa4: {  	s25 =	simm.s32 $0x1B8E;
	s24 =	sld [smem:$0x3FFE];
	[sflag:s23] =	ssyncadd.s32 $0xFFFFFFFF  }
0xa5: {  	s26 =	simm.s32 $execute0_lowered;
	[smem:$0x3FD2] =	sst s25  }
0xa6: {  	s4 =	sshll.u32 s26, $0x1;
	_ =	strace $0x80000049;
	[dreg:$0x1] =	wrdreg $0xFFFFFFFF  }
0xa7: {  	s28 =	simm.s32 $_size_execute0_lowered;
	s2 =	sadd.s32 s2, s4;
	[dreg:$0x0] =	wrdreg $0x0  }
0xa8: {  	s4 =	sshll.u32 s28, $0x1;
	[dreg:$0x2] =	wrdreg s2  }
0xa9: {  	[dreg:$0x3] =	wrdreg s4  }
0xaa: {  	[dreg:$0x4] =	wrdreg $0xC0  }
0xab: {  	_ =	task [dreg:s6], $0x5FFFF  }
0xac: {  	[dreg:$0x1] =	wrdreg $0xFFFFFFFF  }
0xad: {  	[dreg:$0x0] =	wrdreg $0x60  }
0xae: {  	[dreg:$0x2] =	wrdreg s24  }
0xaf: {  	[dreg:$0x3] =	wrdreg $0x51000  }
0xb0: {  	[dreg:$0x4] =	wrdreg $0x9  }
0xb1: {  	_ =	task.clear_ibuf [dreg:s6], $0x5FFFF;
	_ =	strace $0x90000049  }
0xb2: {  	s29 =	simm.s32 $0x9;
	_ =	strace $0x8000004B  }
0xb3: {  	_ =	swait.ge [sflag:s29], $0x1  }
0xb4: {  	[sflag:s29] =	ssyncadd.s32 $0xFFFFFFFF  }
0xb5: {  	_ =	strace $0x9000004B  }
0xb6: {  	_ =	sfence  }
0xb7: {  	s30 =	sld [smem:$0x0];
	_ =	sdelay $0x2  }
0xb8: {  	s31 =	sshll.u32 s1, $0xD;
	s1 =	sshrl.u32 s1, $0x2  }
0xb9: {  	s3 =	sand.u32 $0x4000, s31;
	s1 =	sadd.s32 s1, s30  }
0xba: {  	s0 =	sor.u32 s3, s0;
	s1 =	sshll.u32 s1, $0x11  }
0xbb: {  	s0 =	sor.u32 s1, s0  }
0xbc: {  	s0 =	sadd.s32 $0x8F2B, s0  }
0xbd: {  	[sflag:s0] =	ssyncadd.remote.s32 $0x1  }
0xbe: {  	_ =	sfence.sel $0xFFFF  }
0xbf: {  	[dreg:$0x0] =	wrdreg $0xFFFFFFFF;
	(pc) =	sbr.abs _section_cstart, $3  }
0xc0: {  	[dreg:$0x1] =	wrdreg $0xFFFFFFFF  }
0xc1: {  	_ =	task.clear_ibuf [dreg:s6], $0x2FFFF;
	_ =	strace $0x9FFFFFFF  }
0xc2: {  	(tm) =	ssettm $0x7FFFFFFF  }
0xc3: {  	_ =	shalt  }
tec
execute0_lowered:
.L_overlay_start_1:
0x0: {  	(tag) =	ssettag $0x1  }
0x1: {  	s7 =	rddreg [dreg:$0x0]  }
0x2: {  	s1 =	rddreg [dreg:$0x1]  }
0x3: {  	s0 =	rddreg [dreg:$0x2];
	s2 =	simm.s32 $0x0  }
0x4: {  	s3 =	srdreg.scid;
	s19 =	simm.s32 $0x2800;
	s20 =	simm.s32 $0x1  }
0x5: {  	s21 =	simm.s32 $0x5080;
	s22 =	simm.s32 $0x50;
	s23 =	simm.s32 $0x5000  }
0x6: {  	[smem:$0x7FF] =	sst s2;
	s8 =	sand.u32 $0x1, s3;
	s3 =	stileid.u32  }
0x7: {  	s5 =	sadd.s32 $0x2715600, s7;
	s6 =	sadd.s32 $0x53800, s7;
	s4 =	smul.u32 $0x27100, s8  }
0x8: {  	s12 =	sadd.s32 $0xA6A00, s7;
	s24 =	sadd.s32 $0x124800, s1;
	s10 =	smul.u32 $0x4E000, s3  }
0x9: {  	_ =	strace $0x8000004A;
	s9 =	ssub.s32 $0x2, s8;
	s8 =	smul.u32 $0x138800, s8  }
0xa: {  	s30 =	smul.u32 $0x2700, s3;
	p0 =	seq.s32 s3, $0xF;
	s11 =	sshrl.u32 s9, $0x1  }
0xb: {  	s7 =	smul.u32 $0x2710, s3;
	s24 =	sshrl.u32 @p0 s24, $0x3;
	s11 =	ssub.s32 s9, s11  }
0xc: {  	s10 =	sshrl.u32 s10, $0x2;
	s13 =	sshrl.u32 s8, $0x3;
	s9 =	sadd.s32 s30, s4  }
0xd: {  	s8 =	sadd.s32 s10, s1;
	s31 =	sadd.s32 s12, s13;
	s9 =	sadd.s32 s12, s9  }
0xe: {  	s11 =	smax.u32 s11, $0x1;
	s10 =	sadd.s32 $0x24900, s31;
	s12 =	sadd.s32 $0x2800, s8  }
0xf: {  	s13 =	sadd.s32 $0x5000, s8;
	s14 =	sadd.s32 $0x7800, s8;
	s15 =	sadd.s32 $0xA000, s8  }
0x10: {  	v0 =	vimm.f32 $0.0e+00;
	s16 =	sadd.s32 $0xC800, s8;
	s17 =	sadd.s32 $0xF000, s8;
	s18 =	sadd.s32 $0x11800, s8  }
.LBB2_1:
0x11: {  	s25 =	simm.s32 $0x0;
	s26 =	simm.s32 $0x200  }
.LBB2_2:
0x12: {  	p1 =	sne.s32 s26, $0x9E00;
	[tilespmem:s25+$0x2870] =	vst v0  }
0x13: {  	[tilespmem:s25+$0x2800] =	vst v0  }
0x14: {  	[tilespmem:s25+$0x2810] =	vst v0  }
.Ltmp0:
0x15: {  	[tilespmem:s25+$0x2820] =	vst v0;
	(pc) =	sbr.rel @p1 .LBB2_2-.Ltmp0, $4  }
0x16: {  	[tilespmem:s25+$0x2830] =	vst v0  }
0x17: {  	[tilespmem:s25+$0x2840] =	vst v0  }
0x18: {  	[tilespmem:s25+$0x2850] =	vst v0  }
0x19: {  	[tilespmem:s25+$0x2860] =	vst v0;
	s25 =	sshra.s32 s26, $0x2;
	s26 =	sadd.s32 $0x200, s26  }
0x1a: {  	[tilespmem:s25+$0x2870] =	vst v0  }
0x1b: {  	[tilespmem:s25+$0x2800] =	vst v0  }
0x1c: {  	[tilespmem:s25+$0x2810] =	vst v0  }
0x1d: {  	[tilespmem:s25+$0x2820] =	vst v0  }
0x1e: {  	[tilespmem:s25+$0x2830] =	vst v0  }
0x1f: {  	[tilespmem:s25+$0x2840] =	vst v0  }
0x20: {  	[tilespmem:s25+$0x2850] =	vst v0  }
0x21: {  	[tilespmem:s25+$0x2860] =	vst v0  }
0x22: {  	[spmem:s8] =	stream.linear.scatter [tilespmem:s19], [sflag:$0x1], $0x2800, $0x38;
	[tilespmem:$0x18980] =	vst v63  }
0x23: {  	_ =	swait.ge [sflag:s20], $0x2800  }
0x24: {  	[sflag:s20] =	ssyncset.done $0x0  }
0x25: {  	[sflag:s20] =	ssyncadd.s32 $0xFFFFD800  }
0x26: {  	[spmem:s12] =	stream.linear.scatter [tilespmem:s19], [sflag:$0x1], $0x2800, $0x38;
	[tilespmem:$0x18980] =	vst v63  }
0x27: {  	_ =	swait.ge [sflag:s20], $0x2800  }
0x28: {  	[sflag:s20] =	ssyncset.done $0x0  }
0x29: {  	[sflag:s20] =	ssyncadd.s32 $0xFFFFD800  }
0x2a: {  	[spmem:s13] =	stream.linear.scatter [tilespmem:s19], [sflag:$0x1], $0x2800, $0x38;
	[tilespmem:$0x18980] =	vst v63  }
0x2b: {  	_ =	swait.ge [sflag:s20], $0x2800  }
0x2c: {  	[sflag:s20] =	ssyncset.done $0x0  }
0x2d: {  	[sflag:s20] =	ssyncadd.s32 $0xFFFFD800  }
0x2e: {  	[spmem:s14] =	stream.linear.scatter [tilespmem:s19], [sflag:$0x1], $0x2800, $0x38;
	[tilespmem:$0x18980] =	vst v63  }
0x2f: {  	_ =	swait.ge [sflag:s20], $0x2800  }
0x30: {  	[sflag:s20] =	ssyncset.done $0x0  }
0x31: {  	[sflag:s20] =	ssyncadd.s32 $0xFFFFD800  }
0x32: {  	[spmem:s15] =	stream.linear.scatter [tilespmem:s19], [sflag:$0x1], $0x2800, $0x38;
	[tilespmem:$0x18980] =	vst v63  }
0x33: {  	_ =	swait.ge [sflag:s20], $0x2800  }
0x34: {  	[sflag:s20] =	ssyncset.done $0x0  }
0x35: {  	[sflag:s20] =	ssyncadd.s32 $0xFFFFD800  }
0x36: {  	[spmem:s16] =	stream.linear.scatter [tilespmem:s19], [sflag:$0x1], $0x2800, $0x38;
	[tilespmem:$0x18980] =	vst v63  }
0x37: {  	_ =	swait.ge [sflag:s20], $0x2800  }
0x38: {  	[sflag:s20] =	ssyncset.done $0x0  }
0x39: {  	[sflag:s20] =	ssyncadd.s32 $0xFFFFD800  }
0x3a: {  	[spmem:s17] =	stream.linear.scatter [tilespmem:s19], [sflag:$0x1], $0x2800, $0x38;
	[tilespmem:$0x18980] =	vst v63  }
0x3b: {  	_ =	swait.ge [sflag:s20], $0x2800  }
0x3c: {  	[sflag:s20] =	ssyncset.done $0x0  }
0x3d: {  	[sflag:s20] =	ssyncadd.s32 $0xFFFFD800  }
0x3e: {  	[spmem:s18] =	stream.linear.scatter [tilespmem:s19], [sflag:$0x1], $0x2800, $0x38;
	[tilespmem:$0x18980] =	vst v63  }
0x3f: {  	_ =	swait.ge [sflag:s20], $0x2800  }
0x40: {  	[sflag:s20] =	ssyncset.done $0x0  }
0x41: {  	[sflag:s20] =	ssyncadd.s32 $0xFFFFD800  }
0x42: {  	s25 =	simm.s32 $0x0;
	s26 =	simm.s32 $0x0;
	[bflag:$0x0] =	sbarrier.arrive $0xFFFF  }
.LBB2_4:
0x43: {  	s28 =	smul.u32 $0x50, s26;
	_ =	sdelay $0x1  }
0x44: {  	s28 =	sadd.s32 s7, s28  }
0x45: {  	s29 =	sshrl.u32 s28, $0x3  }
0x46: {  	s29 =	sadd.s32 s6, s29  }
0x47: {  	[tilespmem:s21], [sflag:$0x1] =	stream.linear.gather [hbm4b:s29+s25], $0x50, $0x38;
	[tilespmem:$0x18980] =	vst v63  }
0x48: {  	_ =	swait.ge [sflag:s20], $0x50  }
0x49: {  	[sflag:s20] =	ssyncset.done $0x0  }
0x4a: {  	[sflag:s20] =	ssyncadd.s32 $0xFFFFFFB0  }
0x4b: {  	v1 =	vld [tilespmem:$0x5080]  }
0x4c: {  	v2 =	vld [tilespmem:$0x5090]  }
0x4d: {  	v3 =	vld [tilespmem:$0x50A0]  }
0x4e: {  	v4 =	vld [tilespmem:$0x50B0]  }
0x4f: {  	v5 =	vld [tilespmem:$0x50C0]  }
0x50: {  	v1 =	vshra.s32 v1, $0x10  }
0x51: {  	[tilespmem:$0x5000] =	vst v1;
	v1 =	vshra.s32 v2, $0x10  }
0x52: {  	[tilespmem:$0x5010] =	vst v1;
	v1 =	vshra.s32 v3, $0x10  }
0x53: {  	s28 =	sadd.s32 s4, s28;
	[tilespmem:$0x5020] =	vst v1;
	v1 =	vshra.s32 v4, $0x10  }
0x54: {  	s28 =	sshll.u32 s28, $0x4;
	[tilespmem:$0x5030] =	vst v1;
	v1 =	vshra.s32 v5, $0x10  }
0x55: {  	s28 =	sadd.s32 s5, s28;
	[tilespmem:$0x5040] =	vst v1  }
0x56: {  	[tilespmem:s25], [sflag:$0x1] =	stream.linear.gather [hbm4b:s28+s25], $0x2800, $0x38;
	[tilespmem:$0x18980] =	vst v63  }
0x57: {  	_ =	swait.ge [sflag:s20], $0x2800  }
0x58: {  	[sflag:s20] =	ssyncset.done $0x0  }
0x59: {  	s28 =	simm.s32 $0x0;
	[sflag:s20] =	ssyncadd.s32 $0xFFFFD800  }
0x5a: {  	s29 =	simm.s32 $0x200;
	v1 =	vld [tilespmem:s28+$0x0]  }
.LBB2_5:
0x5b: {  	p1 =	sne.s32 s29, $0x9E00  }
.Ltmp1:
0x5c: {  	_ = 	snop;
	(pc) =	sbr.rel @p1 .LBB2_5-.Ltmp1, $3  }
0x5d: {  	_ =	sdelay $0x1  }
0x5e: {  	[tilespmem:s28+$0x2800] =	vst v1;
	s28 =	sshra.s32 s29, $0x2;
	s29 =	sadd.s32 $0x200, s29  }
0x5f: {  	v1 =	vld [tilespmem:s28+$0x0]  }
0x60: {  	_ =	sdelay $0x1  }
0x61: {  	s26 =	sadd.s32 $0x1, s26  }
0x62: {  	p1 =	sne.s32 s26, $0x7D  }
.Ltmp2:
0x63: {  	[tilespmem:s28+$0x2800] =	vst v1;
	(pc) =	sbr.rel @p1 .LBB2_4-.Ltmp2, $4  }
0x64: {  	[spmem:s1] =	stream.indirect.scatter.add.f32 [tilespmem:s19], [sflag:$0x1], $0x80, s23, s22, $0xb8;
	[tilespmem:$0x18980] =	vst v63  }
0x65: {  	_ =	swait.ge [sflag:s20], $0x2800  }
0x66: {  	[sflag:s20] =	ssyncset.done $0x0  }
0x67: {  	[sflag:s20] =	ssyncadd.s32 $0xFFFFD800  }
0x68: {  	[bflag:$0x0] =	sbarrier.arrive $0xFFFF;
	s25 =	simm.s32 @p0 $0x1FC1  }
0x69: {  	[hbm:s10], [sflag:s25] =	dma.local @p0 [spmem:s24], $0x2800  }
0x6a: {  	s25 =	simm.s32 @p0 $0x1  }
0x6b: {  	s2 =	sadd.s32 $0x1, s2;
	_ =	swait.ge @p0 [sflag:s25], $0x2800  }
0x6c: {  	s26 =	sshll.u32 @!p0 s3, $0x6;
	p1 =	sne.s32 s2, s11;
	[sflag:s25] =	ssyncset.done @p0 $0x0  }
0x6d: {  	[sflag:s25] =	ssyncadd.s32 @p0 $0xFFFFD800;
	s25 =	sor.u32 @!p0 $0x1C01, s26;
	s26 =	sshrl.u32 @!p0 s8, $0x3  }
0x6e: {  	[hbm:s9], [sflag:s25] =	dma.local @!p0 [spmem:s26], $0x2700  }
.Ltmp3:
0x6f: {  	_ = 	snop;
	(pc) =	sbr.rel @p1 .LBB2_1-.Ltmp3, $4  }
0x70: {  	s25 =	simm.s32 @!p0 $0x1  }
0x71: {  	_ =	swait.ge @!p0 [sflag:s25], $0x2700  }
0x72: {  	[sflag:s25] =	ssyncset.done @!p0 $0x0  }
0x73: {  	[sflag:s25] =	ssyncadd.s32 @!p0 $0xFFFFD900  }
0x74: {  	_ =	sfence.sel $0x180000  }
0x75: {  	[bflag:$0x0] =	sbarrier.arrive $0xFFFF  }
0x76: {  	p0 =	sne.s32 s3, $0x0;
	_ =	strace $0x9000004A  }
0x77: {  	s0 =	sadd.s32 @!p0 $0x100000, s0;
	[bflag:$0x2] =	sbarrier.arrive $0xFFFF  }
0x78: {  	[sflag:s0] =	ssyncadd.tile.s32 @!p0 $0x1;
	_ =	shalt  }
.Lfunc_end2:
_tile_overlayer_lowered:
.L_overlay_start_2:
0x79: {  	(tag) =	ssettag $0x2  }
0x7a: {  	s0 =	rddreg [dreg:$0x0];
	s2 =	stileid.u32  }
0x7b: {  	s1 =	rddreg [dreg:$0x1];
	p0 =	sne.s32 s2, $0x0  }
0x7c: {  	s3 =	rddreg [dreg:$0x2];
	[bflag:$0x3] =	sbarrier.arrive $0xFFFF;
	s2 =	simm.s32 @!p0 $0x1C01  }
0x7d: {  	[timem:s3], [sflag:s2] =	dma.local @!p0 [hbm:s0], s1  }
0x7e: {  	s0 =	simm.s32 @!p0 $0x1  }
0x7f: {  	_ =	swait.ge @!p0 [sflag:s0], s1  }
0x80: {  	s1 =	ssub.s32 @!p0 $0x0, s1;
	[sflag:s0] =	ssyncset.done @!p0 $0x0  }
0x81: {  	[sflag:s0] =	ssyncadd.s32 @!p0 s1  }
0x82: {  	[bflag:$0x3] =	sbarrier.arrive $0xFFFF  }
0x83: {  	_ =	shalt  }

// kernel: mp_sc.5.cloned.1.call-start
scs
__scs_entry_jumppad:
0x0: {  	(pc) =	sbr.rel $0x88, $3  }
0x1: {  	(tag) =	ssettag $0x0;
	lr =	simm.s32 $0x1  }
0x2: {  	[smem:$0x3F7D] =	sst lr;
	_ =	strace $0xD0000000  }
0x3: {  	_ = 	snop  }
0x4: {  	_ = 	snop  }
0x5: {  	_ = 	snop  }
0x6: {  	_ = 	snop  }
0x7: {  	_ = 	snop  }
__scs_overlays_trampoline_lowered:
0x8: {  	[smem:$0x3F8C] =	sst s0  }
0x9: {  	[smem:$0x3F8D] =	sst s1  }
0xa: {  	[smem:$0x3F8E] =	sst s2  }
0xb: {  	[smem:$0x3F8F] =	sst s3  }
0xc: {  	[smem:$0x3F90] =	sst s4  }
0xd: {  	[smem:$0x3F91] =	sst s5  }
0xe: {  	[smem:$0x3F92] =	sst s6  }
0xf: {  	[smem:$0x3F93] =	sst s7  }
0x10: {  	[smem:$0x3F94] =	sst s8  }
0x11: {  	[smem:$0x3F95] =	sst s9;
	s0 =	simm.s32 @!p0 $0x0  }
0x12: {  	s1 =	sld [smem:$0x3F7B];
	s0 =	simm.s32 @p0 $0x1  }
0x13: {  	[smem:$0x3F96] =	sst s0;
	s0 =	simm.s32 @!p1 $0x0  }
0x14: {  	s2 =	sld [smem:$0x3F7A];
	s0 =	simm.s32 @p1 $0x1  }
0x15: {  	[smem:$0x3F97] =	sst s0;
	s0 =	simm.s32 @!p2 $0x0  }
0x16: {  	s3 =	sld [smem:$0x3FDB];
	s0 =	simm.s32 @p2 $0x1  }
0x17: {  	s4 =	simm.s32 $0x1BF5;
	[smem:$0x3F99] =	sst s0  }
0x18: {  	s0 =	sld [smem:$0x3F7C];
	_ =	swait.ge [sflag:s4], $0x0  }
0x19: {  	s7 =	sld [smem:$0x3F7D]  }
0x1a: {  	s8 =	sadd.s32 $0xFFFFE003, lr  }
0x1b: {  	s9 =	sadd.s32 $0xFFFFFEF7, lr;
	s5 =	simm.s32 $0xFFFFFFFF;
	p2 =	slt.u32 s8, $0xFFFFF086  }
0x1c: {  	p1 =	slt.u32 s9, $0xF7A;
	s5 =	simm.s32 @!p2 $0x0  }
0x1d: {  	s5 =	simm.s32 @p1 $0x1;
	p0 =	seq.s32 s7, s2  }
0x1e: {  	s7 =	smul.u32 @!p0 $0xF7A, s2;
	p2 =	seq.s32 @!p0 s5, $0x0  }
0x1f: {  	s9 =	smul.u32 $0xF7A, s1;
	s8 =	simm.s32 @!p0 $0x1BF5;
	p2 =	por !p2, p0  }
0x20: {  	[sflag:s8] =	ssyncset.s32 @!p0 $0xFFFFF086;
	s6 =	sadd.s32 @!p0 s3, s7;
	s7 =	simm.s32 @!p0 $0x108  }
0x21: {  	s3 =	sadd.s32 s3, s9;
	s6 =	sadd.s32 @!p0 $0x88, s6;
	s7 =	simm.s32 @p2 $0x1082  }
0x22: {  	[simem:s7], [sflag:s8] =	dma.local @!p0 [hbm:s6], $0xF7A  }
0x23: {  	s9 =	sor.u32 $0xD0000000, s2;
	s6 =	simm.s32 $0x108;
	_ =	swait.ge @!p0 [sflag:s8], $0x0  }
0x24: {  	s3 =	sadd.s32 $0x88, s3;
	s6 =	simm.s32 @!p1 $0x1082;
	[sflag:s4] =	ssyncset.s32 $0xFFFFF086  }
0x25: {  	[simem:s6], [sflag:s4] =	dma.local [hbm:s3], $0xF7A  }
0x26: {  	[smem:$0x3F7D] =	sst s1;
	(tag) =	ssettag s2;
	_ =	strace s9  }
0x27: {  	s1 =	sld [smem:$0x3F8D]  }
0x28: {  	s2 =	sld [smem:$0x3F8E]  }
0x29: {  	s4 =	sld [smem:$0x3F90]  }
0x2a: {  	p0 =	seq.s32 s5, $0x0;
	s5 =	sld [smem:$0x3F91]  }
0x2b: {  	s6 =	sld [smem:$0x3F92]  }
0x2c: {  	s7 =	sld [smem:$0x3F93]  }
0x2d: {  	s3 =	simm.s32 $0x108;
	s8 =	sld [smem:$0x3F94]  }
0x2e: {  	s3 =	simm.s32 @!p0 $0x1082;
	s9 =	sld [smem:$0x3F95]  }
0x2f: {  	lr =	sadd.s32 s0, s3;
	s0 =	sld [smem:$0x3F8C]  }
0x30: {  	s3 =	sld [smem:$0x3F8F]  }
0x31: {  	[smem:$0x3F98] =	sst s10  }
0x32: {  	s10 =	sld [smem:$0x3F96];
	_ =	sdelay $0x3  }
0x33: {  	p0 =	seq.s32 s10, $0x1;
	s10 =	sld [smem:$0x3F98];
	_ =	sdelay $0x3  }
0x34: {  	[smem:$0x3F98] =	sst s10  }
0x35: {  	s10 =	sld [smem:$0x3F97];
	_ =	sdelay $0x3  }
0x36: {  	p1 =	seq.s32 s10, $0x1;
	s10 =	sld [smem:$0x3F98];
	_ =	sdelay $0x3  }
0x37: {  	[smem:$0x3F98] =	sst s10  }
0x38: {  	s10 =	sld [smem:$0x3F99]  }
0x39: {  	_ = 	snop;
	(pc) =	sbr.ind lr, $3  }
0x3a: {  	_ = 	snop  }
0x3b: {  	_ = 	snop  }
0x3c: {  	p2 =	seq.s32 s10, $0x1;
	s10 =	sld [smem:$0x3F98]  }
0x3d: {  	_ =	shalt  }
0x3e: {  	_ =	shalt  }
0x3f: {  	_ =	shalt  }
0x40: {  	_ =	shalt  }
0x41: {  	_ =	shalt  }
0x42: {  	_ =	shalt  }
0x43: {  	_ =	shalt  }
0x44: {  	_ =	shalt  }
0x45: {  	_ =	shalt  }
0x46: {  	_ =	shalt  }
0x47: {  	_ =	shalt  }
0x48: {  	_ =	shalt  }
0x49: {  	_ =	shalt  }
0x4a: {  	_ =	shalt  }
0x4b: {  	_ =	shalt  }
0x4c: {  	_ =	shalt  }
0x4d: {  	_ =	shalt  }
0x4e: {  	_ =	shalt  }
0x4f: {  	_ =	shalt  }
0x50: {  	_ =	shalt  }
0x51: {  	_ =	shalt  }
0x52: {  	_ =	shalt  }
0x53: {  	_ =	shalt  }
0x54: {  	_ =	shalt  }
0x55: {  	_ =	shalt  }
0x56: {  	_ =	shalt  }
0x57: {  	_ =	shalt  }
0x58: {  	_ =	shalt  }
0x59: {  	_ =	shalt  }
0x5a: {  	_ =	shalt  }
0x5b: {  	_ =	shalt  }
0x5c: {  	_ =	shalt  }
0x5d: {  	_ =	shalt  }
0x5e: {  	_ =	shalt  }
0x5f: {  	_ =	shalt  }
0x60: {  	_ =	shalt  }
0x61: {  	_ =	shalt  }
0x62: {  	_ =	shalt  }
0x63: {  	_ =	shalt  }
0x64: {  	_ =	shalt  }
0x65: {  	_ =	shalt  }
0x66: {  	_ =	shalt  }
0x67: {  	_ =	shalt  }
0x68: {  	_ =	shalt  }
0x69: {  	_ =	shalt  }
0x6a: {  	_ =	shalt  }
0x6b: {  	_ =	shalt  }
0x6c: {  	_ =	shalt  }
0x6d: {  	_ =	shalt  }
0x6e: {  	_ =	shalt  }
0x6f: {  	_ =	shalt  }
0x70: {  	_ =	shalt  }
0x71: {  	_ =	shalt  }
0x72: {  	_ =	shalt  }
0x73: {  	_ =	shalt  }
0x74: {  	_ =	shalt  }
0x75: {  	_ =	shalt  }
0x76: {  	_ =	shalt  }
0x77: {  	_ =	shalt  }
0x78: {  	_ =	shalt  }
0x79: {  	_ =	shalt  }
0x7a: {  	_ =	shalt  }
0x7b: {  	_ =	shalt  }
0x7c: {  	_ =	shalt  }
0x7d: {  	_ =	shalt  }
0x7e: {  	_ =	shalt  }
0x7f: {  	_ =	shalt  }
0x80: {  	_ =	shalt  }
0x81: {  	_ =	shalt  }
0x82: {  	_ =	shalt  }
0x83: {  	_ =	shalt  }
0x84: {  	_ =	shalt  }
0x85: {  	_ =	shalt  }
0x86: {  	_ =	shalt  }
0x87: {  	_ =	shalt  }
.Lfunc_end0:
.L_simem_size_0:
called_computation_lowered:
.L_overlay_start_0:
0x88: {  	s2 =	sld [smem:$0x3FD9]  }
0x89: {  	s3 =	sld [smem:$0x3FFE];
	_ =	sdelay $0x1  }
0x8a: {  	s1 =	srdreg.scid  }
0x8b: {  	s0 =	sand.u32 $0x1, s1  }
0x8c: {  	s16 =	sshll.u32 s0, $0xA;
	s2 =	sadd.s32 s3, s2  }
0x8d: {  	s2 =	sadd.s32 s2, s16  }
0x8e: {  	[smem:$0x3FA4] =	sst s2  }
0x8f: {  	_ = 	snop  }
0x90: {  	(tm) =	ssettm $0x1  }
0x91: {  	s17 =	sld [smem:$0x3FFB];
	_ =	sdelay $0x3  }
0x92: {  	_ =	strace s17  }
0x93: {  	s2 =	sld [smem:$0x3FFC];
	_ =	sdelay $0x3  }
0x94: {  	_ =	strace s2  }
0x95: {  	s2 =	sld [smem:$0x3FFD];
	_ =	sdelay $0x3  }
0x96: {  	_ =	strace s2  }
0x97: {  	_ =	strace $0x8FFFFFFF  }
0x98: {  	s18 =	sld [smem:$0x3FDB];
	_ =	sdelay $0x1  }
0x99: {  	s19 =	simm.s32 $_scs_section_size  }
0x9a: {  	s4 =	simm.s32 $_size__tile_overlayer_lowered;
	s5 =	simm.s32 $_tile_overlayer_lowered  }
0x9b: {  	s22 =	simm.s32 $0x1BFF;
	s21 =	sshll.u32 s5, $0x1;
	s2 =	sadd.s32 s19, s18  }
0x9c: {  	s6 =	simm.s32 $0x0;
	s20 =	sshll.u32 s4, $0x1;
	s4 =	sadd.s32 s21, s2  }
0x9d: {  	[timem:s6], [sflag:s22] =	dma.local [hbm:s4], s20  }
0x9e: {  	_ =	swait.ge [sflag:s22], s20  }
0x9f: {  	s3 =	ssub.s32 $0x0, s20;
	[sflag:s22] =	ssyncset.done $0x0  }
0xa0: {  	[sflag:s22] =	ssyncadd.s32 s3;
	_ =	sdelay $0x1  }
0xa1: {  	s23 =	simm.s32 $0x1B8B  }
0xa2: {  	_ =	swait.ge [sflag:s23], $0x1  }
0xa3: {  	[sflag:s23] =	ssyncset.done $0x0  }
0xa4: {  	s25 =	simm.s32 $0x1B8E;
	s24 =	sld [smem:$0x3FFE];
	[sflag:s23] =	ssyncadd.s32 $0xFFFFFFFF  }
0xa5: {  	s26 =	simm.s32 $execute0_lowered;
	[smem:$0x3FD2] =	sst s25  }
0xa6: {  	s4 =	sshll.u32 s26, $0x1;
	_ =	strace $0x80000046;
	[dreg:$0x1] =	wrdreg $0xFFFFFFFF  }
0xa7: {  	s28 =	simm.s32 $_size_execute0_lowered;
	s2 =	sadd.s32 s2, s4;
	[dreg:$0x0] =	wrdreg $0x0  }
0xa8: {  	s4 =	sshll.u32 s28, $0x1;
	[dreg:$0x2] =	wrdreg s2  }
0xa9: {  	[dreg:$0x3] =	wrdreg s4  }
0xaa: {  	[dreg:$0x4] =	wrdreg $0xC0  }
0xab: {  	_ =	task [dreg:s6], $0x5FFFF  }
0xac: {  	[dreg:$0x1] =	wrdreg $0xFFFFFFFF  }
0xad: {  	[dreg:$0x0] =	wrdreg $0x60  }
0xae: {  	[dreg:$0x2] =	wrdreg s24  }
0xaf: {  	[dreg:$0x3] =	wrdreg $0xA2000  }
0xb0: {  	[dreg:$0x4] =	wrdreg $0x9  }
0xb1: {  	_ =	task.clear_ibuf [dreg:s6], $0x5FFFF;
	_ =	strace $0x90000046  }
0xb2: {  	s29 =	simm.s32 $0x9;
	_ =	strace $0x80000048  }
0xb3: {  	_ =	swait.ge [sflag:s29], $0x1  }
0xb4: {  	[sflag:s29] =	ssyncadd.s32 $0xFFFFFFFF  }
0xb5: {  	_ =	strace $0x90000048  }
0xb6: {  	_ =	sfence  }
0xb7: {  	s30 =	sld [smem:$0x0];
	_ =	sdelay $0x2  }
0xb8: {  	s31 =	sshll.u32 s1, $0xD;
	s1 =	sshrl.u32 s1, $0x2  }
0xb9: {  	s3 =	sand.u32 $0x4000, s31;
	s1 =	sadd.s32 s1, s30  }
0xba: {  	s0 =	sor.u32 s3, s0;
	s1 =	sshll.u32 s1, $0x11  }
0xbb: {  	s0 =	sor.u32 s1, s0  }
0xbc: {  	s0 =	sadd.s32 $0x8F2B, s0  }
0xbd: {  	[sflag:s0] =	ssyncadd.remote.s32 $0x1  }
0xbe: {  	_ =	sfence.sel $0xFFFF  }
0xbf: {  	[dreg:$0x0] =	wrdreg $0xFFFFFFFF;
	(pc) =	sbr.abs _section_cstart, $3  }
0xc0: {  	[dreg:$0x1] =	wrdreg $0xFFFFFFFF  }
0xc1: {  	_ =	task.clear_ibuf [dreg:s6], $0x2FFFF;
	_ =	strace $0x9FFFFFFF  }
0xc2: {  	(tm) =	ssettm $0x7FFFFFFF  }
0xc3: {  	_ =	shalt  }
tec
execute0_lowered:
.L_overlay_start_1:
0x0: {  	(tag) =	ssettag $0x1  }
0x1: {  	s0 =	rddreg [dreg:$0x0]  }
0x2: {  	s1 =	rddreg [dreg:$0x1]  }
0x3: {  	s2 =	simm.s32 $0x0;
	s3 =	srdreg.scid;
	s18 =	stileid.u32  }
0x4: {  	s28 =	simm.s32 $0x50;
	s29 =	simm.s32 $0xA000;
	s30 =	simm.s32 $0x2800  }
0x5: {  	s31 =	simm.s32 $0xA080;
	[smem:$0x7FF] =	sst s2;
	s4 =	sadd.s32 $0xF4C00, s0  }
0x6: {  	s3 =	sand.u32 $0x1, s3;
	s5 =	sadd.s32 $0x142E00, s0;
	s13 =	smul.u32 $0x270, s18  }
0x7: {  	s6 =	sadd.s32 $0xA6A00, s0;
	s7 =	sadd.s32 $0x2233600, s0;
	s9 =	smul.u32 $0x2710, s18  }
0x8: {  	v1 =	vimm.s32 $0x76543210;
	s8 =	sadd.s32 $0x53800, s0;
	s15 =	smul.u32 $0x4E000, s18;
	s11 =	ssub.s32 $0x2, s3  }
0x9: {  	v2 =	vimm.s32 $0xFEDCBA98;
	v3 =	vimm.s32 $0xBA98FEDC;
	s14 =	sadd.s32 $0x191000, s0;
	s12 =	smul.u32 $0x2710, s3;
	s16 =	sshrl.u32 s11, $0x1  }
0xa: {  	v4 =	vimm.s32 $0x32107654;
	v5 =	vimm.s32 $0xDCFE98BA;
	s10 =	sadd.s32 $0x2715600, s0;
	s15 =	sshrl.u32 s15, $0x2;
	s26 =	ssub.s32 s11, s16  }
0xb: {  	v6 =	vimm.s32 $0x54761032;
	v7 =	vimm.s32 $0xEFCDAB89;
	v0 =	vmov s12;
	s13 =	sadd.s32 s13, s12;
	s12 =	sadd.s32 s15, s1;
	s0 =	smax.u32 s26, $0x1  }
0xc: {  	v8 =	vimm.s32 $0x67452301;
	_ =	strace $0x80000047;
	s20 =	sadd.s32 $0x2800, s12;
	[dreg:$0x5] =	wrdreg s0  }
0xd: {  	vm0 =	vmmov $0x1;
	vm1 =	vcmask $0x310;
	vm2 =	vcmask $0x710;
	p0 =	seq.s32 s18, $0xF;
	s21 =	sadd.s32 $0x5000, s12;
	[dreg:$0x6] =	wrdreg s20  }
0xe: {  	vm3 =	vcmask $0xB10;
	v1 =	vunpack.c.l.s4.s8 v1;
	v2 =	vunpack.c.l.s4.s8 v2;
	s17 =	smul.u32 $0x138800, s3;
	s22 =	sadd.s32 $0x7800, s12;
	[dreg:$0x7] =	wrdreg s21  }
0xf: {  	v3 =	vunpack.c.l.s4.s8 v3;
	v4 =	vunpack.c.l.s4.s8 v4;
	v5 =	vunpack.c.l.s4.s8 v5;
	s11 =	smul.u32 $0x27100, s3;
	s23 =	sadd.s32 $0xA000, s12;
	[dreg:$0x8] =	wrdreg s22  }
0x10: {  	v6 =	vunpack.c.l.s4.s8 v6;
	v7 =	vunpack.c.l.s4.s8 v7;
	v8 =	vunpack.c.l.s4.s8 v8;
	s16 =	sshrl.u32 s17, $0x3;
	s24 =	sadd.s32 $0xC800, s12;
	[dreg:$0x9] =	wrdreg s23  }
0x11: {  	v3 =	vunpack.c.0.s8.s32 v3;
	v4 =	vunpack.c.0.s8.s32 v4;
	v5 =	vunpack.c.0.s8.s32 v5;
	s17 =	sshll.u32 s13, $0x4;
	s25 =	sadd.s32 $0xF000, s12;
	[dreg:$0xa] =	wrdreg s24  }
0x12: {  	v6 =	vunpack.c.0.s8.s32 v6;
	v2 =	vunpack.c.0.s8.s32 v2;
	v7 =	vunpack.c.0.s8.s32 v7;
	s19 =	sadd.s32 s14, s16;
	s26 =	sadd.s32 $0x11800, s12;
	[dreg:$0xb] =	wrdreg s25  }
0x13: {  	v8 =	vunpack.c.0.s8.s32 v8;
	v9 =	vunpack.c.0.s8.s32 v1;
	v1 =	vimm.f32 $0.0e+00;
	s3 =	sadd.s32 s14, s17;
	s13 =	sadd.s32 $0x24900, s19;
	[dreg:$0xc] =	wrdreg s26  }
0x14: {  	v3 =	vcombine.low v4, v3;
	v4 =	vcombine.low v6, v5;
	v2 =	vand.u32 $0xF, v2;
	s23 =	simm.s32 $0x2;
	s24 =	simm.s32 $0xA180;
	s26 =	simm.s32 $0x5000  }
0x15: {  	v5 =	vcombine.low v8, v7;
	v6 =	vimm.s32 $0x0;
	v7 =	vimm.s32 $0x1;
	s14 =	simm.s32 $0x0;
	[dreg:$0x3] =	wrdreg s3;
	s3 =	sadd.s32 $0x124800, s1  }
0x16: {  	v8 =	vimm.s32 $0x2;
	v2 =	vcombine.low v2, v9;
	v9 =	vimm.s32 $0x3;
	[dreg:$0x4] =	wrdreg s13;
	s13 =	simm.s32 $0x7800;
	s0 =	sshrl.u32 @p0 s3, $0x3  }
0x17: {  	v3 =	vand.u32 $0xF, v3;
	v4 =	vand.u32 $0xF, v4;
	v5 =	vand.u32 $0xF, v5;
	s3 =	simm.s32 $0xA100;
	[dreg:$0xd] =	wrdreg s0;
	s0 =	simm.s32 $0x1  }
.LBB2_1:
0x18: {  	s15 =	simm.s32 $0x0;
	s16 =	simm.s32 $0x200  }
.LBB2_2:
0x19: {  	p1 =	sne.s32 s16, $0x9E00;
	[tilespmem:s15+$0x70] =	vst v1  }
0x1a: {  	[tilespmem:s15+$0x0] =	vst v1  }
0x1b: {  	[tilespmem:s15+$0x10] =	vst v1  }
.Ltmp0:
0x1c: {  	[tilespmem:s15+$0x20] =	vst v1;
	(pc) =	sbr.rel @p1 .LBB2_2-.Ltmp0, $4  }
0x1d: {  	[tilespmem:s15+$0x30] =	vst v1  }
0x1e: {  	[tilespmem:s15+$0x40] =	vst v1  }
0x1f: {  	[tilespmem:s15+$0x50] =	vst v1  }
0x20: {  	[tilespmem:s15+$0x60] =	vst v1;
	s15 =	sshra.s32 s16, $0x2;
	s16 =	sadd.s32 $0x200, s16  }
0x21: {  	[tilespmem:s15+$0x70] =	vst v1  }
0x22: {  	[tilespmem:s15+$0x0] =	vst v1  }
0x23: {  	[tilespmem:s15+$0x10] =	vst v1  }
0x24: {  	[tilespmem:s15+$0x20] =	vst v1  }
0x25: {  	[tilespmem:s15+$0x30] =	vst v1  }
0x26: {  	[tilespmem:s15+$0x40] =	vst v1  }
0x27: {  	[tilespmem:s15+$0x50] =	vst v1  }
0x28: {  	[tilespmem:s15+$0x60] =	vst v1;
	s15 =	simm.s32 $0x0  }
0x29: {  	[spmem:s12] =	stream.linear.scatter [tilespmem:s15], [sflag:$0x2], $0x2800, $0x38;
	[tilespmem:$0x1DA80] =	vst v63  }
0x2a: {  	_ =	swait.ge [sflag:s23], $0x2800  }
0x2b: {  	[sflag:s23] =	ssyncset.done $0x0  }
0x2c: {  	s16 =	rddreg [dreg:$0x6];
	[sflag:s23] =	ssyncadd.s32 $0xFFFFD800  }
0x2d: {  	[spmem:s16] =	stream.linear.scatter [tilespmem:s15], [sflag:$0x2], $0x2800, $0x38;
	[tilespmem:$0x1DA80] =	vst v63  }
0x2e: {  	_ =	swait.ge [sflag:s23], $0x2800  }
0x2f: {  	[sflag:s23] =	ssyncset.done $0x0  }
0x30: {  	s18 =	rddreg [dreg:$0x7];
	[sflag:s23] =	ssyncadd.s32 $0xFFFFD800  }
0x31: {  	[spmem:s18] =	stream.linear.scatter [tilespmem:s15], [sflag:$0x2], $0x2800, $0x38;
	[tilespmem:$0x1DA80] =	vst v63  }
0x32: {  	_ =	swait.ge [sflag:s23], $0x2800  }
0x33: {  	[sflag:s23] =	ssyncset.done $0x0  }
0x34: {  	s19 =	rddreg [dreg:$0x8];
	[sflag:s23] =	ssyncadd.s32 $0xFFFFD800  }
0x35: {  	[spmem:s19] =	stream.linear.scatter [tilespmem:s15], [sflag:$0x2], $0x2800, $0x38;
	[tilespmem:$0x1DA80] =	vst v63  }
0x36: {  	_ =	swait.ge [sflag:s23], $0x2800  }
0x37: {  	[sflag:s23] =	ssyncset.done $0x0  }
0x38: {  	s20 =	rddreg [dreg:$0x9];
	[sflag:s23] =	ssyncadd.s32 $0xFFFFD800  }
0x39: {  	[spmem:s20] =	stream.linear.scatter [tilespmem:s15], [sflag:$0x2], $0x2800, $0x38;
	[tilespmem:$0x1DA80] =	vst v63  }
0x3a: {  	_ =	swait.ge [sflag:s23], $0x2800  }
0x3b: {  	[sflag:s23] =	ssyncset.done $0x0  }
0x3c: {  	s21 =	rddreg [dreg:$0xa];
	[sflag:s23] =	ssyncadd.s32 $0xFFFFD800  }
0x3d: {  	[spmem:s21] =	stream.linear.scatter [tilespmem:s15], [sflag:$0x2], $0x2800, $0x38;
	[tilespmem:$0x1DA80] =	vst v63  }
0x3e: {  	_ =	swait.ge [sflag:s23], $0x2800  }
0x3f: {  	[sflag:s23] =	ssyncset.done $0x0  }
0x40: {  	s22 =	rddreg [dreg:$0xb];
	[sflag:s23] =	ssyncadd.s32 $0xFFFFD800  }
0x41: {  	[spmem:s22] =	stream.linear.scatter [tilespmem:s15], [sflag:$0x2], $0x2800, $0x38;
	[tilespmem:$0x1DA80] =	vst v63  }
0x42: {  	_ =	swait.ge [sflag:s23], $0x2800  }
0x43: {  	[sflag:s23] =	ssyncset.done $0x0  }
0x44: {  	s25 =	rddreg [dreg:$0xc];
	[sflag:s23] =	ssyncadd.s32 $0xFFFFD800  }
0x45: {  	[spmem:s25] =	stream.linear.scatter [tilespmem:s15], [sflag:$0x2], $0x2800, $0x38;
	[tilespmem:$0x1DA80] =	vst v63  }
0x46: {  	_ =	swait.ge [sflag:s23], $0x2800  }
0x47: {  	[sflag:s23] =	ssyncset.done $0x0  }
0x48: {  	[sflag:s23] =	ssyncadd.s32 $0xFFFFD800  }
0x49: {  	s16 =	simm.s32 $0x0;
	[bflag:$0x0] =	sbarrier.arrive $0xFFFF  }
.LBB2_4:
0x4a: {  	s17 =	smul.u32 $0x50, s16;
	_ =	sdelay $0x1  }
0x4b: {  	s17 =	sadd.s32 s9, s17  }
0x4c: {  	s18 =	sshrl.u32 s17, $0x3  }
0x4d: {  	s18 =	sadd.s32 s8, s18  }
0x4e: {  	[tilespmem:s24], [sflag:$0x2] =	stream.linear.gather [hbm4b:s18+s15], $0x50, $0x38;
	[tilespmem:$0x1DA80] =	vst v63  }
0x4f: {  	_ =	swait.ge [sflag:s23], $0x50  }
0x50: {  	[sflag:s23] =	ssyncset.done $0x0  }
0x51: {  	[sflag:s23] =	ssyncadd.s32 $0xFFFFFFB0  }
0x52: {  	v10 =	vld [tilespmem:$0xA180];
	_ =	sdelay $0x2  }
0x53: {  	v11 =	vld [tilespmem:$0xA190];
	_ =	sdelay $0x1  }
0x54: {  	v12 =	vand.u32 $0xFFFF, v10;
	v10 =	vshra.s32 v10, $0x10  }
0x55: {  	v13 =	vld [tilespmem:$0xA1A0];
	v12 =	vadd.s32 v0, v12;
	[tilespmem:$0xA100] =	vst v10  }
0x56: {  	[tilespmem:$0xA000] =	vst v12;
	v12 =	vadd.s32 v0, v10  }
0x57: {  	v10 =	vshra.s32 v11, $0x10;
	[tilespmem:$0xA080] =	vst v12;
	v12 =	vand.u32 $0xFFFF, v11  }
0x58: {  	[tilespmem:$0xA110] =	vst v10;
	v11 =	vadd.s32 v0, v12;
	v12 =	vld [tilespmem:$0xA1B0]  }
0x59: {  	[tilespmem:$0xA010] =	vst v11;
	v11 =	vadd.s32 v0, v10  }
0x5a: {  	v10 =	vshra.s32 v13, $0x10;
	[tilespmem:$0xA090] =	vst v11;
	v11 =	vand.u32 $0xFFFF, v13  }
0x5b: {  	v13 =	vld [tilespmem:$0xA1C0];
	[tilespmem:$0xA120] =	vst v10;
	v11 =	vadd.s32 v0, v11  }
0x5c: {  	[tilespmem:$0xA020] =	vst v11;
	v11 =	vadd.s32 v0, v10  }
0x5d: {  	[tilespmem:$0xA0A0] =	vst v11;
	v11 =	vand.u32 $0xFFFF, v12;
	v10 =	vshra.s32 v12, $0x10  }
0x5e: {  	v11 =	vadd.s32 v0, v11;
	[tilespmem:$0xA130] =	vst v10  }
0x5f: {  	[tilespmem:$0xA030] =	vst v11;
	v11 =	vadd.s32 v0, v10  }
0x60: {  	v10 =	vshra.s32 v13, $0x10;
	[tilespmem:$0xA0B0] =	vst v11;
	v11 =	vand.u32 $0xFFFF, v13  }
0x61: {  	s17 =	sadd.s32 s11, s17;
	[tilespmem:$0xA140] =	vst v10;
	v11 =	vadd.s32 v0, v11  }
0x62: {  	s17 =	sshll.u32 s17, $0x4;
	[tilespmem:$0xA040] =	vst v11;
	v11 =	vadd.s32 v0, v10  }
0x63: {  	s25 =	sadd.s32 s7, s17;
	[tilespmem:$0xA0C0] =	vst v11  }
0x64: {  	[tilespmem:s26], [sflag:$0x2] =	stream.linear.gather [hbm4b:s25+s15], $0x2800, $0x38;
	[tilespmem:$0x1DA80] =	vst v63  }
0x65: {  	_ =	swait.ge [sflag:s23], $0x2800  }
0x66: {  	[sflag:s23] =	ssyncset.done $0x0  }
0x67: {  	[sflag:s23] =	ssyncadd.s32 $0xFFFFD800  }
0x68: {  	[tilespmem:s30], [sflag:$0x1] =	stream.indirect.gather [hbm4b:s5+s28], $0x80, s29, s28, $0xb8;
	[tilespmem:$0x1DA80] =	vst v63  }
0x69: {  	_ = 	snop  }
0x6a: {  	[tilespmem:s15], [sflag:$0x1] =	stream.indirect.gather [hbm4b:s4+s28], $0x80, s31, s28, $0xb8;
	[tilespmem:$0x1DA80] =	vst v63  }
0x6b: {  	_ =	swait.ge [sflag:s0], $0x2800  }
0x6c: {  	[sflag:s0] =	ssyncset.done $0x0  }
0x6d: {  	[sflag:s0] =	ssyncadd.s32 $0xFFFFD800  }
0x6e: {  	_ =	swait.ge [sflag:s0], $0x2800  }
0x6f: {  	[sflag:s0] =	ssyncset.done $0x0  }
0x70: {  	s18 =	simm.s32 $0x0;
	[sflag:s0] =	ssyncadd.s32 $0xFFFFD800  }
0x71: {  	v10 =	vld [tilespmem:s18+$0x50]  }
0x72: {  	v11 =	vld [tilespmem:s18+$0x5060]  }
0x73: {  	v12 =	vld [tilespmem:s18+$0x40]  }
0x74: {  	v13 =	vld [tilespmem:s18+$0x2860]  }
0x75: {  	v14 =	vld [tilespmem:s18+$0x5040]  }
0x76: {  	v15 =	vld [tilespmem:s18+$0x0]  }
0x77: {  	v16 =	vld [tilespmem:s18+$0x2840]  }
0x78: {  	v17 =	vld [tilespmem:s18+$0x20]  }
0x79: {  	v18 =	vld [tilespmem:s18+$0x5050]  }
0x7a: {  	v19 =	vld [tilespmem:s18+$0x2850]  }
0x7b: {  	v20 =	vld [tilespmem:s18+$0x5030]  }
0x7c: {  	v21 =	vld [tilespmem:s18+$0x5010]  }
0x7d: {  	v22 =	vld [tilespmem:s18+$0x2830]  }
0x7e: {  	v23 =	vld [tilespmem:s18+$0x2820]  }
0x7f: {  	v24 =	vld [tilespmem:s18+$0x2810]  }
0x80: {  	v25 =	vld [tilespmem:s18+$0x5000]  }
0x81: {  	v26 =	vld [tilespmem:s18+$0x2800]  }
0x82: {  	v27 =	vld [tilespmem:s18+$0x5020]  }
0x83: {  	v28 =	vld [tilespmem:s18+$0x2870]  }
0x84: {  	v29 =	vld [tilespmem:s18+$0x5070]  }
0x85: {  	v30 =	vld [tilespmem:s18+$0x70]  }
0x86: {  	v31 =	vld [tilespmem:s18+$0x30]  }
0x87: {  	v32 =	vld [tilespmem:s18+$0x10]  }
0x88: {  	s19 =	simm.s32 $0x80;
	v33 =	vld [tilespmem:s18+$0x60]  }
0x89: {  	v34 =	vld [tilespmem:s19+$0x50]  }
0x8a: {  	v35 =	vld [tilespmem:s19+$0x5060]  }
0x8b: {  	v36 =	vld [tilespmem:s19+$0x40]  }
0x8c: {  	v37 =	vld [tilespmem:s19+$0x2860]  }
0x8d: {  	v38 =	vld [tilespmem:s19+$0x5040]  }
0x8e: {  	v39 =	vld [tilespmem:s19+$0x0]  }
0x8f: {  	v40 =	vld [tilespmem:s19+$0x2840]  }
0x90: {  	v41 =	vld [tilespmem:s19+$0x5050]  }
0x91: {  	v42 =	vld [tilespmem:s19+$0x2830]  }
0x92: {  	s20 =	simm.s32 $0x100;
	v43 =	vld [tilespmem:s19+$0x5000]  }
0x93: {  	v60 =	vld [tilespmem:s20+$0x50]  }
0x94: {  	v61 =	vld [tilespmem:s20+$0x5040]  }
0x95: {  	v44 =	vld [tilespmem:s20+$0x5000];
	v14 =	vadd.f32 v14, v16  }
0x96: {  	v47 =	vld [tilespmem:s20+$0x2870];
	v25 =	vadd.f32 v25, v26;
	v23 =	vadd.f32 v27, v23  }
0x97: {  	s21 =	simm.s32 $0x180;
	v49 =	vld [tilespmem:s20+$0x60];
	v20 =	vadd.f32 v20, v22;
	v11 =	vadd.f32 v11, v13  }
0x98: {  	v55 =	vld [tilespmem:s21+$0x5050];
	v21 =	vadd.f32 v21, v24;
	v62 =	vadd.f32 v35, v37  }
0x99: {  	v26 =	vld [tilespmem:s19+$0x2810];
	v12 =	vmul.f32 v14, v12;
	v14 =	vadd.f32 v18, v19;
	v13 =	vmul.f32 v25, v15  }
0x9a: {  	v18 =	vld [tilespmem:s19+$0x2850];
	v17 =	vmul.f32 v23, v17;
	v23 =	vadd.f32 v29, v28;
	v11 =	vmul.f32 v11, v33  }
0x9b: {  	v19 =	vld [tilespmem:s19+$0x5030];
	v20 =	vmul.f32 v20, v31;
	v28 =	vadd.f32 v38, v40;
	v21 =	vmul.f32 v21, v32  }
0x9c: {  	v15 =	vld [tilespmem:s19+$0x2800];
	v12 =	vadd.f32 $0.0e+00, v12;
	v10 =	vmul.f32 v14, v10;
	v17 =	vadd.f32 $0.0e+00, v17  }
0x9d: {  	v14 =	vld [tilespmem:s19+$0x5010];
	v13 =	vadd.f32 $0.0e+00, v13;
	v23 =	vmul.f32 v23, v30;
	v11 =	vadd.f32 $0.0e+00, v11  }
0x9e: {  	v56 =	vld [tilespmem:s21+$0x2850];
	v10 =	vadd.f32 v10, v12;
	v17 =	vadd.f32 v20, v17  }
0x9f: {  	v22 =	vld [tilespmem:s19+$0x5020];
	v11 =	vadd.f32 v23, v11;
	v23 =	vmul.f32 v28, v36;
	v13 =	vadd.f32 v21, v13  }
0xa0: {  	v12 =	vld [tilespmem:s19+$0x2820];
	v18 =	vadd.f32 v41, v18;
	v19 =	vadd.f32 v19, v42;
	v27 =	vperm.xlane v10, v2  }
0xa1: {  	v16 =	vld [tilespmem:s19+$0x20];
	v15 =	vadd.f32 v43, v15;
	v28 =	vperm.xlane v17, v2;
	v31 =	vperm.xlane v11, v2  }
0xa2: {  	v20 =	vld [tilespmem:s19+$0x30];
	v23 =	vadd.f32 $0.0e+00, v23;
	v63 =	vperm.xlane v13, v2;
	v14 =	vadd.f32 v14, v26  }
0xa3: {  	v24 =	vld [tilespmem:s19+$0x2870];
	v18 =	vmul.f32 v18, v34;
	v10 =	vadd.f32 v10, v27;
	v17 =	vadd.f32 v17, v28  }
0xa4: {  	v30 =	vld [tilespmem:s19+$0x60];
	v15 =	vmul.f32 v15, v39;
	v11 =	vadd.f32 v11, v31;
	v13 =	vadd.f32 v13, v63  }
0xa5: {  	v27 =	vld [tilespmem:s19+$0x5070];
	v18 =	vadd.f32 v18, v23;
	v12 =	vadd.f32 v22, v12;
	v25 =	vperm.xlane v10, v3  }
0xa6: {  	v50 =	vld [tilespmem:s21+$0x50];
	v15 =	vadd.f32 $0.0e+00, v15;
	v26 =	vperm.xlane v11, v3;
	v22 =	vperm.xlane v17, v3  }
0xa7: {  	v51 =	vld [tilespmem:s21+$0x5060];
	v19 =	vmul.f32 v19, v20;
	v31 =	vperm.xlane v18, v2;
	v10 =	vadd.f32 v10, v25  }
0xa8: {  	v29 =	vld [tilespmem:s19+$0x70];
	v12 =	vmul.f32 v12, v16;
	v11 =	vadd.f32 v11, v26;
	v17 =	vadd.f32 v17, v22  }
0xa9: {  	v25 =	vld [tilespmem:s19+$0x10];
	v22 =	vmul.f32 v62, v30;
	v62 =	vadd.f32 v55, v56;
	v18 =	vadd.f32 v18, v31  }
0xaa: {  	v42 =	vld [tilespmem:s20+$0x2810];
	v24 =	vadd.f32 v27, v24;
	v12 =	vadd.f32 $0.0e+00, v12;
	v21 =	vperm.xlane v10, v4  }
0xab: {  	v28 =	vld [tilespmem:s20+$0x2860];
	v20 =	vperm.xlane v11, v4;
	v27 =	vperm.xlane v17, v4;
	v22 =	vadd.f32 $0.0e+00, v22  }
0xac: {  	v31 =	vld [tilespmem:s20+$0x2840];
	v35 =	vmul.f32 v62, v50;
	v16 =	vperm.xlane v18, v3;
	v12 =	vadd.f32 v19, v12  }
0xad: {  	v23 =	vld [tilespmem:s20+$0x40];
	v10 =	vadd.f32 v10, v21;
	v11 =	vadd.f32 v11, v20;
	v20 =	vmul.f32 v24, v29  }
0xae: {  	v26 =	vld [tilespmem:s20+$0x5050];
	v17 =	vadd.f32 v17, v27;
	v27 =	vperm.xlane v13, v3;
	v14 =	vmul.f32 v14, v25  }
0xaf: {  	v19 =	vld [tilespmem:s20+$0x2830];
	v16 =	vadd.f32 v18, v16;
	v43 =	vperm.xlane v12, v2;
	v41 =	vperm.xlane v10, v5  }
0xb0: {  	v21 =	vld [tilespmem:s20+$0x5060];
	v29 =	vperm.xlane v11, v5;
	v20 =	vadd.f32 v20, v22;
	v13 =	vadd.f32 v13, v27  }
0xb1: {  	v18 =	vld [tilespmem:s20+$0x5030];
	v22 =	vperm.xlane v17, v5;
	v31 =	vadd.f32 v61, v31;
	v15 =	vadd.f32 v14, v15  }
0xb2: {  	v30 =	vld [tilespmem:s20+$0x5010];
	v45 =	vperm.xlane v16, v4;
	v12 =	vadd.f32 v12, v43;
	v10 =	vadd.f32 v10, v41  }
0xb3: {  	v14 =	vld [tilespmem:s20+$0x2850];
	v11 =	vadd.f32 v11, v29;
	v29 =	vperm.xlane v20, v2;
	v17 =	vadd.f32 v17, v22  }
0xb4: {  	v27 =	vld [tilespmem:s20+$0x2800];
	v46 =	vperm.xlane v13, v4;
	v23 =	vmul.f32 v31, v23;
	v16 =	vadd.f32 v16, v45  }
0xb5: {  	v40 =	vld [tilespmem:s20+$0x0];
	v21 =	vadd.f32 v21, v28;
	v28 =	vperm.xlane v15, v2;
	v11 =	vmul.f32 $1.767766920e-01, v11  }
0xb6: {  	v24 =	vld [tilespmem:s20+$0x2820];
	v20 =	vadd.f32 v20, v29;
	v18 =	vadd.f32 v18, v19;
	v10 =	vmul.f32 $1.767766920e-01, v10  }
0xb7: {  	v22 =	vld [tilespmem:s20+$0x5020];
	v29 =	vadd.f32 v30, v42;
	v23 =	vadd.f32 $0.0e+00, v23;
	v17 =	vmul.f32 $1.767766920e-01, v17  }
0xb8: {  	v19 =	vld [tilespmem:s20+$0x5070];
	v21 =	vmul.f32 v21, v49;
	v14 =	vadd.f32 v26, v14;
	v30 =	vperm.xlane v20, v3  }
0xb9: {  	v25 =	vld [tilespmem:s20+$0x20];
	v27 =	vadd.f32 v44, v27;
	v48 =	vmul.f32 $1.442695020e+00, v11;
	v10 =	vmul.f32 $1.442695020e+00, v10  }
0xba: {  	v13 =	vadd.f32 v13, v46;
	v26 =	vld [tilespmem:s20+$0x70];
	v17 =	vmul.f32 $1.442695020e+00, v17;
	v14 =	vmul.f32 v14, v60  }
0xbb: {  	v31 =	vld [tilespmem:s20+$0x10];
	v15 =	vadd.f32 v15, v28;
	v27 =	vmul.f32 v27, v40;
	(erf) = vpow2.f32 v10  }
0xbc: {  	v11 =	vld [tilespmem:s20+$0x30];
	v10 =	vadd.f32 v22, v24;
	v22 =	vperm.xlane v12, v3;
	v14 =	vadd.f32 v14, v23  }
0xbd: {  	v52 =	vld [tilespmem:s21+$0x40];
	v20 =	vadd.f32 v20, v30;
	v19 =	vadd.f32 v19, v47;
	v23 =	vperm.xlane v16, v5  }
0xbe: {  	v53 =	vld [tilespmem:s21+$0x2860];
	v22 =	vadd.f32 v12, v22;
	v10 =	vmul.f32 v10, v25;
	v24 =	vperm.xlane v14, v2  }
0xbf: {  	v59 =	vld [tilespmem:s21+$0x5000];
	v19 =	vmul.f32 v19, v26;
	v26 =	vadd.f32 $0.0e+00, v27;
	v27 =	vperm.xlane v13, v5  }
0xc0: {  	v29 =	vmul.f32 v29, v31;
	v60 =	vld [tilespmem:s21+$0x2800];
	v10 =	vadd.f32 $0.0e+00, v10;
	v24 =	vadd.f32 v14, v24  }
0xc1: {  	v54 =	vld [tilespmem:s21+$0x2840];
	v18 =	vmul.f32 v18, v11;
	v57 =	vadd.f32 v16, v23;
	v13 =	vadd.f32 v13, v27  }
0xc2: {  	v58 =	vld [tilespmem:s21+$0x2830];
	v11 =	vadd.f32 v29, v26;
	v26 =	vperm.xlane v20, v4;
	v25 =	vperm.xlane v24, v3  }
0xc3: {  	v32 =	vld [tilespmem:s21+$0x10];
	v10 =	vadd.f32 v18, v10;
	v18 =	vadd.f32 $0.0e+00, v21;
	v13 =	vmul.f32 $1.767766920e-01, v13  }
0xc4: {  	v28 =	vld [tilespmem:s21+$0x5010];
	v21 =	vperm.xlane v15, v3;
	v24 =	vadd.f32 v24, v25;
	v25 =	vadd.f32 v20, v26  }
0xc5: {  	v27 =	vld [tilespmem:s21+$0x5030];
	v33 =	vadd.f32 v59, v60;
	v23 =	vperm.xlane v10, v2;
	v13 =	vmul.f32 $1.442695020e+00, v13  }
0xc6: {  	v30 =	vld [tilespmem:s21+$0x5040];
	v18 =	vadd.f32 v19, v18;
	v20 =	vperm.xlane v22, v4;
	v16 =	vperm.xlane v25, v5  }
0xc7: {  	v31 =	vld [tilespmem:s21+$0x5020];
	v21 =	vadd.f32 v15, v21;
	(erf) = vpow2.f32 v13;
	v29 =	vperm.xlane v24, v4  }
0xc8: {  	v19 =	vld [tilespmem:s21+$0x2810];
	v22 =	vadd.f32 v22, v20;
	(erf) = vpow2.f32 v17;
	v25 =	vadd.f32 v25, v16  }
0xc9: {  	v12 =	vld [tilespmem:s21+$0x20];
	(erf) = vpow2.f32 v48;
	v16 =	vadd.f32 v10, v23;
	v10 =	vperm.xlane v18, v2  }
0xca: {  	v14 =	vld [tilespmem:s21+$0x0];
	v17 =	vadd.f32 v27, v58;
	v15 =	vperm.xlane v22, v5;
	v13 =	vmul.f32 $1.767766920e-01, v25  }
0xcb: {  	v20 =	vld [tilespmem:s21+$0x2820];
	v25 =	vadd.f32 v18, v10;
	v10 =	vadd.f32 v30, v54;
	v18 =	vmul.f32 $1.767766920e-01, v57  }
0xcc: {  	v26 =	vperm.xlane v21, v4;
	v27 =	vld [tilespmem:s21+$0x2870];
	v23 =	vadd.f32 v22, v15;
	v15 =	vadd.f32 v24, v29  }
0xcd: {  	v24 =	vadd.f32 v28, v19;
	v29 =	vld [tilespmem:s21+$0x5070];
	v61 =	vmul.f32 v10, v52;
	v63 =	vmul.f32 $1.442695020e+00, v18  }
0xce: {  	v28 =	vld [tilespmem:s21+$0x70];
	v19 =	vadd.f32 v51, v53;
	v30 =	vperm.xlane v25, v3;
	v13 =	vmul.f32 $1.442695020e+00, v13  }
0xcf: {  	s22 =	simm.s32 $0x800;
	v22 =	vld [tilespmem:s21+$0x30];
	v18 =	vperm.xlane v11, v2;
	v10 =	vpop (erf);
	v34 =	vadd.f32 $0.0e+00, v61;
	(erf) = vpow2.f32 v63  }
.LBB2_5:
0xd0: {  	s25 =	sshra.s32 s22, $0x2;
	p1 =	sne.s32 s22, $0x9E00;
	s22 =	sadd.s32 $0x200, s22;
	v20 =	vadd.f32 v31, v20;
	v31 =	vld [tilespmem:s21+$0x60];
	v36 =	vperm.xlane v16, v3;
	v21 =	vadd.f32 v21, v26;
	v26 =	vpop (erf)  }
0xd1: {  	v40 =	vmul.f32 $1.767766920e-01, v23;
	v37 =	vld [tilespmem:s25+$0x50];
	v34 =	vadd.f32 v35, v34;
	v35 =	vperm.xlane v15, v5  }
0xd2: {  	v14 =	vmul.f32 v33, v14;
	v25 =	vadd.f32 v25, v30;
	v26 =	vnsel vm0, $0x0, v26;
	v38 =	vld [tilespmem:s25+$0x5060];
	v30 =	vpop (erf)  }
0xd3: {  	v27 =	vadd.f32 v29, v27;
	v29 =	vmul.f32 $1.442695020e+00, v40;
	v33 =	vld [tilespmem:s25+$0x40];
	v39 =	vperm.xlane v34, v2;
	v23 =	vpop (erf)  }
0xd4: {  	v41 =	vadd.f32 $0.0e+00, v14;
	v14 =	vsel vm1, v26, v30;
	v40 =	vld [tilespmem:s25+$0x2860];
	v24 =	vmul.f32 v24, v32  }
0xd5: {  	v27 =	vmul.f32 v27, v28;
	v10 =	vsel vm2, v14, v10;
	v30 =	vld [tilespmem:s25+$0x5040];
	v26 =	vadd.f32 v34, v39  }
0xd6: {  	v16 =	vadd.f32 v16, v36;
	v17 =	vmul.f32 v17, v22;
	v22 =	vperm.xlane v21, v5;
	v14 =	vld [tilespmem:s25+$0x0]  }
0xd7: {  	v20 =	vmul.f32 v20, v12;
	v23 =	vsel vm3, v10, v23;
	v28 =	vld [tilespmem:s25+$0x2840];
	v32 =	vperm.xlane v26, v3  }
0xd8: {  	v34 =	vperm.xlane v25, v4;
	v21 =	vadd.f32 v21, v22;
	v24 =	vadd.f32 v24, v41;
	v12 =	vld [tilespmem:s25+$0x20];
	v10 =	vpop (erf);
	[tilespmem:s18+$0x7800] =	vst v23;
	s18 =	smov.u32 s19;
	s19 =	smov.u32 s20;
	s20 =	smov.u32 s21  }
0xd9: {  	v20 =	vadd.f32 $0.0e+00, v20;
	v19 =	vmul.f32 v19, v31;
	s21 =	smov.u32 s25;
	v22 =	vld [tilespmem:s25+$0x5050];
	v32 =	vadd.f32 v26, v32  }
0xda: {  	v18 =	vadd.f32 v11, v18;
	v21 =	vmul.f32 $1.767766920e-01, v21;
	v23 =	vadd.f32 v25, v34;
	v11 =	vmovc v24;
	v36 =	vld [tilespmem:s21+$0x2850]  }
0xdb: {  	v17 =	vadd.f32 v17, v20;
	v20 =	vperm.xlane v16, v4;
	v19 =	vadd.f32 $0.0e+00, v19;
	v24 =	vld [tilespmem:s21+$0x5030]  }
0xdc: {  	v35 =	vadd.f32 v15, v35;
	v26 =	vperm.xlane v18, v3;
	v25 =	vperm.xlane v32, v4;
	v34 =	vld [tilespmem:s21+$0x5010]  }
0xdd: {  	v15 =	vadd.f32 v16, v20;
	v31 =	vmul.f32 $1.442695020e+00, v21;
	v16 =	vperm.xlane v23, v5;
	v39 =	vld [tilespmem:s21+$0x2830]  }
0xde: {  	v41 =	vperm.xlane v17, v2;
	v19 =	vadd.f32 v27, v19;
	v21 =	vadd.f32 v18, v26;
	v20 =	vld [tilespmem:s21+$0x2820]  }
0xdf: {  	v27 =	vperm.xlane v15, v5;
	v42 =	vadd.f32 v23, v16;
	v18 =	vld [tilespmem:s21+$0x2810];
	(erf) = vpow2.f32 v31  }
0xe0: {  	v16 =	vadd.f32 v17, v41;
	v17 =	vperm.xlane v19, v2;
	v26 =	vperm.xlane v21, v4;
	v43 =	vld [tilespmem:s21+$0x5000]  }
0xe1: {  	v23 =	vadd.f32 v15, v27;
	v42 =	vmul.f32 $1.767766920e-01, v42;
	v41 =	vld [tilespmem:s21+$0x2800];
	(erf) = vpow2.f32 v29  }
0xe2: {  	v15 =	vadd.f32 v32, v25;
	v25 =	vadd.f32 v19, v17;
	v31 =	vld [tilespmem:s21+$0x5020];
	(erf) = vpow2.f32 v13  }
.Ltmp1:
0xe3: {  	v32 =	vmul.f32 $1.767766920e-01, v35;
	v19 =	vadd.f32 v30, v28;
	v17 =	vadd.f32 v24, v39;
	v27 =	vld [tilespmem:s21+$0x2870];
	(pc) =	sbr.rel @p1 .LBB2_5-.Ltmp1, $4  }
0xe4: {  	v30 =	vperm.xlane v25, v3;
	v13 =	vmul.f32 $1.442695020e+00, v42;
	v24 =	vadd.f32 v34, v18;
	v29 =	vld [tilespmem:s21+$0x5070]  }
0xe5: {  	v35 =	vadd.f32 v22, v36;
	v36 =	vmul.f32 $1.442695020e+00, v32;
	v34 =	vmul.f32 v19, v33;
	v28 =	vld [tilespmem:s21+$0x70]  }
0xe6: {  	v19 =	vadd.f32 v38, v40;
	v18 =	vperm.xlane v11, v2;
	v33 =	vadd.f32 v43, v41;
	v22 =	vld [tilespmem:s21+$0x30]  }
0xe7: {  	v35 =	vmul.f32 v35, v37;
	v34 =	vadd.f32 $0.0e+00, v34;
	v32 =	vld [tilespmem:s21+$0x10];
	(erf) = vpow2.f32 v36  }
0xe8: {  	v20 =	vadd.f32 v31, v20;
	v46 =	vperm.xlane v16, v3;
	v21 =	vadd.f32 v21, v26  }
0xe9: {  	v23 =	vmul.f32 $1.767766920e-01, v23;
	v14 =	vmul.f32 v33, v14;
	v25 =	vadd.f32 v25, v30  }
0xea: {  	v47 =	vld [tilespmem:s21+$0x60];
	v48 =	vperm.xlane v15, v5;
	v11 =	vadd.f32 v11, v18;
	v34 =	vadd.f32 v35, v34  }
0xeb: {  	v27 =	vadd.f32 v29, v27;
	v23 =	vmul.f32 $1.442695020e+00, v23;
	v50 =	vperm.xlane v21, v5  }
0xec: {  	v14 =	vadd.f32 $0.0e+00, v14;
	v12 =	vmul.f32 v20, v12;
	v51 =	vperm.xlane v25, v4  }
0xed: {  	v16 =	vadd.f32 v16, v46;
	v53 =	vperm.xlane v11, v3;
	v35 =	vperm.xlane v34, v2  }
0xee: {  	v15 =	vadd.f32 v15, v48;
	v27 =	vmul.f32 v27, v28;
	v17 =	vmul.f32 v17, v22  }
0xef: {  	v21 =	vadd.f32 v21, v50;
	v12 =	vadd.f32 $0.0e+00, v12;
	v19 =	vmul.f32 v19, v47  }
0xf0: {  	v24 =	vmul.f32 v24, v32;
	v18 =	vadd.f32 v25, v51;
	v11 =	vadd.f32 v11, v53  }
0xf1: {  	v15 =	vmul.f32 $1.767766920e-01, v15;
	v49 =	vadd.f32 v34, v35;
	v19 =	vadd.f32 $0.0e+00, v19  }
0xf2: {  	v14 =	vadd.f32 v24, v14;
	v12 =	vadd.f32 v17, v12;
	v17 =	vperm.xlane v16, v4  }
0xf3: {  	v21 =	vmul.f32 $1.767766920e-01, v21;
	v57 =	vperm.xlane v11, v4;
	v19 =	vadd.f32 v27, v19  }
0xf4: {  	v15 =	vmul.f32 $1.442695020e+00, v15;
	v16 =	vadd.f32 v16, v17;
	v17 =	vperm.xlane v18, v5  }
0xf5: {  	v20 =	vperm.xlane v49, v3;
	v55 =	vperm.xlane v19, v2  }
0xf6: {  	v21 =	vmul.f32 $1.442695020e+00, v21;
	v17 =	vadd.f32 v18, v17;
	v18 =	vperm.xlane v14, v2  }
0xf7: {  	v54 =	vperm.xlane v12, v2;
	v20 =	vadd.f32 v49, v20;
	v19 =	vadd.f32 v19, v55  }
0xf8: {  	v56 =	vperm.xlane v16, v5;
	(erf) = vpow2.f32 v21;
	v14 =	vadd.f32 v14, v18  }
0xf9: {  	v12 =	vadd.f32 v12, v54;
	v52 =	vperm.xlane v20, v4;
	v18 =	vperm.xlane v19, v3  }
0xfa: {  	v11 =	vadd.f32 v11, v57;
	(erf) = vpow2.f32 v23;
	v58 =	vperm.xlane v14, v3  }
0xfb: {  	v17 =	vmul.f32 $1.767766920e-01, v17;
	v59 =	vperm.xlane v12, v3;
	v18 =	vadd.f32 v19, v18  }
0xfc: {  	(erf) = vpow2.f32 v13;
	v13 =	vperm.xlane v11, v5;
	v14 =	vadd.f32 v14, v58  }
0xfd: {  	v16 =	vadd.f32 v16, v56;
	v12 =	vadd.f32 v12, v59;
	v19 =	vperm.xlane v18, v4  }
0xfe: {  	v20 =	vadd.f32 v20, v52;
	v11 =	vadd.f32 v11, v13;
	v13 =	vperm.xlane v14, v4  }
0xff: {  	(erf) = vpow2.f32 v15;
	v15 =	vadd.f32 v18, v19;
	v18 =	vperm.xlane v12, v4  }
0x100: {  	v11 =	vmul.f32 $1.767766920e-01, v11;
	v13 =	vadd.f32 v14, v13;
	v14 =	vmul.f32 $1.767766920e-01, v16  }
0x101: {  	v19 =	vperm.xlane v20, v5;
	v12 =	vadd.f32 v12, v18;
	v16 =	vperm.xlane v15, v5  }
0x102: {  	v11 =	vmul.f32 $1.442695020e+00, v11;
	v18 =	vperm.xlane v13, v5  }
0x103: {  	v19 =	vadd.f32 v20, v19;
	v20 =	vperm.xlane v12, v5;
	v15 =	vadd.f32 v15, v16  }
0x104: {  	(erf) = vpow2.f32 v11;
	v14 =	vmul.f32 $1.442695020e+00, v14;
	v11 =	vadd.f32 v13, v18  }
0x105: {  	v12 =	vadd.f32 v12, v20;
	v13 =	vmul.f32 $1.767766920e-01, v15;
	v15 =	vmul.f32 $1.767766920e-01, v19  }
0x106: {  	v17 =	vmul.f32 $1.442695020e+00, v17;
	v11 =	vmul.f32 $1.767766920e-01, v11  }
0x107: {  	v15 =	vmul.f32 $1.442695020e+00, v15;
	v12 =	vmul.f32 $1.767766920e-01, v12  }
0x108: {  	(erf) = vpow2.f32 v14;
	v14 =	vpop (erf);
	v11 =	vmul.f32 $1.442695020e+00, v11  }
0x109: {  	(erf) = vpow2.f32 v17;
	v16 =	vpop (erf);
	v12 =	vmul.f32 $1.442695020e+00, v12  }
0x10a: {  	v17 =	vpop (erf);
	(erf) = vpow2.f32 v15  }
0x10b: {  	v13 =	vmul.f32 $1.442695020e+00, v13;
	(erf) = vpow2.f32 v11;
	v15 =	vpop (erf)  }
0x10c: {  	(erf) = vpow2.f32 v12;
	v11 =	vpop (erf)  }
0x10d: {  	v12 =	vpop (erf)  }
0x10e: {  	(erf) = vpow2.f32 v13;
	v18 =	vpop (erf)  }
0x10f: {  	v14 =	vnsel vm0, $0x0, v14;
	v13 =	vpop (erf)  }
0x110: {  	v14 =	vsel vm1, v14, v16;
	v19 =	vpop (erf)  }
0x111: {  	v11 =	vnsel vm0, $0x0, v11;
	v20 =	vpop (erf)  }
0x112: {  	v10 =	vsel vm2, v14, v10;
	v11 =	vsel vm1, v11, v12;
	v12 =	vnsel vm0, $0x0, v19;
	v60 =	vpop (erf)  }
0x113: {  	v10 =	vsel vm3, v10, v17;
	v11 =	vsel vm2, v11, v15;
	v12 =	vsel vm1, v12, v20;
	v14 =	vpop (erf)  }
0x114: {  	[tilespmem:s18+$0x7800] =	vst v10;
	v10 =	vsel vm3, v11, v18;
	v11 =	vsel vm2, v12, v13;
	v16 =	vpop (erf)  }
0x115: {  	v15 =	vnsel vm0, $0x0, v16;
	v16 =	vpop (erf)  }
0x116: {  	v12 =	vsel vm1, v15, v16  }
0x117: {  	[tilespmem:s19+$0x7800] =	vst v10;
	v10 =	vsel vm3, v11, v60;
	v11 =	vpop (erf);
	v12 =	vsel vm2, v12, v14  }
0x118: {  	[tilespmem:s20+$0x7800] =	vst v10;
	v10 =	vsel vm3, v12, v11  }
0x119: {  	[tilespmem:s21+$0x7800] =	vst v10  }
0x11a: {  	[tilespmem:s30], [sflag:$0x1] =	stream.indirect.gather [hbm4b:s6+s28], $0x80, s29, s28, $0xb8;
	[tilespmem:$0x1DA80] =	vst v63  }
0x11b: {  	_ =	swait.ge [sflag:s0], $0x2800  }
0x11c: {  	[sflag:s0] =	ssyncset.done $0x0  }
0x11d: {  	s18 =	simm.s32 $0x0;
	[sflag:s0] =	ssyncadd.s32 $0xFFFFD800  }
0x11e: {  	v12 =	vld [tilespmem:s18+$0x7800]  }
0x11f: {  	v11 =	vld [tilespmem:s18+$0x2870]  }
0x120: {  	v13 =	vld [tilespmem:s18+$0x5070]  }
0x121: {  	v14 =	vld [tilespmem:s18+$0x2800]  }
0x122: {  	v15 =	vld [tilespmem:s18+$0x5000]  }
0x123: {  	v16 =	vld [tilespmem:s18+$0x2810]  }
0x124: {  	v17 =	vld [tilespmem:s18+$0x5010]  }
0x125: {  	v18 =	vld [tilespmem:s18+$0x2820]  }
0x126: {  	v19 =	vld [tilespmem:s18+$0x5020];
	v10 =	vperm.xlane v12, v9;
	v11 =	vadd.f32 v13, v11  }
0x127: {  	v20 =	vld [tilespmem:s18+$0x2830]  }
0x128: {  	v14 =	vadd.f32 v15, v14;
	v15 =	vld [tilespmem:s18+$0x5030];
	v11 =	vmul.f32 v11, v10  }
0x129: {  	v61 =	vld [tilespmem:s18+$0x2840];
	v13 =	vperm.xlane v12, v6  }
0x12a: {  	v62 =	vld [tilespmem:s18+$0x5040];
	[tilespmem:s18+$0x70] =	vst v11;
	v11 =	vadd.f32 v17, v16  }
0x12b: {  	v63 =	vperm.xlane v12, v7;
	v14 =	vmul.f32 v14, v13;
	v16 =	vld [tilespmem:s18+$0x5050];
	v17 =	vadd.f32 v19, v18  }
0x12c: {  	v11 =	vmul.f32 v11, v13;
	v13 =	vld [tilespmem:s18+$0x2850]  }
0x12d: {  	[tilespmem:s18+$0x0] =	vst v14;
	v14 =	vld [tilespmem:s18+$0x2860];
	v15 =	vadd.f32 v15, v20;
	v18 =	vmul.f32 v17, v63  }
0x12e: {  	s19 =	simm.s32 $0x80;
	v17 =	vld [tilespmem:s18+$0x5060];
	[tilespmem:s18+$0x10] =	vst v11  }
0x12f: {  	v12 =	vperm.xlane v12, v8;
	v19 =	vadd.f32 v62, v61;
	v11 =	vld [tilespmem:s19+$0x7800];
	[tilespmem:s18+$0x20] =	vst v18;
	v18 =	vmul.f32 v15, v63  }
0x130: {  	s20 =	simm.s32 $0x400;
	v15 =	vld [tilespmem:s19+$0x2870]  }
.LBB2_7:
0x131: {  	p1 =	sne.s32 s20, $0x9E00;
	v20 =	vld [tilespmem:s19+$0x5070];
	[tilespmem:s18+$0x30] =	vst v18;
	v18 =	vmul.f32 v19, v12;
	v13 =	vadd.f32 v16, v13  }
0x132: {  	v16 =	vld [tilespmem:s19+$0x2800]  }
0x133: {  	v19 =	vld [tilespmem:s19+$0x5000];
	[tilespmem:s18+$0x40] =	vst v18;
	v13 =	vmul.f32 v13, v12;
	v14 =	vadd.f32 v17, v14  }
0x134: {  	v17 =	vperm.xlane v11, v6;
	v18 =	vld [tilespmem:s19+$0x2810];
	v21 =	vperm.xlane v11, v7  }
0x135: {  	v12 =	vperm.xlane v11, v8;
	v22 =	vld [tilespmem:s19+$0x5010];
	[tilespmem:s18+$0x50] =	vst v13;
	v13 =	vmul.f32 v14, v10  }
0x136: {  	v10 =	vperm.xlane v11, v9;
	v14 =	vld [tilespmem:s19+$0x2820];
	v11 =	vadd.f32 v20, v15  }
0x137: {  	v15 =	vld [tilespmem:s19+$0x5020];
	[tilespmem:s18+$0x60] =	vst v13;
	s18 =	smov.u32 s19  }
0x138: {  	v13 =	vadd.f32 v19, v16;
	v19 =	vld [tilespmem:s18+$0x2830];
	v11 =	vmul.f32 v11, v10  }
0x139: {  	v20 =	vld [tilespmem:s18+$0x5030]  }
0x13a: {  	v13 =	vmul.f32 v13, v17;
	v16 =	vadd.f32 v22, v18;
	v22 =	vld [tilespmem:s18+$0x2840];
	[tilespmem:s18+$0x70] =	vst v11  }
0x13b: {  	v23 =	vld [tilespmem:s18+$0x5040]  }
0x13c: {  	[tilespmem:s18+$0x0] =	vst v13;
	v11 =	vmul.f32 v16, v17;
	v14 =	vadd.f32 v15, v14;
	v13 =	vld [tilespmem:s18+$0x2850]  }
.Ltmp2:
0x13d: {  	v16 =	vld [tilespmem:s18+$0x5050];
	(pc) =	sbr.rel @p1 .LBB2_7-.Ltmp2, $4  }
0x13e: {  	[tilespmem:s18+$0x10] =	vst v11;
	v15 =	vmul.f32 v14, v21;
	v18 =	vadd.f32 v20, v19;
	v14 =	vld [tilespmem:s18+$0x2860]  }
0x13f: {  	s19 =	sshra.s32 s20, $0x2;
	v17 =	vld [tilespmem:s18+$0x5060]  }
0x140: {  	v11 =	vld [tilespmem:s19+$0x7800];
	[tilespmem:s18+$0x20] =	vst v15;
	v18 =	vmul.f32 v18, v21;
	v19 =	vadd.f32 v23, v22  }
0x141: {  	s20 =	sadd.s32 $0x200, s20;
	v15 =	vld [tilespmem:s19+$0x2870]  }
0x142: {  	v20 =	vld [tilespmem:s19+$0x5070];
	[tilespmem:s18+$0x30] =	vst v18;
	v46 =	vmul.f32 v19, v12;
	v13 =	vadd.f32 v16, v13  }
0x143: {  	v47 =	vld [tilespmem:s19+$0x2800]  }
0x144: {  	v48 =	vld [tilespmem:s19+$0x5000];
	[tilespmem:s18+$0x40] =	vst v46;
	v49 =	vmul.f32 v13, v12;
	v14 =	vadd.f32 v17, v14  }
0x145: {  	v50 =	vld [tilespmem:s19+$0x2810]  }
0x146: {  	v51 =	vld [tilespmem:s19+$0x5010];
	[tilespmem:s18+$0x50] =	vst v49;
	v10 =	vmul.f32 v14, v10  }
0x147: {  	v12 =	vld [tilespmem:s19+$0x2820]  }
0x148: {  	v52 =	vld [tilespmem:s19+$0x5020];
	[tilespmem:s18+$0x60] =	vst v10  }
0x149: {  	v10 =	vld [tilespmem:s19+$0x2830]  }
0x14a: {  	v55 =	vld [tilespmem:s19+$0x5030]  }
0x14b: {  	v21 =	vld [tilespmem:s19+$0x2840]  }
0x14c: {  	v56 =	vld [tilespmem:s19+$0x5040]  }
0x14d: {  	v57 =	vld [tilespmem:s19+$0x2850]  }
0x14e: {  	v53 =	vperm.xlane v11, v9;
	v15 =	vadd.f32 v20, v15;
	v58 =	vld [tilespmem:s19+$0x5050]  }
0x14f: {  	v54 =	vperm.xlane v11, v6;
	v16 =	vadd.f32 v48, v47;
	v59 =	vld [tilespmem:s19+$0x2860]  }
0x150: {  	v15 =	vmul.f32 v15, v53;
	v60 =	vld [tilespmem:s19+$0x5060];
	v13 =	vadd.f32 v51, v50  }
0x151: {  	v22 =	vperm.xlane v11, v7;
	v16 =	vmul.f32 v16, v54;
	v12 =	vadd.f32 v52, v12  }
0x152: {  	[tilespmem:s19+$0x70] =	vst v15;
	v13 =	vmul.f32 v13, v54;
	v10 =	vadd.f32 v55, v10  }
0x153: {  	v11 =	vperm.xlane v11, v8;
	[tilespmem:s19+$0x0] =	vst v16;
	v12 =	vmul.f32 v12, v22;
	v61 =	vadd.f32 v56, v21  }
0x154: {  	[tilespmem:s19+$0x10] =	vst v13;
	v62 =	vadd.f32 v58, v57;
	v10 =	vmul.f32 v10, v22  }
0x155: {  	v13 =	vadd.f32 v60, v59;
	[tilespmem:s19+$0x20] =	vst v12;
	v63 =	vmul.f32 v61, v11  }
0x156: {  	[tilespmem:s19+$0x30] =	vst v10;
	v10 =	vmul.f32 v62, v11  }
0x157: {  	[tilespmem:s19+$0x40] =	vst v63;
	v11 =	vmul.f32 v13, v53  }
0x158: {  	[tilespmem:s19+$0x50] =	vst v10  }
0x159: {  	[tilespmem:s19+$0x60] =	vst v11  }
0x15a: {  	[spmem:s1] =	stream.indirect.scatter.add.f32 [tilespmem:s2], [sflag:$0x2], $0x80, s3, s28, $0xb8;
	[tilespmem:$0x1DA80] =	vst v63  }
0x15b: {  	s16 =	sadd.s32 $0x1, s16;
	_ =	swait.ge [sflag:s23], $0x2800  }
0x15c: {  	p1 =	sne.s32 s16, $0x7D;
	[sflag:s23] =	ssyncset.done $0x0  }
.Ltmp3:
0x15d: {  	s17 =	sadd.s32 s10, s17;
	[sflag:s23] =	ssyncadd.s32 $0xFFFFD800;
	(pc) =	sbr.rel @p1 .LBB2_4-.Ltmp3, $4  }
0x15e: {  	[hbm4b:s17+s2] =	stream.linear.scatter [tilespmem:s13], [sflag:$0x2], $0x2800, $0x38;
	[tilespmem:$0x1DA80] =	vst v63  }
0x15f: {  	_ =	swait.ge [sflag:s23], $0x2800  }
0x160: {  	[sflag:s23] =	ssyncset.done $0x0  }
0x161: {  	[sflag:s23] =	ssyncadd.s32 $0xFFFFD800  }
0x162: {  	[bflag:$0x0] =	sbarrier.arrive $0xFFFF  }
0x163: {  	s16 =	rddreg [dreg:$0x4]  }
0x164: {  	s15 =	simm.s32 @p0 $0x1FC2;
	s17 =	rddreg [dreg:$0xd]  }
0x165: {  	[hbm:s16], [sflag:s15] =	dma.local @p0 [spmem:s17], $0x2800  }
0x166: {  	s15 =	simm.s32 @p0 $0x2  }
0x167: {  	s16 =	stileid.u32;
	_ =	swait.ge @p0 [sflag:s15], $0x2800  }
0x168: {  	s16 =	sshll.u32 @!p0 s16, $0x6;
	[sflag:s15] =	ssyncset.done @p0 $0x0;
	s17 =	rddreg [dreg:$0x3]  }
0x169: {  	[sflag:s15] =	ssyncadd.s32 @p0 $0xFFFFD800;
	s15 =	sor.u32 @!p0 $0x1C02, s16;
	s16 =	sshrl.u32 @!p0 s12, $0x3  }
0x16a: {  	[hbm:s17], [sflag:s15] =	dma.local @!p0 [spmem:s16], $0x2700  }
0x16b: {  	s15 =	simm.s32 @!p0 $0x2  }
0x16c: {  	_ =	swait.ge @!p0 [sflag:s15], $0x2700  }
0x16d: {  	s14 =	sadd.s32 $0x1, s14;
	s25 =	rddreg [dreg:$0x5]  }
0x16e: {  	p1 =	sne.s32 s14, s25  }
.Ltmp4:
0x16f: {  	_ = 	snop;
	(pc) =	sbr.rel @p1 .LBB2_1-.Ltmp4, $3  }
0x170: {  	_ =	sdelay $0x1  }
0x171: {  	[sflag:s15] =	ssyncset.done @!p0 $0x0  }
0x172: {  	[sflag:s15] =	ssyncadd.s32 @!p0 $0xFFFFD900  }
0x173: {  	_ =	sfence.sel $0x180000  }
0x174: {  	[bflag:$0x0] =	sbarrier.arrive $0xFFFF  }
0x175: {  	_ =	strace $0x90000047  }
0x176: {  	s0 =	stileid.u32;
	[bflag:$0x2] =	sbarrier.arrive $0xFFFF  }
0x177: {  	p0 =	sne.s32 s0, $0x0;
	s0 =	rddreg [dreg:$0x2]  }
0x178: {  	s0 =	sadd.s32 @!p0 $0x100000, s0  }
0x179: {  	[sflag:s0] =	ssyncadd.tile.s32 @!p0 $0x1;
	_ =	shalt  }
.Lfunc_end2:
_tile_overlayer_lowered:
.L_overlay_start_2:
0x17a: {  	(tag) =	ssettag $0x2  }
0x17b: {  	s0 =	rddreg [dreg:$0x0];
	s2 =	stileid.u32  }
0x17c: {  	s1 =	rddreg [dreg:$0x1];
	p0 =	sne.s32 s2, $0x0  }
0x17d: {  	s3 =	rddreg [dreg:$0x2];
	[bflag:$0x3] =	sbarrier.arrive $0xFFFF;
	s2 =	simm.s32 @!p0 $0x1C02  }
0x17e: {  	[timem:s3], [sflag:s2] =	dma.local @!p0 [hbm:s0], s1  }
0x17f: {  	s0 =	simm.s32 @!p0 $0x2  }
0x180: {  	_ =	swait.ge @!p0 [sflag:s0], s1  }
0x181: {  	s1 =	ssub.s32 @!p0 $0x0, s1;
	[sflag:s0] =	ssyncset.done @!p0 $0x0  }
0x182: {  	[sflag:s0] =	ssyncadd.s32 @!p0 s1  }
0x183: {  	[bflag:$0x3] =	sbarrier.arrive $0xFFFF  }
0x184: {  	_ =	shalt  }

</sc_bundles>
